<compile_context>
chip_gen: v7x
topology: tpu7x:2x2x1
jax: 0.10.2.dev20260603
libtpu: 0.0.44.dev20260713+nightly
codegen_flags: <defaults>
</compile_context>

<pallas_src>
import functools

import jax
import jax.numpy as jnp
from jax import lax
from jax.experimental import pallas as pl
from jax.experimental.pallas import tpu as pltpu
from jax.experimental.pallas import tpu_sc as plsc

N_NODES = 100000
D = 128
E = 250000

NUM_WORKERS = 32
W = 64
B_FAST = 302
B_SLOW = 190
FAST_CORE = 0
CH_F = W * B_FAST
CH_S = W * B_SLOW
B_PAD = 16 * CH_F + 16 * CH_S + (CH_F - CH_S)


def _sc_score(src_idx, dst_idx, emb_user, emb_item, rel):
    mesh = plsc.VectorSubcoreMesh(core_axis_name="c", subcore_axis_name="s")

    @functools.partial(
        pl.kernel,
        mesh=mesh,
        out_type=jax.ShapeDtypeStruct((B_PAD,), jnp.float32),
        scratch_types=[
            pltpu.VMEM((CH_F,), jnp.int32),
            pltpu.VMEM((CH_F,), jnp.int32),
            pltpu.VMEM((W, D), jnp.float32),
            pltpu.VMEM((W, D), jnp.float32),
            pltpu.VMEM((W, D), jnp.float32),
            pltpu.VMEM((W, D), jnp.float32),
            pltpu.VMEM((CH_F,), jnp.float32),
            pltpu.VMEM((D,), jnp.float32),
            pltpu.VMEM((16, 16), jnp.float32),
            pltpu.SemaphoreType.DMA,
            pltpu.SemaphoreType.DMA,
        ],
        compiler_params=pltpu.CompilerParams(needs_layout_passes=False),
    )
    def scorer(src_h, dst_h, user_h, item_h, rel_h, out_h,
               src_v, dst_v, u0, i0, u1, i1, out_v, rel_v, tbuf,
               sem0, sem1):
        cidx = lax.axis_index("c")
        sidx = lax.axis_index("s")
        is_fast = cidx == FAST_CORE
        nblk = jnp.where(is_fast, B_FAST, B_SLOW)
        base = jnp.where(is_fast, sidx * CH_F, 16 * CH_F + sidx * CH_S)
        pltpu.sync_copy(src_h.at[pl.ds(base, CH_F)], src_v)
        pltpu.sync_copy(dst_h.at[pl.ds(base, CH_F)], dst_v)
        pltpu.sync_copy(rel_h, rel_v)
        row_iota = lax.iota(jnp.int32, 16)

        def copies(b, u, i, sem):
            eb = b * W
            return (
                pltpu.make_async_copy(
                    user_h.at[src_v.at[pl.ds(eb, W)]], u, sem),
                pltpu.make_async_copy(
                    item_h.at[dst_v.at[pl.ds(eb, W)]], i, sem),
            )

        def start_pair(b, u, i, sem):
            for c in copies(b, u, i, sem):
                c.start()

        def wait_pair(b, u, i, sem):
            for c in copies(b, u, i, sem):
                c.wait()

        def compute(b, u, i):
            eb = b * W

            def group(g, carry):
                ebase = g * 16

                def chunk(j, accs):
                    kvj = rel_v[pl.ds(j * 16, 16)]
                    return [
                        accs[e_off]
                        + (u[ebase + e_off, pl.ds(j * 16, 16)]
                           * i[ebase + e_off, pl.ds(j * 16, 16)]) * kvj
                        for e_off in range(16)
                    ]

                zero = jnp.zeros((16,), jnp.float32)
                accs = lax.fori_loop(0, D // 16, chunk, [zero] * 16)
                for e_off in range(16):
                    tbuf[e_off, :] = accs[e_off]
                col_sum = plsc.load_gather(
                    tbuf, [row_iota, jnp.zeros((16,), jnp.int32)])
                for c in range(1, 16):
                    col_sum = col_sum + plsc.load_gather(
                        tbuf, [row_iota, jnp.full((16,), c, jnp.int32)])
                out_v[pl.ds(eb + ebase, 16)] = col_sum
                return carry

            lax.fori_loop(0, W // 16, group, 0)

        start_pair(0, u0, i0, sem0)

        def block_pair(ib, carry):
            b0 = 2 * ib
            b1 = b0 + 1
            wait_pair(b0, u0, i0, sem0)
            start_pair(b1, u1, i1, sem1)
            compute(b0, u0, i0)
            wait_pair(b1, u1, i1, sem1)
            start_pair(jnp.minimum(b1 + 1, nblk - 1), u0, i0, sem0)
            compute(b1, u1, i1)
            return carry

        lax.fori_loop(0, nblk // 2, block_pair, 0)
        wait_pair(nblk - 1, u0, i0, sem0)
        pltpu.sync_copy(out_v.at[pl.ds(0, CH_S)],
                        out_h.at[pl.ds(base, CH_S)])

        @pl.when(is_fast)
        def _():
            pltpu.sync_copy(out_v.at[pl.ds(CH_S, CH_F - CH_S)],
                            out_h.at[pl.ds(base + CH_S, CH_F - CH_S)])

    return scorer(src_idx, dst_idx, emb_user, emb_item, rel)


def kernel(edge_pos, edge_neg, emb_user, emb_item, relation_embedding):
    src = jnp.concatenate([edge_pos[0], edge_neg[0]])
    dst = jnp.concatenate([edge_pos[1], edge_neg[1]])
    pad = B_PAD - 2 * E
    src = jnp.pad(src, (0, pad))
    dst = jnp.pad(dst, (0, pad))
    rel = relation_embedding.reshape(D)
    scores = _sc_score(src, dst, emb_user, emb_item, rel)
    return scores[:E], scores[E:2 * E]

# --- scband reference (transcript-rebuilt; emitter-appended) ---
"""Pipeline reference for scband-dist-multi-58471684767977 (READ-ONLY COPY).

The authoritative reference and input builder live on the scoring server;
editing this copy changes nothing except your own understanding.
"""

import jax, jax.numpy as jnp
import numpy as np

N_NODES = 100000
D = 128
E = 250000

def setup_inputs(seed: int = 0) -> dict:
    key = jax.random.key(seed)
    k1, k2, k3, k4, k5 = jax.random.split(key, 5)
    edge_pos = jax.random.randint(k1, (2, E), 0, N_NODES, dtype=jnp.int32)
    edge_neg = jax.random.randint(k2, (2, E), 0, N_NODES, dtype=jnp.int32)
    emb_user = jax.random.normal(k3, (N_NODES, D), dtype=jnp.float32)
    emb_item = jax.random.normal(k4, (N_NODES, D), dtype=jnp.float32)
    # relation embedding parameter: uniform(-1, 1), one metapath
    relation_embedding = jax.random.uniform(k5, (1, D), dtype=jnp.float32, minval=-1.0, maxval=1.0)
    return {
        "edge_pos": edge_pos,
        "edge_neg": edge_neg,
        "emb_user": emb_user,
        "emb_item": emb_item,
        "relation_embedding": relation_embedding,
    }


def reference(edge_pos, edge_neg, emb_user, emb_item, relation_embedding):
    # DistMult 'single' mode scoring for one metapath (user, interacts, item).
    # torch: emb_A = emb[src][e0].unsqueeze(1); side_B = (kernel*emb[dst])[e1].unsqueeze(2)
    #        score = bmm(emb_A, side_B).sum(-1).sum(1)  ==  sum(emb_A * kernel * emb_B, -1)
    kernel = relation_embedding[0]

    def score(edge_index):
        emb_A = jnp.take(emb_user, edge_index[0], axis=0)          # [E, D] gather
        side_B = jnp.take(kernel * emb_item, edge_index[1], axis=0)  # [E, D] gather
        return jnp.sum(emb_A * side_B, axis=-1)                     # [E]

    score_pos = score(edge_pos)
    score_neg = score(edge_neg)
    return (score_pos, score_neg)

if __name__ == "__main__":
    import jax
    _d = setup_inputs()
    print(jax.jit(kernel)(*tuple(_d.values())))

</pallas_src>

<mosaic_0001>
#map = affine_map<(d0, d1) -> (0)>
#map1 = affine_map<(d0, d1) -> (0, 0)>
module attributes {stable_mosaic.version = 14 : i64} {
  func.func @scorer(%arg0: i32, %arg1: i32, %arg2: memref<510976xi32, #tpu.memory_space<hbm>>, %arg3: memref<510976xi32, #tpu.memory_space<hbm>>, %arg4: memref<100000x128xf32, #tpu.memory_space<hbm>>, %arg5: memref<100000x128xf32, #tpu.memory_space<hbm>>, %arg6: memref<128xf32, #tpu.memory_space<hbm>>, %arg7: memref<510976xf32, #tpu.memory_space<hbm>>, %arg8: memref<19328xi32, #tpu.memory_space<vmem>>, %arg9: memref<19328xi32, #tpu.memory_space<vmem>>, %arg10: memref<64x128xf32, #tpu.memory_space<vmem>>, %arg11: memref<64x128xf32, #tpu.memory_space<vmem>>, %arg12: memref<64x128xf32, #tpu.memory_space<vmem>>, %arg13: memref<64x128xf32, #tpu.memory_space<vmem>>, %arg14: memref<19328xf32, #tpu.memory_space<vmem>>, %arg15: memref<128xf32, #tpu.memory_space<vmem>>, %arg16: memref<16x16xf32, #tpu.memory_space<vmem>>, %arg17: memref<!tpu.dma_semaphore, #tpu.memory_space<semaphore_mem>>, %arg18: memref<!tpu.dma_semaphore, #tpu.memory_space<semaphore_mem>>) attributes {dimension_semantics = [#tpu.dimension_semantics<core_parallel>, #tpu.dimension_semantics<subcore_parallel>], iteration_bounds = array<i64: 2, 16>, scalar_prefetch = 0 : i64, scratch_operands = 11 : i64, tpu.core_type = #tpu.core_type<sc_vector_subcore>, window_params = [{transform_indices = #map}, {transform_indices = #map}, {transform_indices = #map1}, {transform_indices = #map1}, {transform_indices = #map}, {transform_indices = #map}]} {
    %eq3A = arith.constant 0 : i32
    %eq3A_0 = arith.cmpi eq, %arg0, %eq3A : i32
    %jit3A = arith.constant 302 : i32
    %jit3A_1 = arith.constant 190 : i32
    %select_n3A = arith.select %eq3A_0, %jit3A, %jit3A_1 : i32
    %mul3A = arith.constant 19328 : i32
    %mul3A_2 = arith.muli %arg1, %mul3A : i32
    %mul3A_3 = arith.constant 12160 : i32
    %mul3A_4 = arith.muli %arg1, %mul3A_3 : i32
    %add3A = arith.constant 309248 : i32
    %add3A_5 = arith.addi %add3A, %mul3A_4 : i32
    %select_n3A_6 = arith.select %eq3A_0, %mul3A_2, %add3A_5 : i32
    "tpu.region"() ({
      %run_scoped3A = tpu.sem_alloc : memref<!tpu.dma_semaphore, #tpu.memory_space<semaphore_mem>>
      %dma_start3A_55 = tpu.memref_slice %arg2[%select_n3A_6] : memref<510976xi32, #tpu.memory_space<hbm>> -> memref<19328xi32, #tpu.memory_space<hbm>>
      %dma_start3A_56 = tpu.memref_slice %arg2[%select_n3A_6] : memref<510976xi32, #tpu.memory_space<hbm>> -> memref<19328xi32, #tpu.memory_space<hbm>>
      tpu.enqueue_dma source(%dma_start3A_56 : memref<19328xi32, #tpu.memory_space<hbm>>) target(%arg8 : memref<19328xi32, #tpu.memory_space<vmem>>) target_semaphore(%run_scoped3A : memref<!tpu.dma_semaphore, #tpu.memory_space<semaphore_mem>>)
      %dma_wait3A_57 = tpu.memref_slice %arg2[%select_n3A_6] : memref<510976xi32, #tpu.memory_space<hbm>> -> memref<19328xi32, #tpu.memory_space<hbm>>
      %dma_wait3A_58 = tpu.memref_slice %arg2[%select_n3A_6] : memref<510976xi32, #tpu.memory_space<hbm>> -> memref<19328xi32, #tpu.memory_space<hbm>>
      tpu.wait_dma2 semaphore(%run_scoped3A : memref<!tpu.dma_semaphore, #tpu.memory_space<semaphore_mem>>) src(%dma_wait3A_58 : memref<19328xi32, #tpu.memory_space<hbm>>) dst(%arg8 : memref<19328xi32, #tpu.memory_space<vmem>>)
      tpu.yield
    }) : () -> ()
    "tpu.region"() ({
      %run_scoped3A = tpu.sem_alloc : memref<!tpu.dma_semaphore, #tpu.memory_space<semaphore_mem>>
      %dma_start3A_55 = tpu.memref_slice %arg3[%select_n3A_6] : memref<510976xi32, #tpu.memory_space<hbm>> -> memref<19328xi32, #tpu.memory_space<hbm>>
      %dma_start3A_56 = tpu.memref_slice %arg3[%select_n3A_6] : memref<510976xi32, #tpu.memory_space<hbm>> -> memref<19328xi32, #tpu.memory_space<hbm>>
      tpu.enqueue_dma source(%dma_start3A_56 : memref<19328xi32, #tpu.memory_space<hbm>>) target(%arg9 : memref<19328xi32, #tpu.memory_space<vmem>>) target_semaphore(%run_scoped3A : memref<!tpu.dma_semaphore, #tpu.memory_space<semaphore_mem>>)
      %dma_wait3A_57 = tpu.memref_slice %arg3[%select_n3A_6] : memref<510976xi32, #tpu.memory_space<hbm>> -> memref<19328xi32, #tpu.memory_space<hbm>>
      %dma_wait3A_58 = tpu.memref_slice %arg3[%select_n3A_6] : memref<510976xi32, #tpu.memory_space<hbm>> -> memref<19328xi32, #tpu.memory_space<hbm>>
      tpu.wait_dma2 semaphore(%run_scoped3A : memref<!tpu.dma_semaphore, #tpu.memory_space<semaphore_mem>>) src(%dma_wait3A_58 : memref<19328xi32, #tpu.memory_space<hbm>>) dst(%arg9 : memref<19328xi32, #tpu.memory_space<vmem>>)
      tpu.yield
    }) : () -> ()
    "tpu.region"() ({
      %run_scoped3A = tpu.sem_alloc : memref<!tpu.dma_semaphore, #tpu.memory_space<semaphore_mem>>
      tpu.enqueue_dma source(%arg6 : memref<128xf32, #tpu.memory_space<hbm>>) target(%arg15 : memref<128xf32, #tpu.memory_space<vmem>>) target_semaphore(%run_scoped3A : memref<!tpu.dma_semaphore, #tpu.memory_space<semaphore_mem>>)
      tpu.wait_dma2 semaphore(%run_scoped3A : memref<!tpu.dma_semaphore, #tpu.memory_space<semaphore_mem>>) src(%arg6 : memref<128xf32, #tpu.memory_space<hbm>>) dst(%arg15 : memref<128xf32, #tpu.memory_space<vmem>>)
      tpu.yield
    }) : () -> ()
    %iota3A = tpu.iota {dimensions = array<i32: 0>} : vector<16xi32>
    %dma_start3A = arith.constant 0 : i32
    %dma_start3A_7 = tpu.memref_slice %arg8[%dma_start3A] : memref<19328xi32, #tpu.memory_space<vmem>> -> memref<64xi32, #tpu.memory_space<vmem>>
    %dma_start3A_8 = arith.constant 0 : i32
    %dma_start3A_9 = arith.constant 0 : i32
    %dma_start3A_10 = tpu.memref_slice %arg4[%dma_start3A_8, %dma_start3A_9] : memref<100000x128xf32, #tpu.memory_space<hbm>> -> memref<100000x128xf32, #tpu.memory_space<hbm>>
    tpu.enqueue_indirect_dma source(%dma_start3A_10 : memref<100000x128xf32, #tpu.memory_space<hbm>>) target(%arg10 : memref<64x128xf32, #tpu.memory_space<vmem>>) offsets(%dma_start3A_7 : memref<64xi32, #tpu.memory_space<vmem>>) semaphore(%arg17 : memref<!tpu.dma_semaphore, #tpu.memory_space<semaphore_mem>>)
    %dma_start3A_11 = arith.constant 0 : i32
    %dma_start3A_12 = tpu.memref_slice %arg9[%dma_start3A_11] : memref<19328xi32, #tpu.memory_space<vmem>> -> memref<64xi32, #tpu.memory_space<vmem>>
    %dma_start3A_13 = arith.constant 0 : i32
    %dma_start3A_14 = arith.constant 0 : i32
    %dma_start3A_15 = tpu.memref_slice %arg5[%dma_start3A_13, %dma_start3A_14] : memref<100000x128xf32, #tpu.memory_space<hbm>> -> memref<100000x128xf32, #tpu.memory_space<hbm>>
    tpu.enqueue_indirect_dma source(%dma_start3A_15 : memref<100000x128xf32, #tpu.memory_space<hbm>>) target(%arg11 : memref<64x128xf32, #tpu.memory_space<vmem>>) offsets(%dma_start3A_12 : memref<64xi32, #tpu.memory_space<vmem>>) semaphore(%arg17 : memref<!tpu.dma_semaphore, #tpu.memory_space<semaphore_mem>>)
    %jit3A_16 = arith.constant 2 : i32
    %div3A = arith.divsi %select_n3A, %jit3A_16 : i32
    %sign3A = arith.constant 0 : i32
    %sign3A_17 = arith.cmpi sgt, %select_n3A, %sign3A : i32
    %sign3A_18 = arith.extui %sign3A_17 : i1 to i32
    %sign3A_19 = arith.constant 0 : i32
    %sign3A_20 = arith.cmpi slt, %select_n3A, %sign3A_19 : i32
    %sign3A_21 = arith.extui %sign3A_20 : i1 to i32
    %sign3A_22 = arith.subi %sign3A_18, %sign3A_21 : i32
    %sign3A_23 = arith.constant 0 : i32
    %sign3A_24 = arith.cmpi sgt, %jit3A_16, %sign3A_23 : i32
    %sign3A_25 = arith.extui %sign3A_24 : i1 to i32
    %sign3A_26 = arith.constant 0 : i32
    %sign3A_27 = arith.cmpi slt, %jit3A_16, %sign3A_26 : i32
    %sign3A_28 = arith.extui %sign3A_27 : i1 to i32
    %sign3A_29 = arith.subi %sign3A_25, %sign3A_28 : i32
    %ne3A = arith.cmpi ne, %sign3A_22, %sign3A_29 : i32
    %rem3A = arith.remsi %select_n3A, %jit3A_16 : i32
    %ne3A_30 = arith.constant 0 : i32
    %ne3A_31 = arith.cmpi ne, %rem3A, %ne3A_30 : i32
    %and3A = arith.andi %ne3A, %ne3A_31 : i1
    %sub3A = arith.constant 1 : i32
    %sub3A_32 = arith.subi %div3A, %sub3A : i32
    %select_n3A_33 = arith.select %and3A, %sub3A_32, %div3A : i32
    %while3A = arith.constant 0 : i32
    %while3A_34 = arith.constant 0 : i32
    %while3A_35 = arith.subi %select_n3A_33, %while3A_34 : i32
    %while3A_36 = arith.addi %while3A_34, %while3A_35 : i32
    %while3A_37 = arith.constant 1 : i32
    %while3A_38 = arith.divsi %while3A_35, %while3A_37 : i32
    %while3A_39 = arith.muli %while3A_38, %while3A_37 : i32
    %while3A_40 = arith.addi %while3A_34, %while3A_39 : i32
    %while3A_41 = arith.constant 1 : i32
    scf.for %while3A_55 = %while3A_34 to %while3A_40 step %while3A_41  : i32 {
      %mul3A_56 = arith.constant 2 : i32
      %mul3A_57 = arith.muli %mul3A_56, %while3A_55 : i32
      %add3A_58 = arith.constant 1 : i32
      %add3A_59 = arith.addi %mul3A_57, %add3A_58 : i32
      %mul3A_60 = arith.constant 64 : i32
      %mul3A_61 = arith.muli %mul3A_57, %mul3A_60 : i32
      %dma_wait3A_62 = tpu.memref_slice %arg8[%mul3A_61] : memref<19328xi32, #tpu.memory_space<vmem>> -> memref<64xi32, #tpu.memory_space<vmem>>
      %dma_wait3A_63 = arith.constant 0 : i32
      %dma_wait3A_64 = arith.constant 0 : i32
      %dma_wait3A_65 = tpu.memref_slice %arg4[%dma_wait3A_63, %dma_wait3A_64] : memref<100000x128xf32, #tpu.memory_space<hbm>> -> memref<100000x128xf32, #tpu.memory_space<hbm>>
      tpu.wait_indirect_dma semaphore(%arg17 : memref<!tpu.dma_semaphore, #tpu.memory_space<semaphore_mem>>) src(%dma_wait3A_65 : memref<100000x128xf32, #tpu.memory_space<hbm>>) dst(%arg10 : memref<64x128xf32, #tpu.memory_space<vmem>>)
      %dma_wait3A_66 = tpu.memref_slice %arg9[%mul3A_61] : memref<19328xi32, #tpu.memory_space<vmem>> -> memref<64xi32, #tpu.memory_space<vmem>>
      %dma_wait3A_67 = arith.constant 0 : i32
      %dma_wait3A_68 = arith.constant 0 : i32
      %dma_wait3A_69 = tpu.memref_slice %arg5[%dma_wait3A_67, %dma_wait3A_68] : memref<100000x128xf32, #tpu.memory_space<hbm>> -> memref<100000x128xf32, #tpu.memory_space<hbm>>
      tpu.wait_indirect_dma semaphore(%arg17 : memref<!tpu.dma_semaphore, #tpu.memory_space<semaphore_mem>>) src(%dma_wait3A_69 : memref<100000x128xf32, #tpu.memory_space<hbm>>) dst(%arg11 : memref<64x128xf32, #tpu.memory_space<vmem>>)
      %mul3A_70 = arith.constant 64 : i32
      %mul3A_71 = arith.muli %add3A_59, %mul3A_70 : i32
      %dma_start3A_72 = tpu.memref_slice %arg8[%mul3A_71] : memref<19328xi32, #tpu.memory_space<vmem>> -> memref<64xi32, #tpu.memory_space<vmem>>
      %dma_start3A_73 = arith.constant 0 : i32
      %dma_start3A_74 = arith.constant 0 : i32
      %dma_start3A_75 = tpu.memref_slice %arg4[%dma_start3A_73, %dma_start3A_74] : memref<100000x128xf32, #tpu.memory_space<hbm>> -> memref<100000x128xf32, #tpu.memory_space<hbm>>
      tpu.enqueue_indirect_dma source(%dma_start3A_75 : memref<100000x128xf32, #tpu.memory_space<hbm>>) target(%arg12 : memref<64x128xf32, #tpu.memory_space<vmem>>) offsets(%dma_start3A_72 : memref<64xi32, #tpu.memory_space<vmem>>) semaphore(%arg18 : memref<!tpu.dma_semaphore, #tpu.memory_space<semaphore_mem>>)
      %dma_start3A_76 = tpu.memref_slice %arg9[%mul3A_71] : memref<19328xi32, #tpu.memory_space<vmem>> -> memref<64xi32, #tpu.memory_space<vmem>>
      %dma_start3A_77 = arith.constant 0 : i32
      %dma_start3A_78 = arith.constant 0 : i32
      %dma_start3A_79 = tpu.memref_slice %arg5[%dma_start3A_77, %dma_start3A_78] : memref<100000x128xf32, #tpu.memory_space<hbm>> -> memref<100000x128xf32, #tpu.memory_space<hbm>>
      tpu.enqueue_indirect_dma source(%dma_start3A_79 : memref<100000x128xf32, #tpu.memory_space<hbm>>) target(%arg13 : memref<64x128xf32, #tpu.memory_space<vmem>>) offsets(%dma_start3A_76 : memref<64xi32, #tpu.memory_space<vmem>>) semaphore(%arg18 : memref<!tpu.dma_semaphore, #tpu.memory_space<semaphore_mem>>)
      %mul3A_80 = arith.constant 64 : i32
      %mul3A_81 = arith.muli %mul3A_57, %mul3A_80 : i32
      %scan3A = arith.constant 0 : i32
      %scan3A_82 = arith.constant 0 : i32
      %scan3A_83 = arith.constant 4 : i32
      %scan3A_84 = arith.addi %scan3A_82, %scan3A_83 : i32
      %scan3A_85 = arith.constant 1 : i32
      scf.for %scan3A_119 = %scan3A_82 to %scan3A_84 step %scan3A_85  : i32 {
        %mul3A_120 = arith.constant 16 : i32
        %mul3A_121 = arith.muli %scan3A_119, %mul3A_120 : i32
        %broadcast_in_dim3A = arith.constant 0.000000e+00 : f32
        %broadcast_in_dim3A_122 = vector.broadcast %broadcast_in_dim3A : f32 to vector<16xf32>
        %scan3A_123 = arith.constant 0 : i32
        %scan3A_124 = arith.constant 8 : i32
        %scan3A_125 = arith.addi %scan3A_123, %scan3A_124 : i32
        %scan3A_126 = arith.constant 1 : i32
        %scan3A_127:16 = scf.for %scan3A_257 = %scan3A_123 to %scan3A_125 step %scan3A_126 iter_args(%scan3A_258 = %broadcast_in_dim3A_122, %scan3A_259 = %broadcast_in_dim3A_122, %scan3A_260 = %broadcast_in_dim3A_122, %scan3A_261 = %broadcast_in_dim3A_122, %scan3A_262 = %broadcast_in_dim3A_122, %scan3A_263 = %broadcast_in_dim3A_122, %scan3A_264 = %broadcast_in_dim3A_122, %scan3A_265 = %broadcast_in_dim3A_122, %scan3A_266 = %broadcast_in_dim3A_122, %scan3A_267 = %broadcast_in_dim3A_122, %scan3A_268 = %broadcast_in_dim3A_122, %scan3A_269 = %broadcast_in_dim3A_122, %scan3A_270 = %broadcast_in_dim3A_122, %scan3A_271 = %broadcast_in_dim3A_122, %scan3A_272 = %broadcast_in_dim3A_122, %scan3A_273 = %broadcast_in_dim3A_122) -> (vector<16xf32>, vector<16xf32>, vector<16xf32>, vector<16xf32>, vector<16xf32>, vector<16xf32>, vector<16xf32>, vector<16xf32>, vector<16xf32>, vector<16xf32>, vector<16xf32>, vector<16xf32>, vector<16xf32>, vector<16xf32>, vector<16xf32>, vector<16xf32>)  : i32 {
          %mul3A_274 = arith.constant 16 : i32
          %mul3A_275 = arith.muli %scan3A_257, %mul3A_274 : i32
          %get3A = arith.index_cast %mul3A_275 : i32 to index
          %get3A_276 = tpu.vector_load %arg15[%get3A] {strides = array<i32>} : memref<128xf32, #tpu.memory_space<vmem>>, vector<16xf32>,
          %add3A_277 = arith.constant 0 : i32
          %add3A_278 = arith.addi %mul3A_121, %add3A_277 : i32
          %mul3A_279 = arith.constant 16 : i32
          %mul3A_280 = arith.muli %scan3A_257, %mul3A_279 : i32
          %get3A_281 = arith.index_cast %add3A_278 : i32 to index
          %get3A_282 = arith.index_cast %mul3A_280 : i32 to index
          %get3A_283 = tpu.vector_load %arg10[%get3A_281, %get3A_282] {strides = array<i32>} : memref<64x128xf32, #tpu.memory_space<vmem>>, vector<16xf32>,
          %add3A_284 = arith.constant 0 : i32
          %add3A_285 = arith.addi %mul3A_121, %add3A_284 : i32
          %mul3A_286 = arith.constant 16 : i32
          %mul3A_287 = arith.muli %scan3A_257, %mul3A_286 : i32
          %get3A_288 = arith.index_cast %add3A_285 : i32 to index
          %get3A_289 = arith.index_cast %mul3A_287 : i32 to index
          %get3A_290 = tpu.vector_load %arg11[%get3A_288, %get3A_289] {strides = array<i32>} : memref<64x128xf32, #tpu.memory_space<vmem>>, vector<16xf32>,
          %mul3A_291 = arith.mulf %get3A_283, %get3A_290 : vector<16xf32>
          %mul3A_292 = arith.mulf %mul3A_291, %get3A_276 : vector<16xf32>
          %add3A_293 = arith.addf %scan3A_258, %mul3A_292 : vector<16xf32>
          %add3A_294 = arith.constant 1 : i32
          %add3A_295 = arith.addi %mul3A_121, %add3A_294 : i32
          %mul3A_296 = arith.constant 16 : i32
          %mul3A_297 = arith.muli %scan3A_257, %mul3A_296 : i32
          %get3A_298 = arith.index_cast %add3A_295 : i32 to index
          %get3A_299 = arith.index_cast %mul3A_297 : i32 to index
          %get3A_300 = tpu.vector_load %arg10[%get3A_298, %get3A_299] {strides = array<i32>} : memref<64x128xf32, #tpu.memory_space<vmem>>, vector<16xf32>,
          %add3A_301 = arith.constant 1 : i32
          %add3A_302 = arith.addi %mul3A_121, %add3A_301 : i32
          %mul3A_303 = arith.constant 16 : i32
          %mul3A_304 = arith.muli %scan3A_257, %mul3A_303 : i32
          %get3A_305 = arith.index_cast %add3A_302 : i32 to index
          %get3A_306 = arith.index_cast %mul3A_304 : i32 to index
          %get3A_307 = tpu.vector_load %arg11[%get3A_305, %get3A_306] {strides = array<i32>} : memref<64x128xf32, #tpu.memory_space<vmem>>, vector<16xf32>,
          %mul3A_308 = arith.mulf %get3A_300, %get3A_307 : vector<16xf32>
          %mul3A_309 = arith.mulf %mul3A_308, %get3A_276 : vector<16xf32>
          %add3A_310 = arith.addf %scan3A_259, %mul3A_309 : vector<16xf32>
          %add3A_311 = arith.constant 2 : i32
          %add3A_312 = arith.addi %mul3A_121, %add3A_311 : i32
          %mul3A_313 = arith.constant 16 : i32
          %mul3A_314 = arith.muli %scan3A_257, %mul3A_313 : i32
          %get3A_315 = arith.index_cast %add3A_312 : i32 to index
          %get3A_316 = arith.index_cast %mul3A_314 : i32 to index
          %get3A_317 = tpu.vector_load %arg10[%get3A_315, %get3A_316] {strides = array<i32>} : memref<64x128xf32, #tpu.memory_space<vmem>>, vector<16xf32>,
          %add3A_318 = arith.constant 2 : i32
          %add3A_319 = arith.addi %mul3A_121, %add3A_318 : i32
          %mul3A_320 = arith.constant 16 : i32
          %mul3A_321 = arith.muli %scan3A_257, %mul3A_320 : i32
          %get3A_322 = arith.index_cast %add3A_319 : i32 to index
          %get3A_323 = arith.index_cast %mul3A_321 : i32 to index
          %get3A_324 = tpu.vector_load %arg11[%get3A_322, %get3A_323] {strides = array<i32>} : memref<64x128xf32, #tpu.memory_space<vmem>>, vector<16xf32>,
          %mul3A_325 = arith.mulf %get3A_317, %get3A_324 : vector<16xf32>
          %mul3A_326 = arith.mulf %mul3A_325, %get3A_276 : vector<16xf32>
          %add3A_327 = arith.addf %scan3A_260, %mul3A_326 : vector<16xf32>
          %add3A_328 = arith.constant 3 : i32
          %add3A_329 = arith.addi %mul3A_121, %add3A_328 : i32
          %mul3A_330 = arith.constant 16 : i32
          %mul3A_331 = arith.muli %scan3A_257, %mul3A_330 : i32
          %get3A_332 = arith.index_cast %add3A_329 : i32 to index
          %get3A_333 = arith.index_cast %mul3A_331 : i32 to index
          %get3A_334 = tpu.vector_load %arg10[%get3A_332, %get3A_333] {strides = array<i32>} : memref<64x128xf32, #tpu.memory_space<vmem>>, vector<16xf32>,
          %add3A_335 = arith.constant 3 : i32
          %add3A_336 = arith.addi %mul3A_121, %add3A_335 : i32
          %mul3A_337 = arith.constant 16 : i32
          %mul3A_338 = arith.muli %scan3A_257, %mul3A_337 : i32
          %get3A_339 = arith.index_cast %add3A_336 : i32 to index
          %get3A_340 = arith.index_cast %mul3A_338 : i32 to index
          %get3A_341 = tpu.vector_load %arg11[%get3A_339, %get3A_340] {strides = array<i32>} : memref<64x128xf32, #tpu.memory_space<vmem>>, vector<16xf32>,
          %mul3A_342 = arith.mulf %get3A_334, %get3A_341 : vector<16xf32>
          %mul3A_343 = arith.mulf %mul3A_342, %get3A_276 : vector<16xf32>
          %add3A_344 = arith.addf %scan3A_261, %mul3A_343 : vector<16xf32>
          %add3A_345 = arith.constant 4 : i32
          %add3A_346 = arith.addi %mul3A_121, %add3A_345 : i32
          %mul3A_347 = arith.constant 16 : i32
          %mul3A_348 = arith.muli %scan3A_257, %mul3A_347 : i32
          %get3A_349 = arith.index_cast %add3A_346 : i32 to index
          %get3A_350 = arith.index_cast %mul3A_348 : i32 to index
          %get3A_351 = tpu.vector_load %arg10[%get3A_349, %get3A_350] {strides = array<i32>} : memref<64x128xf32, #tpu.memory_space<vmem>>, vector<16xf32>,
          %add3A_352 = arith.constant 4 : i32
          %add3A_353 = arith.addi %mul3A_121, %add3A_352 : i32
          %mul3A_354 = arith.constant 16 : i32
          %mul3A_355 = arith.muli %scan3A_257, %mul3A_354 : i32
          %get3A_356 = arith.index_cast %add3A_353 : i32 to index
          %get3A_357 = arith.index_cast %mul3A_355 : i32 to index
          %get3A_358 = tpu.vector_load %arg11[%get3A_356, %get3A_357] {strides = array<i32>} : memref<64x128xf32, #tpu.memory_space<vmem>>, vector<16xf32>,
          %mul3A_359 = arith.mulf %get3A_351, %get3A_358 : vector<16xf32>
          %mul3A_360 = arith.mulf %mul3A_359, %get3A_276 : vector<16xf32>
          %add3A_361 = arith.addf %scan3A_262, %mul3A_360 : vector<16xf32>
          %add3A_362 = arith.constant 5 : i32
          %add3A_363 = arith.addi %mul3A_121, %add3A_362 : i32
          %mul3A_364 = arith.constant 16 : i32
          %mul3A_365 = arith.muli %scan3A_257, %mul3A_364 : i32
          %get3A_366 = arith.index_cast %add3A_363 : i32 to index
          %get3A_367 = arith.index_cast %mul3A_365 : i32 to index
          %get3A_368 = tpu.vector_load %arg10[%get3A_366, %get3A_367] {strides = array<i32>} : memref<64x128xf32, #tpu.memory_space<vmem>>, vector<16xf32>,
          %add3A_369 = arith.constant 5 : i32
          %add3A_370 = arith.addi %mul3A_121, %add3A_369 : i32
          %mul3A_371 = arith.constant 16 : i32
          %mul3A_372 = arith.muli %scan3A_257, %mul3A_371 : i32
          %get3A_373 = arith.index_cast %add3A_370 : i32 to index
          %get3A_374 = arith.index_cast %mul3A_372 : i32 to index
          %get3A_375 = tpu.vector_load %arg11[%get3A_373, %get3A_374] {strides = array<i32>} : memref<64x128xf32, #tpu.memory_space<vmem>>, vector<16xf32>,
          %mul3A_376 = arith.mulf %get3A_368, %get3A_375 : vector<16xf32>
          %mul3A_377 = arith.mulf %mul3A_376, %get3A_276 : vector<16xf32>
          %add3A_378 = arith.addf %scan3A_263, %mul3A_377 : vector<16xf32>
          %add3A_379 = arith.constant 6 : i32
          %add3A_380 = arith.addi %mul3A_121, %add3A_379 : i32
          %mul3A_381 = arith.constant 16 : i32
          %mul3A_382 = arith.muli %scan3A_257, %mul3A_381 : i32
          %get3A_383 = arith.index_cast %add3A_380 : i32 to index
          %get3A_384 = arith.index_cast %mul3A_382 : i32 to index
          %get3A_385 = tpu.vector_load %arg10[%get3A_383, %get3A_384] {strides = array<i32>} : memref<64x128xf32, #tpu.memory_space<vmem>>, vector<16xf32>,
          %add3A_386 = arith.constant 6 : i32
          %add3A_387 = arith.addi %mul3A_121, %add3A_386 : i32
          %mul3A_388 = arith.constant 16 : i32
          %mul3A_389 = arith.muli %scan3A_257, %mul3A_388 : i32
          %get3A_390 = arith.index_cast %add3A_387 : i32 to index
          %get3A_391 = arith.index_cast %mul3A_389 : i32 to index
          %get3A_392 = tpu.vector_load %arg11[%get3A_390, %get3A_391] {strides = array<i32>} : memref<64x128xf32, #tpu.memory_space<vmem>>, vector<16xf32>,
          %mul3A_393 = arith.mulf %get3A_385, %get3A_392 : vector<16xf32>
          %mul3A_394 = arith.mulf %mul3A_393, %get3A_276 : vector<16xf32>
          %add3A_395 = arith.addf %scan3A_264, %mul3A_394 : vector<16xf32>
          %add3A_396 = arith.constant 7 : i32
          %add3A_397 = arith.addi %mul3A_121, %add3A_396 : i32
          %mul3A_398 = arith.constant 16 : i32
          %mul3A_399 = arith.muli %scan3A_257, %mul3A_398 : i32
          %get3A_400 = arith.index_cast %add3A_397 : i32 to index
          %get3A_401 = arith.index_cast %mul3A_399 : i32 to index
          %get3A_402 = tpu.vector_load %arg10[%get3A_400, %get3A_401] {strides = array<i32>} : memref<64x128xf32, #tpu.memory_space<vmem>>, vector<16xf32>,
          %add3A_403 = arith.constant 7 : i32
          %add3A_404 = arith.addi %mul3A_121, %add3A_403 : i32
          %mul3A_405 = arith.constant 16 : i32
          %mul3A_406 = arith.muli %scan3A_257, %mul3A_405 : i32
          %get3A_407 = arith.index_cast %add3A_404 : i32 to index
          %get3A_408 = arith.index_cast %mul3A_406 : i32 to index
          %get3A_409 = tpu.vector_load %arg11[%get3A_407, %get3A_408] {strides = array<i32>} : memref<64x128xf32, #tpu.memory_space<vmem>>, vector<16xf32>,
          %mul3A_410 = arith.mulf %get3A_402, %get3A_409 : vector<16xf32>
          %mul3A_411 = arith.mulf %mul3A_410, %get3A_276 : vector<16xf32>
          %add3A_412 = arith.addf %scan3A_265, %mul3A_411 : vector<16xf32>
          %add3A_413 = arith.constant 8 : i32
          %add3A_414 = arith.addi %mul3A_121, %add3A_413 : i32
          %mul3A_415 = arith.constant 16 : i32
          %mul3A_416 = arith.muli %scan3A_257, %mul3A_415 : i32
          %get3A_417 = arith.index_cast %add3A_414 : i32 to index
          %get3A_418 = arith.index_cast %mul3A_416 : i32 to index
          %get3A_419 = tpu.vector_load %arg10[%get3A_417, %get3A_418] {strides = array<i32>} : memref<64x128xf32, #tpu.memory_space<vmem>>, vector<16xf32>,
          %add3A_420 = arith.constant 8 : i32
          %add3A_421 = arith.addi %mul3A_121, %add3A_420 : i32
          %mul3A_422 = arith.constant 16 : i32
          %mul3A_423 = arith.muli %scan3A_257, %mul3A_422 : i32
          %get3A_424 = arith.index_cast %add3A_421 : i32 to index
          %get3A_425 = arith.index_cast %mul3A_423 : i32 to index
          %get3A_426 = tpu.vector_load %arg11[%get3A_424, %get3A_425] {strides = array<i32>} : memref<64x128xf32, #tpu.memory_space<vmem>>, vector<16xf32>,
          %mul3A_427 = arith.mulf %get3A_419, %get3A_426 : vector<16xf32>
          %mul3A_428 = arith.mulf %mul3A_427, %get3A_276 : vector<16xf32>
          %add3A_429 = arith.addf %scan3A_266, %mul3A_428 : vector<16xf32>
          %add3A_430 = arith.constant 9 : i32
          %add3A_431 = arith.addi %mul3A_121, %add3A_430 : i32
          %mul3A_432 = arith.constant 16 : i32
          %mul3A_433 = arith.muli %scan3A_257, %mul3A_432 : i32
          %get3A_434 = arith.index_cast %add3A_431 : i32 to index
          %get3A_435 = arith.index_cast %mul3A_433 : i32 to index
          %get3A_436 = tpu.vector_load %arg10[%get3A_434, %get3A_435] {strides = array<i32>} : memref<64x128xf32, #tpu.memory_space<vmem>>, vector<16xf32>,
          %add3A_437 = arith.constant 9 : i32
          %add3A_438 = arith.addi %mul3A_121, %add3A_437 : i32
          %mul3A_439 = arith.constant 16 : i32
          %mul3A_440 = arith.muli %scan3A_257, %mul3A_439 : i32
          %get3A_441 = arith.index_cast %add3A_438 : i32 to index
          %get3A_442 = arith.index_cast %mul3A_440 : i32 to index
          %get3A_443 = tpu.vector_load %arg11[%get3A_441, %get3A_442] {strides = array<i32>} : memref<64x128xf32, #tpu.memory_space<vmem>>, vector<16xf32>,
          %mul3A_444 = arith.mulf %get3A_436, %get3A_443 : vector<16xf32>
          %mul3A_445 = arith.mulf %mul3A_444, %get3A_276 : vector<16xf32>
          %add3A_446 = arith.addf %scan3A_267, %mul3A_445 : vector<16xf32>
          %add3A_447 = arith.constant 10 : i32
          %add3A_448 = arith.addi %mul3A_121, %add3A_447 : i32
          %mul3A_449 = arith.constant 16 : i32
          %mul3A_450 = arith.muli %scan3A_257, %mul3A_449 : i32
          %get3A_451 = arith.index_cast %add3A_448 : i32 to index
          %get3A_452 = arith.index_cast %mul3A_450 : i32 to index
          %get3A_453 = tpu.vector_load %arg10[%get3A_451, %get3A_452] {strides = array<i32>} : memref<64x128xf32, #tpu.memory_space<vmem>>, vector<16xf32>,
          %add3A_454 = arith.constant 10 : i32
          %add3A_455 = arith.addi %mul3A_121, %add3A_454 : i32
          %mul3A_456 = arith.constant 16 : i32
          %mul3A_457 = arith.muli %scan3A_257, %mul3A_456 : i32
          %get3A_458 = arith.index_cast %add3A_455 : i32 to index
          %get3A_459 = arith.index_cast %mul3A_457 : i32 to index
          %get3A_460 = tpu.vector_load %arg11[%get3A_458, %get3A_459] {strides = array<i32>} : memref<64x128xf32, #tpu.memory_space<vmem>>, vector<16xf32>,
          %mul3A_461 = arith.mulf %get3A_453, %get3A_460 : vector<16xf32>
          %mul3A_462 = arith.mulf %mul3A_461, %get3A_276 : vector<16xf32>
          %add3A_463 = arith.addf %scan3A_268, %mul3A_462 : vector<16xf32>
          %add3A_464 = arith.constant 11 : i32
          %add3A_465 = arith.addi %mul3A_121, %add3A_464 : i32
          %mul3A_466 = arith.constant 16 : i32
          %mul3A_467 = arith.muli %scan3A_257, %mul3A_466 : i32
          %get3A_468 = arith.index_cast %add3A_465 : i32 to index
          %get3A_469 = arith.index_cast %mul3A_467 : i32 to index
          %get3A_470 = tpu.vector_load %arg10[%get3A_468, %get3A_469] {strides = array<i32>} : memref<64x128xf32, #tpu.memory_space<vmem>>, vector<16xf32>,
          %add3A_471 = arith.constant 11 : i32
          %add3A_472 = arith.addi %mul3A_121, %add3A_471 : i32
          %mul3A_473 = arith.constant 16 : i32
          %mul3A_474 = arith.muli %scan3A_257, %mul3A_473 : i32
          %get3A_475 = arith.index_cast %add3A_472 : i32 to index
          %get3A_476 = arith.index_cast %mul3A_474 : i32 to index
          %get3A_477 = tpu.vector_load %arg11[%get3A_475, %get3A_476] {strides = array<i32>} : memref<64x128xf32, #tpu.memory_space<vmem>>, vector<16xf32>,
          %mul3A_478 = arith.mulf %get3A_470, %get3A_477 : vector<16xf32>
          %mul3A_479 = arith.mulf %mul3A_478, %get3A_276 : vector<16xf32>
          %add3A_480 = arith.addf %scan3A_269, %mul3A_479 : vector<16xf32>
          %add3A_481 = arith.constant 12 : i32
          %add3A_482 = arith.addi %mul3A_121, %add3A_481 : i32
          %mul3A_483 = arith.constant 16 : i32
          %mul3A_484 = arith.muli %scan3A_257, %mul3A_483 : i32
          %get3A_485 = arith.index_cast %add3A_482 : i32 to index
          %get3A_486 = arith.index_cast %mul3A_484 : i32 to index
          %get3A_487 = tpu.vector_load %arg10[%get3A_485, %get3A_486] {strides = array<i32>} : memref<64x128xf32, #tpu.memory_space<vmem>>, vector<16xf32>,
          %add3A_488 = arith.constant 12 : i32
          %add3A_489 = arith.addi %mul3A_121, %add3A_488 : i32
          %mul3A_490 = arith.constant 16 : i32
          %mul3A_491 = arith.muli %scan3A_257, %mul3A_490 : i32
          %get3A_492 = arith.index_cast %add3A_489 : i32 to index
          %get3A_493 = arith.index_cast %mul3A_491 : i32 to index
          %get3A_494 = tpu.vector_load %arg11[%get3A_492, %get3A_493] {strides = array<i32>} : memref<64x128xf32, #tpu.memory_space<vmem>>, vector<16xf32>,
          %mul3A_495 = arith.mulf %get3A_487, %get3A_494 : vector<16xf32>
          %mul3A_496 = arith.mulf %mul3A_495, %get3A_276 : vector<16xf32>
          %add3A_497 = arith.addf %scan3A_270, %mul3A_496 : vector<16xf32>
          %add3A_498 = arith.constant 13 : i32
          %add3A_499 = arith.addi %mul3A_121, %add3A_498 : i32
          %mul3A_500 = arith.constant 16 : i32
          %mul3A_501 = arith.muli %scan3A_257, %mul3A_500 : i32
          %get3A_502 = arith.index_cast %add3A_499 : i32 to index
          %get3A_503 = arith.index_cast %mul3A_501 : i32 to index
          %get3A_504 = tpu.vector_load %arg10[%get3A_502, %get3A_503] {strides = array<i32>} : memref<64x128xf32, #tpu.memory_space<vmem>>, vector<16xf32>,
          %add3A_505 = arith.constant 13 : i32
          %add3A_506 = arith.addi %mul3A_121, %add3A_505 : i32
          %mul3A_507 = arith.constant 16 : i32
          %mul3A_508 = arith.muli %scan3A_257, %mul3A_507 : i32
          %get3A_509 = arith.index_cast %add3A_506 : i32 to index
          %get3A_510 = arith.index_cast %mul3A_508 : i32 to index
          %get3A_511 = tpu.vector_load %arg11[%get3A_509, %get3A_510] {strides = array<i32>} : memref<64x128xf32, #tpu.memory_space<vmem>>, vector<16xf32>,
          %mul3A_512 = arith.mulf %get3A_504, %get3A_511 : vector<16xf32>
          %mul3A_513 = arith.mulf %mul3A_512, %get3A_276 : vector<16xf32>
          %add3A_514 = arith.addf %scan3A_271, %mul3A_513 : vector<16xf32>
          %add3A_515 = arith.constant 14 : i32
          %add3A_516 = arith.addi %mul3A_121, %add3A_515 : i32
          %mul3A_517 = arith.constant 16 : i32
          %mul3A_518 = arith.muli %scan3A_257, %mul3A_517 : i32
          %get3A_519 = arith.index_cast %add3A_516 : i32 to index
          %get3A_520 = arith.index_cast %mul3A_518 : i32 to index
          %get3A_521 = tpu.vector_load %arg10[%get3A_519, %get3A_520] {strides = array<i32>} : memref<64x128xf32, #tpu.memory_space<vmem>>, vector<16xf32>,
          %add3A_522 = arith.constant 14 : i32
          %add3A_523 = arith.addi %mul3A_121, %add3A_522 : i32
          %mul3A_524 = arith.constant 16 : i32
          %mul3A_525 = arith.muli %scan3A_257, %mul3A_524 : i32
          %get3A_526 = arith.index_cast %add3A_523 : i32 to index
          %get3A_527 = arith.index_cast %mul3A_525 : i32 to index
          %get3A_528 = tpu.vector_load %arg11[%get3A_526, %get3A_527] {strides = array<i32>} : memref<64x128xf32, #tpu.memory_space<vmem>>, vector<16xf32>,
          %mul3A_529 = arith.mulf %get3A_521, %get3A_528 : vector<16xf32>
          %mul3A_530 = arith.mulf %mul3A_529, %get3A_276 : vector<16xf32>
          %add3A_531 = arith.addf %scan3A_272, %mul3A_530 : vector<16xf32>
          %add3A_532 = arith.constant 15 : i32
          %add3A_533 = arith.addi %mul3A_121, %add3A_532 : i32
          %mul3A_534 = arith.constant 16 : i32
          %mul3A_535 = arith.muli %scan3A_257, %mul3A_534 : i32
          %get3A_536 = arith.index_cast %add3A_533 : i32 to index
          %get3A_537 = arith.index_cast %mul3A_535 : i32 to index
          %get3A_538 = tpu.vector_load %arg10[%get3A_536, %get3A_537] {strides = array<i32>} : memref<64x128xf32, #tpu.memory_space<vmem>>, vector<16xf32>,
          %add3A_539 = arith.constant 15 : i32
          %add3A_540 = arith.addi %mul3A_121, %add3A_539 : i32
          %mul3A_541 = arith.constant 16 : i32
          %mul3A_542 = arith.muli %scan3A_257, %mul3A_541 : i32
          %get3A_543 = arith.index_cast %add3A_540 : i32 to index
          %get3A_544 = arith.index_cast %mul3A_542 : i32 to index
          %get3A_545 = tpu.vector_load %arg11[%get3A_543, %get3A_544] {strides = array<i32>} : memref<64x128xf32, #tpu.memory_space<vmem>>, vector<16xf32>,
          %mul3A_546 = arith.mulf %get3A_538, %get3A_545 : vector<16xf32>
          %mul3A_547 = arith.mulf %mul3A_546, %get3A_276 : vector<16xf32>
          %add3A_548 = arith.addf %scan3A_273, %mul3A_547 : vector<16xf32>
          scf.yield %add3A_293, %add3A_310, %add3A_327, %add3A_344, %add3A_361, %add3A_378, %add3A_395, %add3A_412, %add3A_429, %add3A_446, %add3A_463, %add3A_480, %add3A_497, %add3A_514, %add3A_531, %add3A_548 : vector<16xf32>, vector<16xf32>, vector<16xf32>, vector<16xf32>, vector<16xf32>, vector<16xf32>, vector<16xf32>, vector<16xf32>, vector<16xf32>, vector<16xf32>, vector<16xf32>, vector<16xf32>, vector<16xf32>, vector<16xf32>, vector<16xf32>, vector<16xf32>
        }
        %scan3A_128 = arith.constant 8 : i32
        %swap3A = arith.constant 0 : i32
        %swap3A_129 = arith.index_cast %swap3A : i32 to index
        %swap3A_130 = arith.constant 0 : index
        %swap3A_131 = tpu.vector_load %arg16[%swap3A_129, %swap3A_130] {strides = array<i32>} : memref<16x16xf32, #tpu.memory_space<vmem>>, vector<16xf32>,
        tpu.vector_store %arg16[%swap3A_129, %swap3A_130], %scan3A_127#0 {strides = array<i32>} : memref<16x16xf32, #tpu.memory_space<vmem>>, vector<16xf32>,
        %swap3A_132 = arith.constant 1 : i32
        %swap3A_133 = arith.index_cast %swap3A_132 : i32 to index
        %swap3A_134 = arith.constant 0 : index
        %swap3A_135 = tpu.vector_load %arg16[%swap3A_133, %swap3A_134] {strides = array<i32>} : memref<16x16xf32, #tpu.memory_space<vmem>>, vector<16xf32>,
        tpu.vector_store %arg16[%swap3A_133, %swap3A_134], %scan3A_127#1 {strides = array<i32>} : memref<16x16xf32, #tpu.memory_space<vmem>>, vector<16xf32>,
        %swap3A_136 = arith.constant 2 : i32
        %swap3A_137 = arith.index_cast %swap3A_136 : i32 to index
        %swap3A_138 = arith.constant 0 : index
        %swap3A_139 = tpu.vector_load %arg16[%swap3A_137, %swap3A_138] {strides = array<i32>} : memref<16x16xf32, #tpu.memory_space<vmem>>, vector<16xf32>,
        tpu.vector_store %arg16[%swap3A_137, %swap3A_138], %scan3A_127#2 {strides = array<i32>} : memref<16x16xf32, #tpu.memory_space<vmem>>, vector<16xf32>,
        %swap3A_140 = arith.constant 3 : i32
        %swap3A_141 = arith.index_cast %swap3A_140 : i32 to index
        %swap3A_142 = arith.constant 0 : index
        %swap3A_143 = tpu.vector_load %arg16[%swap3A_141, %swap3A_142] {strides = array<i32>} : memref<16x16xf32, #tpu.memory_space<vmem>>, vector<16xf32>,
        tpu.vector_store %arg16[%swap3A_141, %swap3A_142], %scan3A_127#3 {strides = array<i32>} : memref<16x16xf32, #tpu.memory_space<vmem>>, vector<16xf32>,
        %swap3A_144 = arith.constant 4 : i32
        %swap3A_145 = arith.index_cast %swap3A_144 : i32 to index
        %swap3A_146 = arith.constant 0 : index
        %swap3A_147 = tpu.vector_load %arg16[%swap3A_145, %swap3A_146] {strides = array<i32>} : memref<16x16xf32, #tpu.memory_space<vmem>>, vector<16xf32>,
        tpu.vector_store %arg16[%swap3A_145, %swap3A_146], %scan3A_127#4 {strides = array<i32>} : memref<16x16xf32, #tpu.memory_space<vmem>>, vector<16xf32>,
        %swap3A_148 = arith.constant 5 : i32
        %swap3A_149 = arith.index_cast %swap3A_148 : i32 to index
        %swap3A_150 = arith.constant 0 : index
        %swap3A_151 = tpu.vector_load %arg16[%swap3A_149, %swap3A_150] {strides = array<i32>} : memref<16x16xf32, #tpu.memory_space<vmem>>, vector<16xf32>,
        tpu.vector_store %arg16[%swap3A_149, %swap3A_150], %scan3A_127#5 {strides = array<i32>} : memref<16x16xf32, #tpu.memory_space<vmem>>, vector<16xf32>,
        %swap3A_152 = arith.constant 6 : i32
        %swap3A_153 = arith.index_cast %swap3A_152 : i32 to index
        %swap3A_154 = arith.constant 0 : index
        %swap3A_155 = tpu.vector_load %arg16[%swap3A_153, %swap3A_154] {strides = array<i32>} : memref<16x16xf32, #tpu.memory_space<vmem>>, vector<16xf32>,
        tpu.vector_store %arg16[%swap3A_153, %swap3A_154], %scan3A_127#6 {strides = array<i32>} : memref<16x16xf32, #tpu.memory_space<vmem>>, vector<16xf32>,
        %swap3A_156 = arith.constant 7 : i32
        %swap3A_157 = arith.index_cast %swap3A_156 : i32 to index
        %swap3A_158 = arith.constant 0 : index
        %swap3A_159 = tpu.vector_load %arg16[%swap3A_157, %swap3A_158] {strides = array<i32>} : memref<16x16xf32, #tpu.memory_space<vmem>>, vector<16xf32>,
        tpu.vector_store %arg16[%swap3A_157, %swap3A_158], %scan3A_127#7 {strides = array<i32>} : memref<16x16xf32, #tpu.memory_space<vmem>>, vector<16xf32>,
        %swap3A_160 = arith.constant 8 : i32
        %swap3A_161 = arith.index_cast %swap3A_160 : i32 to index
        %swap3A_162 = arith.constant 0 : index
        %swap3A_163 = tpu.vector_load %arg16[%swap3A_161, %swap3A_162] {strides = array<i32>} : memref<16x16xf32, #tpu.memory_space<vmem>>, vector<16xf32>,
        tpu.vector_store %arg16[%swap3A_161, %swap3A_162], %scan3A_127#8 {strides = array<i32>} : memref<16x16xf32, #tpu.memory_space<vmem>>, vector<16xf32>,
        %swap3A_164 = arith.constant 9 : i32
        %swap3A_165 = arith.index_cast %swap3A_164 : i32 to index
        %swap3A_166 = arith.constant 0 : index
        %swap3A_167 = tpu.vector_load %arg16[%swap3A_165, %swap3A_166] {strides = array<i32>} : memref<16x16xf32, #tpu.memory_space<vmem>>, vector<16xf32>,
        tpu.vector_store %arg16[%swap3A_165, %swap3A_166], %scan3A_127#9 {strides = array<i32>} : memref<16x16xf32, #tpu.memory_space<vmem>>, vector<16xf32>,
        %swap3A_168 = arith.constant 10 : i32
        %swap3A_169 = arith.index_cast %swap3A_168 : i32 to index
        %swap3A_170 = arith.constant 0 : index
        %swap3A_171 = tpu.vector_load %arg16[%swap3A_169, %swap3A_170] {strides = array<i32>} : memref<16x16xf32, #tpu.memory_space<vmem>>, vector<16xf32>,
        tpu.vector_store %arg16[%swap3A_169, %swap3A_170], %scan3A_127#10 {strides = array<i32>} : memref<16x16xf32, #tpu.memory_space<vmem>>, vector<16xf32>,
        %swap3A_172 = arith.constant 11 : i32
        %swap3A_173 = arith.index_cast %swap3A_172 : i32 to index
        %swap3A_174 = arith.constant 0 : index
        %swap3A_175 = tpu.vector_load %arg16[%swap3A_173, %swap3A_174] {strides = array<i32>} : memref<16x16xf32, #tpu.memory_space<vmem>>, vector<16xf32>,
        tpu.vector_store %arg16[%swap3A_173, %swap3A_174], %scan3A_127#11 {strides = array<i32>} : memref<16x16xf32, #tpu.memory_space<vmem>>, vector<16xf32>,
        %swap3A_176 = arith.constant 12 : i32
        %swap3A_177 = arith.index_cast %swap3A_176 : i32 to index
        %swap3A_178 = arith.constant 0 : index
        %swap3A_179 = tpu.vector_load %arg16[%swap3A_177, %swap3A_178] {strides = array<i32>} : memref<16x16xf32, #tpu.memory_space<vmem>>, vector<16xf32>,
        tpu.vector_store %arg16[%swap3A_177, %swap3A_178], %scan3A_127#12 {strides = array<i32>} : memref<16x16xf32, #tpu.memory_space<vmem>>, vector<16xf32>,
        %swap3A_180 = arith.constant 13 : i32
        %swap3A_181 = arith.index_cast %swap3A_180 : i32 to index
        %swap3A_182 = arith.constant 0 : index
        %swap3A_183 = tpu.vector_load %arg16[%swap3A_181, %swap3A_182] {strides = array<i32>} : memref<16x16xf32, #tpu.memory_space<vmem>>, vector<16xf32>,
        tpu.vector_store %arg16[%swap3A_181, %swap3A_182], %scan3A_127#13 {strides = array<i32>} : memref<16x16xf32, #tpu.memory_space<vmem>>, vector<16xf32>,
        %swap3A_184 = arith.constant 14 : i32
        %swap3A_185 = arith.index_cast %swap3A_184 : i32 to index
        %swap3A_186 = arith.constant 0 : index
        %swap3A_187 = tpu.vector_load %arg16[%swap3A_185, %swap3A_186] {strides = array<i32>} : memref<16x16xf32, #tpu.memory_space<vmem>>, vector<16xf32>,
        tpu.vector_store %arg16[%swap3A_185, %swap3A_186], %scan3A_127#14 {strides = array<i32>} : memref<16x16xf32, #tpu.memory_space<vmem>>, vector<16xf32>,
        %swap3A_188 = arith.constant 15 : i32
        %swap3A_189 = arith.index_cast %swap3A_188 : i32 to index
        %swap3A_190 = arith.constant 0 : index
        %swap3A_191 = tpu.vector_load %arg16[%swap3A_189, %swap3A_190] {strides = array<i32>} : memref<16x16xf32, #tpu.memory_space<vmem>>, vector<16xf32>,
        tpu.vector_store %arg16[%swap3A_189, %swap3A_190], %scan3A_127#15 {strides = array<i32>} : memref<16x16xf32, #tpu.memory_space<vmem>>, vector<16xf32>,
        %broadcast_in_dim3A_192 = arith.constant 0 : i32
        %broadcast_in_dim3A_193 = vector.broadcast %broadcast_in_dim3A_192 : i32 to vector<16xi32>
        %gather3A = tpu.vector_load_idx %arg16[%iota3A, %broadcast_in_dim3A_193] : memref<16x16xf32, #tpu.memory_space<vmem>>[vector<16xi32>, vector<16xi32>], vector<16xf32>,
        %broadcast_in_dim3A_194 = arith.constant 1 : i32
        %broadcast_in_dim3A_195 = vector.broadcast %broadcast_in_dim3A_194 : i32 to vector<16xi32>
        %gather3A_196 = tpu.vector_load_idx %arg16[%iota3A, %broadcast_in_dim3A_195] : memref<16x16xf32, #tpu.memory_space<vmem>>[vector<16xi32>, vector<16xi32>], vector<16xf32>,
        %add3A_197 = arith.addf %gather3A, %gather3A_196 : vector<16xf32>
        %broadcast_in_dim3A_198 = arith.constant 2 : i32
        %broadcast_in_dim3A_199 = vector.broadcast %broadcast_in_dim3A_198 : i32 to vector<16xi32>
        %gather3A_200 = tpu.vector_load_idx %arg16[%iota3A, %broadcast_in_dim3A_199] : memref<16x16xf32, #tpu.memory_space<vmem>>[vector<16xi32>, vector<16xi32>], vector<16xf32>,
        %add3A_201 = arith.addf %add3A_197, %gather3A_200 : vector<16xf32>
        %broadcast_in_dim3A_202 = arith.constant 3 : i32
        %broadcast_in_dim3A_203 = vector.broadcast %broadcast_in_dim3A_202 : i32 to vector<16xi32>
        %gather3A_204 = tpu.vector_load_idx %arg16[%iota3A, %broadcast_in_dim3A_203] : memref<16x16xf32, #tpu.memory_space<vmem>>[vector<16xi32>, vector<16xi32>], vector<16xf32>,
        %add3A_205 = arith.addf %add3A_201, %gather3A_204 : vector<16xf32>
        %broadcast_in_dim3A_206 = arith.constant 4 : i32
        %broadcast_in_dim3A_207 = vector.broadcast %broadcast_in_dim3A_206 : i32 to vector<16xi32>
        %gather3A_208 = tpu.vector_load_idx %arg16[%iota3A, %broadcast_in_dim3A_207] : memref<16x16xf32, #tpu.memory_space<vmem>>[vector<16xi32>, vector<16xi32>], vector<16xf32>,
        %add3A_209 = arith.addf %add3A_205, %gather3A_208 : vector<16xf32>
        %broadcast_in_dim3A_210 = arith.constant 5 : i32
        %broadcast_in_dim3A_211 = vector.broadcast %broadcast_in_dim3A_210 : i32 to vector<16xi32>
        %gather3A_212 = tpu.vector_load_idx %arg16[%iota3A, %broadcast_in_dim3A_211] : memref<16x16xf32, #tpu.memory_space<vmem>>[vector<16xi32>, vector<16xi32>], vector<16xf32>,
        %add3A_213 = arith.addf %add3A_209, %gather3A_212 : vector<16xf32>
        %broadcast_in_dim3A_214 = arith.constant 6 : i32
        %broadcast_in_dim3A_215 = vector.broadcast %broadcast_in_dim3A_214 : i32 to vector<16xi32>
        %gather3A_216 = tpu.vector_load_idx %arg16[%iota3A, %broadcast_in_dim3A_215] : memref<16x16xf32, #tpu.memory_space<vmem>>[vector<16xi32>, vector<16xi32>], vector<16xf32>,
        %add3A_217 = arith.addf %add3A_213, %gather3A_216 : vector<16xf32>
        %broadcast_in_dim3A_218 = arith.constant 7 : i32
        %broadcast_in_dim3A_219 = vector.broadcast %broadcast_in_dim3A_218 : i32 to vector<16xi32>
        %gather3A_220 = tpu.vector_load_idx %arg16[%iota3A, %broadcast_in_dim3A_219] : memref<16x16xf32, #tpu.memory_space<vmem>>[vector<16xi32>, vector<16xi32>], vector<16xf32>,
        %add3A_221 = arith.addf %add3A_217, %gather3A_220 : vector<16xf32>
        %broadcast_in_dim3A_222 = arith.constant 8 : i32
        %broadcast_in_dim3A_223 = vector.broadcast %broadcast_in_dim3A_222 : i32 to vector<16xi32>
        %gather3A_224 = tpu.vector_load_idx %arg16[%iota3A, %broadcast_in_dim3A_223] : memref<16x16xf32, #tpu.memory_space<vmem>>[vector<16xi32>, vector<16xi32>], vector<16xf32>,
        %add3A_225 = arith.addf %add3A_221, %gather3A_224 : vector<16xf32>
        %broadcast_in_dim3A_226 = arith.constant 9 : i32
        %broadcast_in_dim3A_227 = vector.broadcast %broadcast_in_dim3A_226 : i32 to vector<16xi32>
        %gather3A_228 = tpu.vector_load_idx %arg16[%iota3A, %broadcast_in_dim3A_227] : memref<16x16xf32, #tpu.memory_space<vmem>>[vector<16xi32>, vector<16xi32>], vector<16xf32>,
        %add3A_229 = arith.addf %add3A_225, %gather3A_228 : vector<16xf32>
        %broadcast_in_dim3A_230 = arith.constant 10 : i32
        %broadcast_in_dim3A_231 = vector.broadcast %broadcast_in_dim3A_230 : i32 to vector<16xi32>
        %gather3A_232 = tpu.vector_load_idx %arg16[%iota3A, %broadcast_in_dim3A_231] : memref<16x16xf32, #tpu.memory_space<vmem>>[vector<16xi32>, vector<16xi32>], vector<16xf32>,
        %add3A_233 = arith.addf %add3A_229, %gather3A_232 : vector<16xf32>
        %broadcast_in_dim3A_234 = arith.constant 11 : i32
        %broadcast_in_dim3A_235 = vector.broadcast %broadcast_in_dim3A_234 : i32 to vector<16xi32>
        %gather3A_236 = tpu.vector_load_idx %arg16[%iota3A, %broadcast_in_dim3A_235] : memref<16x16xf32, #tpu.memory_space<vmem>>[vector<16xi32>, vector<16xi32>], vector<16xf32>,
        %add3A_237 = arith.addf %add3A_233, %gather3A_236 : vector<16xf32>
        %broadcast_in_dim3A_238 = arith.constant 12 : i32
        %broadcast_in_dim3A_239 = vector.broadcast %broadcast_in_dim3A_238 : i32 to vector<16xi32>
        %gather3A_240 = tpu.vector_load_idx %arg16[%iota3A, %broadcast_in_dim3A_239] : memref<16x16xf32, #tpu.memory_space<vmem>>[vector<16xi32>, vector<16xi32>], vector<16xf32>,
        %add3A_241 = arith.addf %add3A_237, %gather3A_240 : vector<16xf32>
        %broadcast_in_dim3A_242 = arith.constant 13 : i32
        %broadcast_in_dim3A_243 = vector.broadcast %broadcast_in_dim3A_242 : i32 to vector<16xi32>
        %gather3A_244 = tpu.vector_load_idx %arg16[%iota3A, %broadcast_in_dim3A_243] : memref<16x16xf32, #tpu.memory_space<vmem>>[vector<16xi32>, vector<16xi32>], vector<16xf32>,
        %add3A_245 = arith.addf %add3A_241, %gather3A_244 : vector<16xf32>
        %broadcast_in_dim3A_246 = arith.constant 14 : i32
        %broadcast_in_dim3A_247 = vector.broadcast %broadcast_in_dim3A_246 : i32 to vector<16xi32>
        %gather3A_248 = tpu.vector_load_idx %arg16[%iota3A, %broadcast_in_dim3A_247] : memref<16x16xf32, #tpu.memory_space<vmem>>[vector<16xi32>, vector<16xi32>], vector<16xf32>,
        %add3A_249 = arith.addf %add3A_245, %gather3A_248 : vector<16xf32>
        %broadcast_in_dim3A_250 = arith.constant 15 : i32
        %broadcast_in_dim3A_251 = vector.broadcast %broadcast_in_dim3A_250 : i32 to vector<16xi32>
        %gather3A_252 = tpu.vector_load_idx %arg16[%iota3A, %broadcast_in_dim3A_251] : memref<16x16xf32, #tpu.memory_space<vmem>>[vector<16xi32>, vector<16xi32>], vector<16xf32>,
        %add3A_253 = arith.addf %add3A_249, %gather3A_252 : vector<16xf32>
        %add3A_254 = arith.addi %mul3A_81, %mul3A_121 : i32
        %swap3A_255 = arith.index_cast %add3A_254 : i32 to index
        %swap3A_256 = tpu.vector_load %arg14[%swap3A_255] {strides = array<i32>} : memref<19328xf32, #tpu.memory_space<vmem>>, vector<16xf32>,
        tpu.vector_store %arg14[%swap3A_255], %add3A_253 {strides = array<i32>} : memref<19328xf32, #tpu.memory_space<vmem>>, vector<16xf32>,
      }
      %scan3A_86 = arith.constant 4 : i32
      %mul3A_87 = arith.constant 64 : i32
      %mul3A_88 = arith.muli %add3A_59, %mul3A_87 : i32
      %dma_wait3A_89 = tpu.memref_slice %arg8[%mul3A_88] : memref<19328xi32, #tpu.memory_space<vmem>> -> memref<64xi32, #tpu.memory_space<vmem>>
      %dma_wait3A_90 = arith.constant 0 : i32
      %dma_wait3A_91 = arith.constant 0 : i32
      %dma_wait3A_92 = tpu.memref_slice %arg4[%dma_wait3A_90, %dma_wait3A_91] : memref<100000x128xf32, #tpu.memory_space<hbm>> -> memref<100000x128xf32, #tpu.memory_space<hbm>>
      tpu.wait_indirect_dma semaphore(%arg18 : memref<!tpu.dma_semaphore, #tpu.memory_space<semaphore_mem>>) src(%dma_wait3A_92 : memref<100000x128xf32, #tpu.memory_space<hbm>>) dst(%arg12 : memref<64x128xf32, #tpu.memory_space<vmem>>)
      %dma_wait3A_93 = tpu.memref_slice %arg9[%mul3A_88] : memref<19328xi32, #tpu.memory_space<vmem>> -> memref<64xi32, #tpu.memory_space<vmem>>
      %dma_wait3A_94 = arith.constant 0 : i32
      %dma_wait3A_95 = arith.constant 0 : i32
      %dma_wait3A_96 = tpu.memref_slice %arg5[%dma_wait3A_94, %dma_wait3A_95] : memref<100000x128xf32, #tpu.memory_space<hbm>> -> memref<100000x128xf32, #tpu.memory_space<hbm>>
      tpu.wait_indirect_dma semaphore(%arg18 : memref<!tpu.dma_semaphore, #tpu.memory_space<semaphore_mem>>) src(%dma_wait3A_96 : memref<100000x128xf32, #tpu.memory_space<hbm>>) dst(%arg13 : memref<64x128xf32, #tpu.memory_space<vmem>>)
      %add3A_97 = arith.constant 1 : i32
      %add3A_98 = arith.addi %add3A_59, %add3A_97 : i32
      %sub3A_99 = arith.constant 1 : i32
      %sub3A_100 = arith.subi %select_n3A, %sub3A_99 : i32
      %min3A = arith.minsi %add3A_98, %sub3A_100 : i32
      %mul3A_101 = arith.constant 64 : i32
      %mul3A_102 = arith.muli %min3A, %mul3A_101 : i32
      %dma_start3A_103 = tpu.memref_slice %arg8[%mul3A_102] : memref<19328xi32, #tpu.memory_space<vmem>> -> memref<64xi32, #tpu.memory_space<vmem>>
      %dma_start3A_104 = arith.constant 0 : i32
      %dma_start3A_105 = arith.constant 0 : i32
      %dma_start3A_106 = tpu.memref_slice %arg4[%dma_start3A_104, %dma_start3A_105] : memref<100000x128xf32, #tpu.memory_space<hbm>> -> memref<100000x128xf32, #tpu.memory_space<hbm>>
      tpu.enqueue_indirect_dma source(%dma_start3A_106 : memref<100000x128xf32, #tpu.memory_space<hbm>>) target(%arg10 : memref<64x128xf32, #tpu.memory_space<vmem>>) offsets(%dma_start3A_103 : memref<64xi32, #tpu.memory_space<vmem>>) semaphore(%arg17 : memref<!tpu.dma_semaphore, #tpu.memory_space<semaphore_mem>>)
      %dma_start3A_107 = tpu.memref_slice %arg9[%mul3A_102] : memref<19328xi32, #tpu.memory_space<vmem>> -> memref<64xi32, #tpu.memory_space<vmem>>
      %dma_start3A_108 = arith.constant 0 : i32
      %dma_start3A_109 = arith.constant 0 : i32
      %dma_start3A_110 = tpu.memref_slice %arg5[%dma_start3A_108, %dma_start3A_109] : memref<100000x128xf32, #tpu.memory_space<hbm>> -> memref<100000x128xf32, #tpu.memory_space<hbm>>
      tpu.enqueue_indirect_dma source(%dma_start3A_110 : memref<100000x128xf32, #tpu.memory_space<hbm>>) target(%arg11 : memref<64x128xf32, #tpu.memory_space<vmem>>) offsets(%dma_start3A_107 : memref<64xi32, #tpu.memory_space<vmem>>) semaphore(%arg17 : memref<!tpu.dma_semaphore, #tpu.memory_space<semaphore_mem>>)
      %mul3A_111 = arith.constant 64 : i32
      %mul3A_112 = arith.muli %add3A_59, %mul3A_111 : i32
      %scan3A_113 = arith.constant 0 : i32
      %scan3A_114 = arith.constant 0 : i32
      %scan3A_115 = arith.constant 4 : i32
      %scan3A_116 = arith.addi %scan3A_114, %scan3A_115 : i32
      %scan3A_117 = arith.constant 1 : i32
      scf.for %scan3A_119 = %scan3A_114 to %scan3A_116 step %scan3A_117  : i32 {
        %mul3A_120 = arith.constant 16 : i32
        %mul3A_121 = arith.muli %scan3A_119, %mul3A_120 : i32
        %broadcast_in_dim3A = arith.constant 0.000000e+00 : f32
        %broadcast_in_dim3A_122 = vector.broadcast %broadcast_in_dim3A : f32 to vector<16xf32>
        %scan3A_123 = arith.constant 0 : i32
        %scan3A_124 = arith.constant 8 : i32
        %scan3A_125 = arith.addi %scan3A_123, %scan3A_124 : i32
        %scan3A_126 = arith.constant 1 : i32
        %scan3A_127:16 = scf.for %scan3A_257 = %scan3A_123 to %scan3A_125 step %scan3A_126 iter_args(%scan3A_258 = %broadcast_in_dim3A_122, %scan3A_259 = %broadcast_in_dim3A_122, %scan3A_260 = %broadcast_in_dim3A_122, %scan3A_261 = %broadcast_in_dim3A_122, %scan3A_262 = %broadcast_in_dim3A_122, %scan3A_263 = %broadcast_in_dim3A_122, %scan3A_264 = %broadcast_in_dim3A_122, %scan3A_265 = %broadcast_in_dim3A_122, %scan3A_266 = %broadcast_in_dim3A_122, %scan3A_267 = %broadcast_in_dim3A_122, %scan3A_268 = %broadcast_in_dim3A_122, %scan3A_269 = %broadcast_in_dim3A_122, %scan3A_270 = %broadcast_in_dim3A_122, %scan3A_271 = %broadcast_in_dim3A_122, %scan3A_272 = %broadcast_in_dim3A_122, %scan3A_273 = %broadcast_in_dim3A_122) -> (vector<16xf32>, vector<16xf32>, vector<16xf32>, vector<16xf32>, vector<16xf32>, vector<16xf32>, vector<16xf32>, vector<16xf32>, vector<16xf32>, vector<16xf32>, vector<16xf32>, vector<16xf32>, vector<16xf32>, vector<16xf32>, vector<16xf32>, vector<16xf32>)  : i32 {
          %mul3A_274 = arith.constant 16 : i32
          %mul3A_275 = arith.muli %scan3A_257, %mul3A_274 : i32
          %get3A = arith.index_cast %mul3A_275 : i32 to index
          %get3A_276 = tpu.vector_load %arg15[%get3A] {strides = array<i32>} : memref<128xf32, #tpu.memory_space<vmem>>, vector<16xf32>,
          %add3A_277 = arith.constant 0 : i32
          %add3A_278 = arith.addi %mul3A_121, %add3A_277 : i32
          %mul3A_279 = arith.constant 16 : i32
          %mul3A_280 = arith.muli %scan3A_257, %mul3A_279 : i32
          %get3A_281 = arith.index_cast %add3A_278 : i32 to index
          %get3A_282 = arith.index_cast %mul3A_280 : i32 to index
          %get3A_283 = tpu.vector_load %arg12[%get3A_281, %get3A_282] {strides = array<i32>} : memref<64x128xf32, #tpu.memory_space<vmem>>, vector<16xf32>,
          %add3A_284 = arith.constant 0 : i32
          %add3A_285 = arith.addi %mul3A_121, %add3A_284 : i32
          %mul3A_286 = arith.constant 16 : i32
          %mul3A_287 = arith.muli %scan3A_257, %mul3A_286 : i32
          %get3A_288 = arith.index_cast %add3A_285 : i32 to index
          %get3A_289 = arith.index_cast %mul3A_287 : i32 to index
          %get3A_290 = tpu.vector_load %arg13[%get3A_288, %get3A_289] {strides = array<i32>} : memref<64x128xf32, #tpu.memory_space<vmem>>, vector<16xf32>,
          %mul3A_291 = arith.mulf %get3A_283, %get3A_290 : vector<16xf32>
          %mul3A_292 = arith.mulf %mul3A_291, %get3A_276 : vector<16xf32>
          %add3A_293 = arith.addf %scan3A_258, %mul3A_292 : vector<16xf32>
          %add3A_294 = arith.constant 1 : i32
          %add3A_295 = arith.addi %mul3A_121, %add3A_294 : i32
          %mul3A_296 = arith.constant 16 : i32
          %mul3A_297 = arith.muli %scan3A_257, %mul3A_296 : i32
          %get3A_298 = arith.index_cast %add3A_295 : i32 to index
          %get3A_299 = arith.index_cast %mul3A_297 : i32 to index
          %get3A_300 = tpu.vector_load %arg12[%get3A_298, %get3A_299] {strides = array<i32>} : memref<64x128xf32, #tpu.memory_space<vmem>>, vector<16xf32>,
          %add3A_301 = arith.constant 1 : i32
          %add3A_302 = arith.addi %mul3A_121, %add3A_301 : i32
          %mul3A_303 = arith.constant 16 : i32
          %mul3A_304 = arith.muli %scan3A_257, %mul3A_303 : i32
          %get3A_305 = arith.index_cast %add3A_302 : i32 to index
          %get3A_306 = arith.index_cast %mul3A_304 : i32 to index
          %get3A_307 = tpu.vector_load %arg13[%get3A_305, %get3A_306] {strides = array<i32>} : memref<64x128xf32, #tpu.memory_space<vmem>>, vector<16xf32>,
          %mul3A_308 = arith.mulf %get3A_300, %get3A_307 : vector<16xf32>
          %mul3A_309 = arith.mulf %mul3A_308, %get3A_276 : vector<16xf32>
          %add3A_310 = arith.addf %scan3A_259, %mul3A_309 : vector<16xf32>
          %add3A_311 = arith.constant 2 : i32
          %add3A_312 = arith.addi %mul3A_121, %add3A_311 : i32
          %mul3A_313 = arith.constant 16 : i32
          %mul3A_314 = arith.muli %scan3A_257, %mul3A_313 : i32
          %get3A_315 = arith.index_cast %add3A_312 : i32 to index
          %get3A_316 = arith.index_cast %mul3A_314 : i32 to index
          %get3A_317 = tpu.vector_load %arg12[%get3A_315, %get3A_316] {strides = array<i32>} : memref<64x128xf32, #tpu.memory_space<vmem>>, vector<16xf32>,
          %add3A_318 = arith.constant 2 : i32
          %add3A_319 = arith.addi %mul3A_121, %add3A_318 : i32
          %mul3A_320 = arith.constant 16 : i32
          %mul3A_321 = arith.muli %scan3A_257, %mul3A_320 : i32
          %get3A_322 = arith.index_cast %add3A_319 : i32 to index
          %get3A_323 = arith.index_cast %mul3A_321 : i32 to index
          %get3A_324 = tpu.vector_load %arg13[%get3A_322, %get3A_323] {strides = array<i32>} : memref<64x128xf32, #tpu.memory_space<vmem>>, vector<16xf32>,
          %mul3A_325 = arith.mulf %get3A_317, %get3A_324 : vector<16xf32>
          %mul3A_326 = arith.mulf %mul3A_325, %get3A_276 : vector<16xf32>
          %add3A_327 = arith.addf %scan3A_260, %mul3A_326 : vector<16xf32>
          %add3A_328 = arith.constant 3 : i32
          %add3A_329 = arith.addi %mul3A_121, %add3A_328 : i32
          %mul3A_330 = arith.constant 16 : i32
          %mul3A_331 = arith.muli %scan3A_257, %mul3A_330 : i32
          %get3A_332 = arith.index_cast %add3A_329 : i32 to index
          %get3A_333 = arith.index_cast %mul3A_331 : i32 to index
          %get3A_334 = tpu.vector_load %arg12[%get3A_332, %get3A_333] {strides = array<i32>} : memref<64x128xf32, #tpu.memory_space<vmem>>, vector<16xf32>,
          %add3A_335 = arith.constant 3 : i32
          %add3A_336 = arith.addi %mul3A_121, %add3A_335 : i32
          %mul3A_337 = arith.constant 16 : i32
          %mul3A_338 = arith.muli %scan3A_257, %mul3A_337 : i32
          %get3A_339 = arith.index_cast %add3A_336 : i32 to index
          %get3A_340 = arith.index_cast %mul3A_338 : i32 to index
          %get3A_341 = tpu.vector_load %arg13[%get3A_339, %get3A_340] {strides = array<i32>} : memref<64x128xf32, #tpu.memory_space<vmem>>, vector<16xf32>,
          %mul3A_342 = arith.mulf %get3A_334, %get3A_341 : vector<16xf32>
          %mul3A_343 = arith.mulf %mul3A_342, %get3A_276 : vector<16xf32>
          %add3A_344 = arith.addf %scan3A_261, %mul3A_343 : vector<16xf32>
          %add3A_345 = arith.constant 4 : i32
          %add3A_346 = arith.addi %mul3A_121, %add3A_345 : i32
          %mul3A_347 = arith.constant 16 : i32
          %mul3A_348 = arith.muli %scan3A_257, %mul3A_347 : i32
          %get3A_349 = arith.index_cast %add3A_346 : i32 to index
          %get3A_350 = arith.index_cast %mul3A_348 : i32 to index
          %get3A_351 = tpu.vector_load %arg12[%get3A_349, %get3A_350] {strides = array<i32>} : memref<64x128xf32, #tpu.memory_space<vmem>>, vector<16xf32>,
          %add3A_352 = arith.constant 4 : i32
          %add3A_353 = arith.addi %mul3A_121, %add3A_352 : i32
          %mul3A_354 = arith.constant 16 : i32
          %mul3A_355 = arith.muli %scan3A_257, %mul3A_354 : i32
          %get3A_356 = arith.index_cast %add3A_353 : i32 to index
          %get3A_357 = arith.index_cast %mul3A_355 : i32 to index
          %get3A_358 = tpu.vector_load %arg13[%get3A_356, %get3A_357] {strides = array<i32>} : memref<64x128xf32, #tpu.memory_space<vmem>>, vector<16xf32>,
          %mul3A_359 = arith.mulf %get3A_351, %get3A_358 : vector<16xf32>
          %mul3A_360 = arith.mulf %mul3A_359, %get3A_276 : vector<16xf32>
          %add3A_361 = arith.addf %scan3A_262, %mul3A_360 : vector<16xf32>
          %add3A_362 = arith.constant 5 : i32
          %add3A_363 = arith.addi %mul3A_121, %add3A_362 : i32
          %mul3A_364 = arith.constant 16 : i32
          %mul3A_365 = arith.muli %scan3A_257, %mul3A_364 : i32
          %get3A_366 = arith.index_cast %add3A_363 : i32 to index
          %get3A_367 = arith.index_cast %mul3A_365 : i32 to index
          %get3A_368 = tpu.vector_load %arg12[%get3A_366, %get3A_367] {strides = array<i32>} : memref<64x128xf32, #tpu.memory_space<vmem>>, vector<16xf32>,
          %add3A_369 = arith.constant 5 : i32
          %add3A_370 = arith.addi %mul3A_121, %add3A_369 : i32
          %mul3A_371 = arith.constant 16 : i32
          %mul3A_372 = arith.muli %scan3A_257, %mul3A_371 : i32
          %get3A_373 = arith.index_cast %add3A_370 : i32 to index
          %get3A_374 = arith.index_cast %mul3A_372 : i32 to index
          %get3A_375 = tpu.vector_load %arg13[%get3A_373, %get3A_374] {strides = array<i32>} : memref<64x128xf32, #tpu.memory_space<vmem>>, vector<16xf32>,
          %mul3A_376 = arith.mulf %get3A_368, %get3A_375 : vector<16xf32>
          %mul3A_377 = arith.mulf %mul3A_376, %get3A_276 : vector<16xf32>
          %add3A_378 = arith.addf %scan3A_263, %mul3A_377 : vector<16xf32>
          %add3A_379 = arith.constant 6 : i32
          %add3A_380 = arith.addi %mul3A_121, %add3A_379 : i32
          %mul3A_381 = arith.constant 16 : i32
          %mul3A_382 = arith.muli %scan3A_257, %mul3A_381 : i32
          %get3A_383 = arith.index_cast %add3A_380 : i32 to index
          %get3A_384 = arith.index_cast %mul3A_382 : i32 to index
          %get3A_385 = tpu.vector_load %arg12[%get3A_383, %get3A_384] {strides = array<i32>} : memref<64x128xf32, #tpu.memory_space<vmem>>, vector<16xf32>,
          %add3A_386 = arith.constant 6 : i32
          %add3A_387 = arith.addi %mul3A_121, %add3A_386 : i32
          %mul3A_388 = arith.constant 16 : i32
          %mul3A_389 = arith.muli %scan3A_257, %mul3A_388 : i32
          %get3A_390 = arith.index_cast %add3A_387 : i32 to index
          %get3A_391 = arith.index_cast %mul3A_389 : i32 to index
          %get3A_392 = tpu.vector_load %arg13[%get3A_390, %get3A_391] {strides = array<i32>} : memref<64x128xf32, #tpu.memory_space<vmem>>, vector<16xf32>,
          %mul3A_393 = arith.mulf %get3A_385, %get3A_392 : vector<16xf32>
          %mul3A_394 = arith.mulf %mul3A_393, %get3A_276 : vector<16xf32>
          %add3A_395 = arith.addf %scan3A_264, %mul3A_394 : vector<16xf32>
          %add3A_396 = arith.constant 7 : i32
          %add3A_397 = arith.addi %mul3A_121, %add3A_396 : i32
          %mul3A_398 = arith.constant 16 : i32
          %mul3A_399 = arith.muli %scan3A_257, %mul3A_398 : i32
          %get3A_400 = arith.index_cast %add3A_397 : i32 to index
          %get3A_401 = arith.index_cast %mul3A_399 : i32 to index
          %get3A_402 = tpu.vector_load %arg12[%get3A_400, %get3A_401] {strides = array<i32>} : memref<64x128xf32, #tpu.memory_space<vmem>>, vector<16xf32>,
          %add3A_403 = arith.constant 7 : i32
          %add3A_404 = arith.addi %mul3A_121, %add3A_403 : i32
          %mul3A_405 = arith.constant 16 : i32
          %mul3A_406 = arith.muli %scan3A_257, %mul3A_405 : i32
          %get3A_407 = arith.index_cast %add3A_404 : i32 to index
          %get3A_408 = arith.index_cast %mul3A_406 : i32 to index
          %get3A_409 = tpu.vector_load %arg13[%get3A_407, %get3A_408] {strides = array<i32>} : memref<64x128xf32, #tpu.memory_space<vmem>>, vector<16xf32>,
          %mul3A_410 = arith.mulf %get3A_402, %get3A_409 : vector<16xf32>
          %mul3A_411 = arith.mulf %mul3A_410, %get3A_276 : vector<16xf32>
          %add3A_412 = arith.addf %scan3A_265, %mul3A_411 : vector<16xf32>
          %add3A_413 = arith.constant 8 : i32
          %add3A_414 = arith.addi %mul3A_121, %add3A_413 : i32
          %mul3A_415 = arith.constant 16 : i32
          %mul3A_416 = arith.muli %scan3A_257, %mul3A_415 : i32
          %get3A_417 = arith.index_cast %add3A_414 : i32 to index
          %get3A_418 = arith.index_cast %mul3A_416 : i32 to index
          %get3A_419 = tpu.vector_load %arg12[%get3A_417, %get3A_418] {strides = array<i32>} : memref<64x128xf32, #tpu.memory_space<vmem>>, vector<16xf32>,
          %add3A_420 = arith.constant 8 : i32
          %add3A_421 = arith.addi %mul3A_121, %add3A_420 : i32
          %mul3A_422 = arith.constant 16 : i32
          %mul3A_423 = arith.muli %scan3A_257, %mul3A_422 : i32
          %get3A_424 = arith.index_cast %add3A_421 : i32 to index
          %get3A_425 = arith.index_cast %mul3A_423 : i32 to index
          %get3A_426 = tpu.vector_load %arg13[%get3A_424, %get3A_425] {strides = array<i32>} : memref<64x128xf32, #tpu.memory_space<vmem>>, vector<16xf32>,
          %mul3A_427 = arith.mulf %get3A_419, %get3A_426 : vector<16xf32>
          %mul3A_428 = arith.mulf %mul3A_427, %get3A_276 : vector<16xf32>
          %add3A_429 = arith.addf %scan3A_266, %mul3A_428 : vector<16xf32>
          %add3A_430 = arith.constant 9 : i32
          %add3A_431 = arith.addi %mul3A_121, %add3A_430 : i32
          %mul3A_432 = arith.constant 16 : i32
          %mul3A_433 = arith.muli %scan3A_257, %mul3A_432 : i32
          %get3A_434 = arith.index_cast %add3A_431 : i32 to index
          %get3A_435 = arith.index_cast %mul3A_433 : i32 to index
          %get3A_436 = tpu.vector_load %arg12[%get3A_434, %get3A_435] {strides = array<i32>} : memref<64x128xf32, #tpu.memory_space<vmem>>, vector<16xf32>,
          %add3A_437 = arith.constant 9 : i32
          %add3A_438 = arith.addi %mul3A_121, %add3A_437 : i32
          %mul3A_439 = arith.constant 16 : i32
          %mul3A_440 = arith.muli %scan3A_257, %mul3A_439 : i32
          %get3A_441 = arith.index_cast %add3A_438 : i32 to index
          %get3A_442 = arith.index_cast %mul3A_440 : i32 to index
          %get3A_443 = tpu.vector_load %arg13[%get3A_441, %get3A_442] {strides = array<i32>} : memref<64x128xf32, #tpu.memory_space<vmem>>, vector<16xf32>,
          %mul3A_444 = arith.mulf %get3A_436, %get3A_443 : vector<16xf32>
          %mul3A_445 = arith.mulf %mul3A_444, %get3A_276 : vector<16xf32>
          %add3A_446 = arith.addf %scan3A_267, %mul3A_445 : vector<16xf32>
          %add3A_447 = arith.constant 10 : i32
          %add3A_448 = arith.addi %mul3A_121, %add3A_447 : i32
          %mul3A_449 = arith.constant 16 : i32
          %mul3A_450 = arith.muli %scan3A_257, %mul3A_449 : i32
          %get3A_451 = arith.index_cast %add3A_448 : i32 to index
          %get3A_452 = arith.index_cast %mul3A_450 : i32 to index
          %get3A_453 = tpu.vector_load %arg12[%get3A_451, %get3A_452] {strides = array<i32>} : memref<64x128xf32, #tpu.memory_space<vmem>>, vector<16xf32>,
          %add3A_454 = arith.constant 10 : i32
          %add3A_455 = arith.addi %mul3A_121, %add3A_454 : i32
          %mul3A_456 = arith.constant 16 : i32
          %mul3A_457 = arith.muli %scan3A_257, %mul3A_456 : i32
          %get3A_458 = arith.index_cast %add3A_455 : i32 to index
          %get3A_459 = arith.index_cast %mul3A_457 : i32 to index
          %get3A_460 = tpu.vector_load %arg13[%get3A_458, %get3A_459] {strides = array<i32>} : memref<64x128xf32, #tpu.memory_space<vmem>>, vector<16xf32>,
          %mul3A_461 = arith.mulf %get3A_453, %get3A_460 : vector<16xf32>
          %mul3A_462 = arith.mulf %mul3A_461, %get3A_276 : vector<16xf32>
          %add3A_463 = arith.addf %scan3A_268, %mul3A_462 : vector<16xf32>
          %add3A_464 = arith.constant 11 : i32
          %add3A_465 = arith.addi %mul3A_121, %add3A_464 : i32
          %mul3A_466 = arith.constant 16 : i32
          %mul3A_467 = arith.muli %scan3A_257, %mul3A_466 : i32
          %get3A_468 = arith.index_cast %add3A_465 : i32 to index
          %get3A_469 = arith.index_cast %mul3A_467 : i32 to index
          %get3A_470 = tpu.vector_load %arg12[%get3A_468, %get3A_469] {strides = array<i32>} : memref<64x128xf32, #tpu.memory_space<vmem>>, vector<16xf32>,
          %add3A_471 = arith.constant 11 : i32
          %add3A_472 = arith.addi %mul3A_121, %add3A_471 : i32
          %mul3A_473 = arith.constant 16 : i32
          %mul3A_474 = arith.muli %scan3A_257, %mul3A_473 : i32
          %get3A_475 = arith.index_cast %add3A_472 : i32 to index
          %get3A_476 = arith.index_cast %mul3A_474 : i32 to index
          %get3A_477 = tpu.vector_load %arg13[%get3A_475, %get3A_476] {strides = array<i32>} : memref<64x128xf32, #tpu.memory_space<vmem>>, vector<16xf32>,
          %mul3A_478 = arith.mulf %get3A_470, %get3A_477 : vector<16xf32>
          %mul3A_479 = arith.mulf %mul3A_478, %get3A_276 : vector<16xf32>
          %add3A_480 = arith.addf %scan3A_269, %mul3A_479 : vector<16xf32>
          %add3A_481 = arith.constant 12 : i32
          %add3A_482 = arith.addi %mul3A_121, %add3A_481 : i32
          %mul3A_483 = arith.constant 16 : i32
          %mul3A_484 = arith.muli %scan3A_257, %mul3A_483 : i32
          %get3A_485 = arith.index_cast %add3A_482 : i32 to index
          %get3A_486 = arith.index_cast %mul3A_484 : i32 to index
          %get3A_487 = tpu.vector_load %arg12[%get3A_485, %get3A_486] {strides = array<i32>} : memref<64x128xf32, #tpu.memory_space<vmem>>, vector<16xf32>,
          %add3A_488 = arith.constant 12 : i32
          %add3A_489 = arith.addi %mul3A_121, %add3A_488 : i32
          %mul3A_490 = arith.constant 16 : i32
          %mul3A_491 = arith.muli %scan3A_257, %mul3A_490 : i32
          %get3A_492 = arith.index_cast %add3A_489 : i32 to index
          %get3A_493 = arith.index_cast %mul3A_491 : i32 to index
          %get3A_494 = tpu.vector_load %arg13[%get3A_492, %get3A_493] {strides = array<i32>} : memref<64x128xf32, #tpu.memory_space<vmem>>, vector<16xf32>,
          %mul3A_495 = arith.mulf %get3A_487, %get3A_494 : vector<16xf32>
          %mul3A_496 = arith.mulf %mul3A_495, %get3A_276 : vector<16xf32>
          %add3A_497 = arith.addf %scan3A_270, %mul3A_496 : vector<16xf32>
          %add3A_498 = arith.constant 13 : i32
          %add3A_499 = arith.addi %mul3A_121, %add3A_498 : i32
          %mul3A_500 = arith.constant 16 : i32
          %mul3A_501 = arith.muli %scan3A_257, %mul3A_500 : i32
          %get3A_502 = arith.index_cast %add3A_499 : i32 to index
          %get3A_503 = arith.index_cast %mul3A_501 : i32 to index
          %get3A_504 = tpu.vector_load %arg12[%get3A_502, %get3A_503] {strides = array<i32>} : memref<64x128xf32, #tpu.memory_space<vmem>>, vector<16xf32>,
          %add3A_505 = arith.constant 13 : i32
          %add3A_506 = arith.addi %mul3A_121, %add3A_505 : i32
          %mul3A_507 = arith.constant 16 : i32
          %mul3A_508 = arith.muli %scan3A_257, %mul3A_507 : i32
          %get3A_509 = arith.index_cast %add3A_506 : i32 to index
          %get3A_510 = arith.index_cast %mul3A_508 : i32 to index
          %get3A_511 = tpu.vector_load %arg13[%get3A_509, %get3A_510] {strides = array<i32>} : memref<64x128xf32, #tpu.memory_space<vmem>>, vector<16xf32>,
          %mul3A_512 = arith.mulf %get3A_504, %get3A_511 : vector<16xf32>
          %mul3A_513 = arith.mulf %mul3A_512, %get3A_276 : vector<16xf32>
          %add3A_514 = arith.addf %scan3A_271, %mul3A_513 : vector<16xf32>
          %add3A_515 = arith.constant 14 : i32
          %add3A_516 = arith.addi %mul3A_121, %add3A_515 : i32
          %mul3A_517 = arith.constant 16 : i32
          %mul3A_518 = arith.muli %scan3A_257, %mul3A_517 : i32
          %get3A_519 = arith.index_cast %add3A_516 : i32 to index
          %get3A_520 = arith.index_cast %mul3A_518 : i32 to index
          %get3A_521 = tpu.vector_load %arg12[%get3A_519, %get3A_520] {strides = array<i32>} : memref<64x128xf32, #tpu.memory_space<vmem>>, vector<16xf32>,
          %add3A_522 = arith.constant 14 : i32
          %add3A_523 = arith.addi %mul3A_121, %add3A_522 : i32
          %mul3A_524 = arith.constant 16 : i32
          %mul3A_525 = arith.muli %scan3A_257, %mul3A_524 : i32
          %get3A_526 = arith.index_cast %add3A_523 : i32 to index
          %get3A_527 = arith.index_cast %mul3A_525 : i32 to index
          %get3A_528 = tpu.vector_load %arg13[%get3A_526, %get3A_527] {strides = array<i32>} : memref<64x128xf32, #tpu.memory_space<vmem>>, vector<16xf32>,
          %mul3A_529 = arith.mulf %get3A_521, %get3A_528 : vector<16xf32>
          %mul3A_530 = arith.mulf %mul3A_529, %get3A_276 : vector<16xf32>
          %add3A_531 = arith.addf %scan3A_272, %mul3A_530 : vector<16xf32>
          %add3A_532 = arith.constant 15 : i32
          %add3A_533 = arith.addi %mul3A_121, %add3A_532 : i32
          %mul3A_534 = arith.constant 16 : i32
          %mul3A_535 = arith.muli %scan3A_257, %mul3A_534 : i32
          %get3A_536 = arith.index_cast %add3A_533 : i32 to index
          %get3A_537 = arith.index_cast %mul3A_535 : i32 to index
          %get3A_538 = tpu.vector_load %arg12[%get3A_536, %get3A_537] {strides = array<i32>} : memref<64x128xf32, #tpu.memory_space<vmem>>, vector<16xf32>,
          %add3A_539 = arith.constant 15 : i32
          %add3A_540 = arith.addi %mul3A_121, %add3A_539 : i32
          %mul3A_541 = arith.constant 16 : i32
          %mul3A_542 = arith.muli %scan3A_257, %mul3A_541 : i32
          %get3A_543 = arith.index_cast %add3A_540 : i32 to index
          %get3A_544 = arith.index_cast %mul3A_542 : i32 to index
          %get3A_545 = tpu.vector_load %arg13[%get3A_543, %get3A_544] {strides = array<i32>} : memref<64x128xf32, #tpu.memory_space<vmem>>, vector<16xf32>,
          %mul3A_546 = arith.mulf %get3A_538, %get3A_545 : vector<16xf32>
          %mul3A_547 = arith.mulf %mul3A_546, %get3A_276 : vector<16xf32>
          %add3A_548 = arith.addf %scan3A_273, %mul3A_547 : vector<16xf32>
          scf.yield %add3A_293, %add3A_310, %add3A_327, %add3A_344, %add3A_361, %add3A_378, %add3A_395, %add3A_412, %add3A_429, %add3A_446, %add3A_463, %add3A_480, %add3A_497, %add3A_514, %add3A_531, %add3A_548 : vector<16xf32>, vector<16xf32>, vector<16xf32>, vector<16xf32>, vector<16xf32>, vector<16xf32>, vector<16xf32>, vector<16xf32>, vector<16xf32>, vector<16xf32>, vector<16xf32>, vector<16xf32>, vector<16xf32>, vector<16xf32>, vector<16xf32>, vector<16xf32>
        }
        %scan3A_128 = arith.constant 8 : i32
        %swap3A = arith.constant 0 : i32
        %swap3A_129 = arith.index_cast %swap3A : i32 to index
        %swap3A_130 = arith.constant 0 : index
        %swap3A_131 = tpu.vector_load %arg16[%swap3A_129, %swap3A_130] {strides = array<i32>} : memref<16x16xf32, #tpu.memory_space<vmem>>, vector<16xf32>,
        tpu.vector_store %arg16[%swap3A_129, %swap3A_130], %scan3A_127#0 {strides = array<i32>} : memref<16x16xf32, #tpu.memory_space<vmem>>, vector<16xf32>,
        %swap3A_132 = arith.constant 1 : i32
        %swap3A_133 = arith.index_cast %swap3A_132 : i32 to index
        %swap3A_134 = arith.constant 0 : index
        %swap3A_135 = tpu.vector_load %arg16[%swap3A_133, %swap3A_134] {strides = array<i32>} : memref<16x16xf32, #tpu.memory_space<vmem>>, vector<16xf32>,
        tpu.vector_store %arg16[%swap3A_133, %swap3A_134], %scan3A_127#1 {strides = array<i32>} : memref<16x16xf32, #tpu.memory_space<vmem>>, vector<16xf32>,
        %swap3A_136 = arith.constant 2 : i32
        %swap3A_137 = arith.index_cast %swap3A_136 : i32 to index
        %swap3A_138 = arith.constant 0 : index
        %swap3A_139 = tpu.vector_load %arg16[%swap3A_137, %swap3A_138] {strides = array<i32>} : memref<16x16xf32, #tpu.memory_space<vmem>>, vector<16xf32>,
        tpu.vector_store %arg16[%swap3A_137, %swap3A_138], %scan3A_127#2 {strides = array<i32>} : memref<16x16xf32, #tpu.memory_space<vmem>>, vector<16xf32>,
        %swap3A_140 = arith.constant 3 : i32
        %swap3A_141 = arith.index_cast %swap3A_140 : i32 to index
        %swap3A_142 = arith.constant 0 : index
        %swap3A_143 = tpu.vector_load %arg16[%swap3A_141, %swap3A_142] {strides = array<i32>} : memref<16x16xf32, #tpu.memory_space<vmem>>, vector<16xf32>,
        tpu.vector_store %arg16[%swap3A_141, %swap3A_142], %scan3A_127#3 {strides = array<i32>} : memref<16x16xf32, #tpu.memory_space<vmem>>, vector<16xf32>,
        %swap3A_144 = arith.constant 4 : i32
        %swap3A_145 = arith.index_cast %swap3A_144 : i32 to index
        %swap3A_146 = arith.constant 0 : index
        %swap3A_147 = tpu.vector_load %arg16[%swap3A_145, %swap3A_146] {strides = array<i32>} : memref<16x16xf32, #tpu.memory_space<vmem>>, vector<16xf32>,
        tpu.vector_store %arg16[%swap3A_145, %swap3A_146], %scan3A_127#4 {strides = array<i32>} : memref<16x16xf32, #tpu.memory_space<vmem>>, vector<16xf32>,
        %swap3A_148 = arith.constant 5 : i32
        %swap3A_149 = arith.index_cast %swap3A_148 : i32 to index
        %swap3A_150 = arith.constant 0 : index
        %swap3A_151 = tpu.vector_load %arg16[%swap3A_149, %swap3A_150] {strides = array<i32>} : memref<16x16xf32, #tpu.memory_space<vmem>>, vector<16xf32>,
        tpu.vector_store %arg16[%swap3A_149, %swap3A_150], %scan3A_127#5 {strides = array<i32>} : memref<16x16xf32, #tpu.memory_space<vmem>>, vector<16xf32>,
        %swap3A_152 = arith.constant 6 : i32
        %swap3A_153 = arith.index_cast %swap3A_152 : i32 to index
        %swap3A_154 = arith.constant 0 : index
        %swap3A_155 = tpu.vector_load %arg16[%swap3A_153, %swap3A_154] {strides = array<i32>} : memref<16x16xf32, #tpu.memory_space<vmem>>, vector<16xf32>,
        tpu.vector_store %arg16[%swap3A_153, %swap3A_154], %scan3A_127#6 {strides = array<i32>} : memref<16x16xf32, #tpu.memory_space<vmem>>, vector<16xf32>,
        %swap3A_156 = arith.constant 7 : i32
        %swap3A_157 = arith.index_cast %swap3A_156 : i32 to index
        %swap3A_158 = arith.constant 0 : index
        %swap3A_159 = tpu.vector_load %arg16[%swap3A_157, %swap3A_158] {strides = array<i32>} : memref<16x16xf32, #tpu.memory_space<vmem>>, vector<16xf32>,
        tpu.vector_store %arg16[%swap3A_157, %swap3A_158], %scan3A_127#7 {strides = array<i32>} : memref<16x16xf32, #tpu.memory_space<vmem>>, vector<16xf32>,
        %swap3A_160 = arith.constant 8 : i32
        %swap3A_161 = arith.index_cast %swap3A_160 : i32 to index
        %swap3A_162 = arith.constant 0 : index
        %swap3A_163 = tpu.vector_load %arg16[%swap3A_161, %swap3A_162] {strides = array<i32>} : memref<16x16xf32, #tpu.memory_space<vmem>>, vector<16xf32>,
        tpu.vector_store %arg16[%swap3A_161, %swap3A_162], %scan3A_127#8 {strides = array<i32>} : memref<16x16xf32, #tpu.memory_space<vmem>>, vector<16xf32>,
        %swap3A_164 = arith.constant 9 : i32
        %swap3A_165 = arith.index_cast %swap3A_164 : i32 to index
        %swap3A_166 = arith.constant 0 : index
        %swap3A_167 = tpu.vector_load %arg16[%swap3A_165, %swap3A_166] {strides = array<i32>} : memref<16x16xf32, #tpu.memory_space<vmem>>, vector<16xf32>,
        tpu.vector_store %arg16[%swap3A_165, %swap3A_166], %scan3A_127#9 {strides = array<i32>} : memref<16x16xf32, #tpu.memory_space<vmem>>, vector<16xf32>,
        %swap3A_168 = arith.constant 10 : i32
        %swap3A_169 = arith.index_cast %swap3A_168 : i32 to index
        %swap3A_170 = arith.constant 0 : index
        %swap3A_171 = tpu.vector_load %arg16[%swap3A_169, %swap3A_170] {strides = array<i32>} : memref<16x16xf32, #tpu.memory_space<vmem>>, vector<16xf32>,
        tpu.vector_store %arg16[%swap3A_169, %swap3A_170], %scan3A_127#10 {strides = array<i32>} : memref<16x16xf32, #tpu.memory_space<vmem>>, vector<16xf32>,
        %swap3A_172 = arith.constant 11 : i32
        %swap3A_173 = arith.index_cast %swap3A_172 : i32 to index
        %swap3A_174 = arith.constant 0 : index
        %swap3A_175 = tpu.vector_load %arg16[%swap3A_173, %swap3A_174] {strides = array<i32>} : memref<16x16xf32, #tpu.memory_space<vmem>>, vector<16xf32>,
        tpu.vector_store %arg16[%swap3A_173, %swap3A_174], %scan3A_127#11 {strides = array<i32>} : memref<16x16xf32, #tpu.memory_space<vmem>>, vector<16xf32>,
        %swap3A_176 = arith.constant 12 : i32
        %swap3A_177 = arith.index_cast %swap3A_176 : i32 to index
        %swap3A_178 = arith.constant 0 : index
        %swap3A_179 = tpu.vector_load %arg16[%swap3A_177, %swap3A_178] {strides = array<i32>} : memref<16x16xf32, #tpu.memory_space<vmem>>, vector<16xf32>,
        tpu.vector_store %arg16[%swap3A_177, %swap3A_178], %scan3A_127#12 {strides = array<i32>} : memref<16x16xf32, #tpu.memory_space<vmem>>, vector<16xf32>,
        %swap3A_180 = arith.constant 13 : i32
        %swap3A_181 = arith.index_cast %swap3A_180 : i32 to index
        %swap3A_182 = arith.constant 0 : index
        %swap3A_183 = tpu.vector_load %arg16[%swap3A_181, %swap3A_182] {strides = array<i32>} : memref<16x16xf32, #tpu.memory_space<vmem>>, vector<16xf32>,
        tpu.vector_store %arg16[%swap3A_181, %swap3A_182], %scan3A_127#13 {strides = array<i32>} : memref<16x16xf32, #tpu.memory_space<vmem>>, vector<16xf32>,
        %swap3A_184 = arith.constant 14 : i32
        %swap3A_185 = arith.index_cast %swap3A_184 : i32 to index
        %swap3A_186 = arith.constant 0 : index
        %swap3A_187 = tpu.vector_load %arg16[%swap3A_185, %swap3A_186] {strides = array<i32>} : memref<16x16xf32, #tpu.memory_space<vmem>>, vector<16xf32>,
        tpu.vector_store %arg16[%swap3A_185, %swap3A_186], %scan3A_127#14 {strides = array<i32>} : memref<16x16xf32, #tpu.memory_space<vmem>>, vector<16xf32>,
        %swap3A_188 = arith.constant 15 : i32
        %swap3A_189 = arith.index_cast %swap3A_188 : i32 to index
        %swap3A_190 = arith.constant 0 : index
        %swap3A_191 = tpu.vector_load %arg16[%swap3A_189, %swap3A_190] {strides = array<i32>} : memref<16x16xf32, #tpu.memory_space<vmem>>, vector<16xf32>,
        tpu.vector_store %arg16[%swap3A_189, %swap3A_190], %scan3A_127#15 {strides = array<i32>} : memref<16x16xf32, #tpu.memory_space<vmem>>, vector<16xf32>,
        %broadcast_in_dim3A_192 = arith.constant 0 : i32
        %broadcast_in_dim3A_193 = vector.broadcast %broadcast_in_dim3A_192 : i32 to vector<16xi32>
        %gather3A = tpu.vector_load_idx %arg16[%iota3A, %broadcast_in_dim3A_193] : memref<16x16xf32, #tpu.memory_space<vmem>>[vector<16xi32>, vector<16xi32>], vector<16xf32>,
        %broadcast_in_dim3A_194 = arith.constant 1 : i32
        %broadcast_in_dim3A_195 = vector.broadcast %broadcast_in_dim3A_194 : i32 to vector<16xi32>
        %gather3A_196 = tpu.vector_load_idx %arg16[%iota3A, %broadcast_in_dim3A_195] : memref<16x16xf32, #tpu.memory_space<vmem>>[vector<16xi32>, vector<16xi32>], vector<16xf32>,
        %add3A_197 = arith.addf %gather3A, %gather3A_196 : vector<16xf32>
        %broadcast_in_dim3A_198 = arith.constant 2 : i32
        %broadcast_in_dim3A_199 = vector.broadcast %broadcast_in_dim3A_198 : i32 to vector<16xi32>
        %gather3A_200 = tpu.vector_load_idx %arg16[%iota3A, %broadcast_in_dim3A_199] : memref<16x16xf32, #tpu.memory_space<vmem>>[vector<16xi32>, vector<16xi32>], vector<16xf32>,
        %add3A_201 = arith.addf %add3A_197, %gather3A_200 : vector<16xf32>
        %broadcast_in_dim3A_202 = arith.constant 3 : i32
        %broadcast_in_dim3A_203 = vector.broadcast %broadcast_in_dim3A_202 : i32 to vector<16xi32>
        %gather3A_204 = tpu.vector_load_idx %arg16[%iota3A, %broadcast_in_dim3A_203] : memref<16x16xf32, #tpu.memory_space<vmem>>[vector<16xi32>, vector<16xi32>], vector<16xf32>,
        %add3A_205 = arith.addf %add3A_201, %gather3A_204 : vector<16xf32>
        %broadcast_in_dim3A_206 = arith.constant 4 : i32
        %broadcast_in_dim3A_207 = vector.broadcast %broadcast_in_dim3A_206 : i32 to vector<16xi32>
        %gather3A_208 = tpu.vector_load_idx %arg16[%iota3A, %broadcast_in_dim3A_207] : memref<16x16xf32, #tpu.memory_space<vmem>>[vector<16xi32>, vector<16xi32>], vector<16xf32>,
        %add3A_209 = arith.addf %add3A_205, %gather3A_208 : vector<16xf32>
        %broadcast_in_dim3A_210 = arith.constant 5 : i32
        %broadcast_in_dim3A_211 = vector.broadcast %broadcast_in_dim3A_210 : i32 to vector<16xi32>
        %gather3A_212 = tpu.vector_load_idx %arg16[%iota3A, %broadcast_in_dim3A_211] : memref<16x16xf32, #tpu.memory_space<vmem>>[vector<16xi32>, vector<16xi32>], vector<16xf32>,
        %add3A_213 = arith.addf %add3A_209, %gather3A_212 : vector<16xf32>
        %broadcast_in_dim3A_214 = arith.constant 6 : i32
        %broadcast_in_dim3A_215 = vector.broadcast %broadcast_in_dim3A_214 : i32 to vector<16xi32>
        %gather3A_216 = tpu.vector_load_idx %arg16[%iota3A, %broadcast_in_dim3A_215] : memref<16x16xf32, #tpu.memory_space<vmem>>[vector<16xi32>, vector<16xi32>], vector<16xf32>,
        %add3A_217 = arith.addf %add3A_213, %gather3A_216 : vector<16xf32>
        %broadcast_in_dim3A_218 = arith.constant 7 : i32
        %broadcast_in_dim3A_219 = vector.broadcast %broadcast_in_dim3A_218 : i32 to vector<16xi32>
        %gather3A_220 = tpu.vector_load_idx %arg16[%iota3A, %broadcast_in_dim3A_219] : memref<16x16xf32, #tpu.memory_space<vmem>>[vector<16xi32>, vector<16xi32>], vector<16xf32>,
        %add3A_221 = arith.addf %add3A_217, %gather3A_220 : vector<16xf32>
        %broadcast_in_dim3A_222 = arith.constant 8 : i32
        %broadcast_in_dim3A_223 = vector.broadcast %broadcast_in_dim3A_222 : i32 to vector<16xi32>
        %gather3A_224 = tpu.vector_load_idx %arg16[%iota3A, %broadcast_in_dim3A_223] : memref<16x16xf32, #tpu.memory_space<vmem>>[vector<16xi32>, vector<16xi32>], vector<16xf32>,
        %add3A_225 = arith.addf %add3A_221, %gather3A_224 : vector<16xf32>
        %broadcast_in_dim3A_226 = arith.constant 9 : i32
        %broadcast_in_dim3A_227 = vector.broadcast %broadcast_in_dim3A_226 : i32 to vector<16xi32>
        %gather3A_228 = tpu.vector_load_idx %arg16[%iota3A, %broadcast_in_dim3A_227] : memref<16x16xf32, #tpu.memory_space<vmem>>[vector<16xi32>, vector<16xi32>], vector<16xf32>,
        %add3A_229 = arith.addf %add3A_225, %gather3A_228 : vector<16xf32>
        %broadcast_in_dim3A_230 = arith.constant 10 : i32
        %broadcast_in_dim3A_231 = vector.broadcast %broadcast_in_dim3A_230 : i32 to vector<16xi32>
        %gather3A_232 = tpu.vector_load_idx %arg16[%iota3A, %broadcast_in_dim3A_231] : memref<16x16xf32, #tpu.memory_space<vmem>>[vector<16xi32>, vector<16xi32>], vector<16xf32>,
        %add3A_233 = arith.addf %add3A_229, %gather3A_232 : vector<16xf32>
        %broadcast_in_dim3A_234 = arith.constant 11 : i32
        %broadcast_in_dim3A_235 = vector.broadcast %broadcast_in_dim3A_234 : i32 to vector<16xi32>
        %gather3A_236 = tpu.vector_load_idx %arg16[%iota3A, %broadcast_in_dim3A_235] : memref<16x16xf32, #tpu.memory_space<vmem>>[vector<16xi32>, vector<16xi32>], vector<16xf32>,
        %add3A_237 = arith.addf %add3A_233, %gather3A_236 : vector<16xf32>
        %broadcast_in_dim3A_238 = arith.constant 12 : i32
        %broadcast_in_dim3A_239 = vector.broadcast %broadcast_in_dim3A_238 : i32 to vector<16xi32>
        %gather3A_240 = tpu.vector_load_idx %arg16[%iota3A, %broadcast_in_dim3A_239] : memref<16x16xf32, #tpu.memory_space<vmem>>[vector<16xi32>, vector<16xi32>], vector<16xf32>,
        %add3A_241 = arith.addf %add3A_237, %gather3A_240 : vector<16xf32>
        %broadcast_in_dim3A_242 = arith.constant 13 : i32
        %broadcast_in_dim3A_243 = vector.broadcast %broadcast_in_dim3A_242 : i32 to vector<16xi32>
        %gather3A_244 = tpu.vector_load_idx %arg16[%iota3A, %broadcast_in_dim3A_243] : memref<16x16xf32, #tpu.memory_space<vmem>>[vector<16xi32>, vector<16xi32>], vector<16xf32>,
        %add3A_245 = arith.addf %add3A_241, %gather3A_244 : vector<16xf32>
        %broadcast_in_dim3A_246 = arith.constant 14 : i32
        %broadcast_in_dim3A_247 = vector.broadcast %broadcast_in_dim3A_246 : i32 to vector<16xi32>
        %gather3A_248 = tpu.vector_load_idx %arg16[%iota3A, %broadcast_in_dim3A_247] : memref<16x16xf32, #tpu.memory_space<vmem>>[vector<16xi32>, vector<16xi32>], vector<16xf32>,
        %add3A_249 = arith.addf %add3A_245, %gather3A_248 : vector<16xf32>
        %broadcast_in_dim3A_250 = arith.constant 15 : i32
        %broadcast_in_dim3A_251 = vector.broadcast %broadcast_in_dim3A_250 : i32 to vector<16xi32>
        %gather3A_252 = tpu.vector_load_idx %arg16[%iota3A, %broadcast_in_dim3A_251] : memref<16x16xf32, #tpu.memory_space<vmem>>[vector<16xi32>, vector<16xi32>], vector<16xf32>,
        %add3A_253 = arith.addf %add3A_249, %gather3A_252 : vector<16xf32>
        %add3A_254 = arith.addi %mul3A_112, %mul3A_121 : i32
        %swap3A_255 = arith.index_cast %add3A_254 : i32 to index
        %swap3A_256 = tpu.vector_load %arg14[%swap3A_255] {strides = array<i32>} : memref<19328xf32, #tpu.memory_space<vmem>>, vector<16xf32>,
        tpu.vector_store %arg14[%swap3A_255], %add3A_253 {strides = array<i32>} : memref<19328xf32, #tpu.memory_space<vmem>>, vector<16xf32>,
      }
      %scan3A_118 = arith.constant 4 : i32
    }
    %while3A_42 = arith.constant 1 : i32
    scf.for %while3A_55 = %while3A_40 to %while3A_36 step %while3A_42  : i32 {
      %mul3A_56 = arith.constant 2 : i32
      %mul3A_57 = arith.muli %mul3A_56, %while3A_55 : i32
      %add3A_58 = arith.constant 1 : i32
      %add3A_59 = arith.addi %mul3A_57, %add3A_58 : i32
      %mul3A_60 = arith.constant 64 : i32
      %mul3A_61 = arith.muli %mul3A_57, %mul3A_60 : i32
      %dma_wait3A_62 = tpu.memref_slice %arg8[%mul3A_61] : memref<19328xi32, #tpu.memory_space<vmem>> -> memref<64xi32, #tpu.memory_space<vmem>>
      %dma_wait3A_63 = arith.constant 0 : i32
      %dma_wait3A_64 = arith.constant 0 : i32
      %dma_wait3A_65 = tpu.memref_slice %arg4[%dma_wait3A_63, %dma_wait3A_64] : memref<100000x128xf32, #tpu.memory_space<hbm>> -> memref<100000x128xf32, #tpu.memory_space<hbm>>
      tpu.wait_indirect_dma semaphore(%arg17 : memref<!tpu.dma_semaphore, #tpu.memory_space<semaphore_mem>>) src(%dma_wait3A_65 : memref<100000x128xf32, #tpu.memory_space<hbm>>) dst(%arg10 : memref<64x128xf32, #tpu.memory_space<vmem>>)
      %dma_wait3A_66 = tpu.memref_slice %arg9[%mul3A_61] : memref<19328xi32, #tpu.memory_space<vmem>> -> memref<64xi32, #tpu.memory_space<vmem>>
      %dma_wait3A_67 = arith.constant 0 : i32
      %dma_wait3A_68 = arith.constant 0 : i32
      %dma_wait3A_69 = tpu.memref_slice %arg5[%dma_wait3A_67, %dma_wait3A_68] : memref<100000x128xf32, #tpu.memory_space<hbm>> -> memref<100000x128xf32, #tpu.memory_space<hbm>>
      tpu.wait_indirect_dma semaphore(%arg17 : memref<!tpu.dma_semaphore, #tpu.memory_space<semaphore_mem>>) src(%dma_wait3A_69 : memref<100000x128xf32, #tpu.memory_space<hbm>>) dst(%arg11 : memref<64x128xf32, #tpu.memory_space<vmem>>)
      %mul3A_70 = arith.constant 64 : i32
      %mul3A_71 = arith.muli %add3A_59, %mul3A_70 : i32
      %dma_start3A_72 = tpu.memref_slice %arg8[%mul3A_71] : memref<19328xi32, #tpu.memory_space<vmem>> -> memref<64xi32, #tpu.memory_space<vmem>>
      %dma_start3A_73 = arith.constant 0 : i32
      %dma_start3A_74 = arith.constant 0 : i32
      %dma_start3A_75 = tpu.memref_slice %arg4[%dma_start3A_73, %dma_start3A_74] : memref<100000x128xf32, #tpu.memory_space<hbm>> -> memref<100000x128xf32, #tpu.memory_space<hbm>>
      tpu.enqueue_indirect_dma source(%dma_start3A_75 : memref<100000x128xf32, #tpu.memory_space<hbm>>) target(%arg12 : memref<64x128xf32, #tpu.memory_space<vmem>>) offsets(%dma_start3A_72 : memref<64xi32, #tpu.memory_space<vmem>>) semaphore(%arg18 : memref<!tpu.dma_semaphore, #tpu.memory_space<semaphore_mem>>)
      %dma_start3A_76 = tpu.memref_slice %arg9[%mul3A_71] : memref<19328xi32, #tpu.memory_space<vmem>> -> memref<64xi32, #tpu.memory_space<vmem>>
      %dma_start3A_77 = arith.constant 0 : i32
      %dma_start3A_78 = arith.constant 0 : i32
      %dma_start3A_79 = tpu.memref_slice %arg5[%dma_start3A_77, %dma_start3A_78] : memref<100000x128xf32, #tpu.memory_space<hbm>> -> memref<100000x128xf32, #tpu.memory_space<hbm>>
      tpu.enqueue_indirect_dma source(%dma_start3A_79 : memref<100000x128xf32, #tpu.memory_space<hbm>>) target(%arg13 : memref<64x128xf32, #tpu.memory_space<vmem>>) offsets(%dma_start3A_76 : memref<64xi32, #tpu.memory_space<vmem>>) semaphore(%arg18 : memref<!tpu.dma_semaphore, #tpu.memory_space<semaphore_mem>>)
      %mul3A_80 = arith.constant 64 : i32
      %mul3A_81 = arith.muli %mul3A_57, %mul3A_80 : i32
      %scan3A = arith.constant 0 : i32
      %scan3A_82 = arith.constant 0 : i32
      %scan3A_83 = arith.constant 4 : i32
      %scan3A_84 = arith.addi %scan3A_82, %scan3A_83 : i32
      %scan3A_85 = arith.constant 1 : i32
      scf.for %scan3A_119 = %scan3A_82 to %scan3A_84 step %scan3A_85  : i32 {
        %mul3A_120 = arith.constant 16 : i32
        %mul3A_121 = arith.muli %scan3A_119, %mul3A_120 : i32
        %broadcast_in_dim3A = arith.constant 0.000000e+00 : f32
        %broadcast_in_dim3A_122 = vector.broadcast %broadcast_in_dim3A : f32 to vector<16xf32>
        %scan3A_123 = arith.constant 0 : i32
        %scan3A_124 = arith.constant 8 : i32
        %scan3A_125 = arith.addi %scan3A_123, %scan3A_124 : i32
        %scan3A_126 = arith.constant 1 : i32
        %scan3A_127:16 = scf.for %scan3A_257 = %scan3A_123 to %scan3A_125 step %scan3A_126 iter_args(%scan3A_258 = %broadcast_in_dim3A_122, %scan3A_259 = %broadcast_in_dim3A_122, %scan3A_260 = %broadcast_in_dim3A_122, %scan3A_261 = %broadcast_in_dim3A_122, %scan3A_262 = %broadcast_in_dim3A_122, %scan3A_263 = %broadcast_in_dim3A_122, %scan3A_264 = %broadcast_in_dim3A_122, %scan3A_265 = %broadcast_in_dim3A_122, %scan3A_266 = %broadcast_in_dim3A_122, %scan3A_267 = %broadcast_in_dim3A_122, %scan3A_268 = %broadcast_in_dim3A_122, %scan3A_269 = %broadcast_in_dim3A_122, %scan3A_270 = %broadcast_in_dim3A_122, %scan3A_271 = %broadcast_in_dim3A_122, %scan3A_272 = %broadcast_in_dim3A_122, %scan3A_273 = %broadcast_in_dim3A_122) -> (vector<16xf32>, vector<16xf32>, vector<16xf32>, vector<16xf32>, vector<16xf32>, vector<16xf32>, vector<16xf32>, vector<16xf32>, vector<16xf32>, vector<16xf32>, vector<16xf32>, vector<16xf32>, vector<16xf32>, vector<16xf32>, vector<16xf32>, vector<16xf32>)  : i32 {
          %mul3A_274 = arith.constant 16 : i32
          %mul3A_275 = arith.muli %scan3A_257, %mul3A_274 : i32
          %get3A = arith.index_cast %mul3A_275 : i32 to index
          %get3A_276 = tpu.vector_load %arg15[%get3A] {strides = array<i32>} : memref<128xf32, #tpu.memory_space<vmem>>, vector<16xf32>,
          %add3A_277 = arith.constant 0 : i32
          %add3A_278 = arith.addi %mul3A_121, %add3A_277 : i32
          %mul3A_279 = arith.constant 16 : i32
          %mul3A_280 = arith.muli %scan3A_257, %mul3A_279 : i32
          %get3A_281 = arith.index_cast %add3A_278 : i32 to index
          %get3A_282 = arith.index_cast %mul3A_280 : i32 to index
          %get3A_283 = tpu.vector_load %arg10[%get3A_281, %get3A_282] {strides = array<i32>} : memref<64x128xf32, #tpu.memory_space<vmem>>, vector<16xf32>,
          %add3A_284 = arith.constant 0 : i32
          %add3A_285 = arith.addi %mul3A_121, %add3A_284 : i32
          %mul3A_286 = arith.constant 16 : i32
          %mul3A_287 = arith.muli %scan3A_257, %mul3A_286 : i32
          %get3A_288 = arith.index_cast %add3A_285 : i32 to index
          %get3A_289 = arith.index_cast %mul3A_287 : i32 to index
          %get3A_290 = tpu.vector_load %arg11[%get3A_288, %get3A_289] {strides = array<i32>} : memref<64x128xf32, #tpu.memory_space<vmem>>, vector<16xf32>,
          %mul3A_291 = arith.mulf %get3A_283, %get3A_290 : vector<16xf32>
          %mul3A_292 = arith.mulf %mul3A_291, %get3A_276 : vector<16xf32>
          %add3A_293 = arith.addf %scan3A_258, %mul3A_292 : vector<16xf32>
          %add3A_294 = arith.constant 1 : i32
          %add3A_295 = arith.addi %mul3A_121, %add3A_294 : i32
          %mul3A_296 = arith.constant 16 : i32
          %mul3A_297 = arith.muli %scan3A_257, %mul3A_296 : i32
          %get3A_298 = arith.index_cast %add3A_295 : i32 to index
          %get3A_299 = arith.index_cast %mul3A_297 : i32 to index
          %get3A_300 = tpu.vector_load %arg10[%get3A_298, %get3A_299] {strides = array<i32>} : memref<64x128xf32, #tpu.memory_space<vmem>>, vector<16xf32>,
          %add3A_301 = arith.constant 1 : i32
          %add3A_302 = arith.addi %mul3A_121, %add3A_301 : i32
          %mul3A_303 = arith.constant 16 : i32
          %mul3A_304 = arith.muli %scan3A_257, %mul3A_303 : i32
          %get3A_305 = arith.index_cast %add3A_302 : i32 to index
          %get3A_306 = arith.index_cast %mul3A_304 : i32 to index
          %get3A_307 = tpu.vector_load %arg11[%get3A_305, %get3A_306] {strides = array<i32>} : memref<64x128xf32, #tpu.memory_space<vmem>>, vector<16xf32>,
          %mul3A_308 = arith.mulf %get3A_300, %get3A_307 : vector<16xf32>
          %mul3A_309 = arith.mulf %mul3A_308, %get3A_276 : vector<16xf32>
          %add3A_310 = arith.addf %scan3A_259, %mul3A_309 : vector<16xf32>
          %add3A_311 = arith.constant 2 : i32
          %add3A_312 = arith.addi %mul3A_121, %add3A_311 : i32
          %mul3A_313 = arith.constant 16 : i32
          %mul3A_314 = arith.muli %scan3A_257, %mul3A_313 : i32
          %get3A_315 = arith.index_cast %add3A_312 : i32 to index
          %get3A_316 = arith.index_cast %mul3A_314 : i32 to index
          %get3A_317 = tpu.vector_load %arg10[%get3A_315, %get3A_316] {strides = array<i32>} : memref<64x128xf32, #tpu.memory_space<vmem>>, vector<16xf32>,
          %add3A_318 = arith.constant 2 : i32
          %add3A_319 = arith.addi %mul3A_121, %add3A_318 : i32
          %mul3A_320 = arith.constant 16 : i32
          %mul3A_321 = arith.muli %scan3A_257, %mul3A_320 : i32
          %get3A_322 = arith.index_cast %add3A_319 : i32 to index
          %get3A_323 = arith.index_cast %mul3A_321 : i32 to index
          %get3A_324 = tpu.vector_load %arg11[%get3A_322, %get3A_323] {strides = array<i32>} : memref<64x128xf32, #tpu.memory_space<vmem>>, vector<16xf32>,
          %mul3A_325 = arith.mulf %get3A_317, %get3A_324 : vector<16xf32>
          %mul3A_326 = arith.mulf %mul3A_325, %get3A_276 : vector<16xf32>
          %add3A_327 = arith.addf %scan3A_260, %mul3A_326 : vector<16xf32>
          %add3A_328 = arith.constant 3 : i32
          %add3A_329 = arith.addi %mul3A_121, %add3A_328 : i32
          %mul3A_330 = arith.constant 16 : i32
          %mul3A_331 = arith.muli %scan3A_257, %mul3A_330 : i32
          %get3A_332 = arith.index_cast %add3A_329 : i32 to index
          %get3A_333 = arith.index_cast %mul3A_331 : i32 to index
          %get3A_334 = tpu.vector_load %arg10[%get3A_332, %get3A_333] {strides = array<i32>} : memref<64x128xf32, #tpu.memory_space<vmem>>, vector<16xf32>,
          %add3A_335 = arith.constant 3 : i32
          %add3A_336 = arith.addi %mul3A_121, %add3A_335 : i32
          %mul3A_337 = arith.constant 16 : i32
          %mul3A_338 = arith.muli %scan3A_257, %mul3A_337 : i32
          %get3A_339 = arith.index_cast %add3A_336 : i32 to index
          %get3A_340 = arith.index_cast %mul3A_338 : i32 to index
          %get3A_341 = tpu.vector_load %arg11[%get3A_339, %get3A_340] {strides = array<i32>} : memref<64x128xf32, #tpu.memory_space<vmem>>, vector<16xf32>,
          %mul3A_342 = arith.mulf %get3A_334, %get3A_341 : vector<16xf32>
          %mul3A_343 = arith.mulf %mul3A_342, %get3A_276 : vector<16xf32>
          %add3A_344 = arith.addf %scan3A_261, %mul3A_343 : vector<16xf32>
          %add3A_345 = arith.constant 4 : i32
          %add3A_346 = arith.addi %mul3A_121, %add3A_345 : i32
          %mul3A_347 = arith.constant 16 : i32
          %mul3A_348 = arith.muli %scan3A_257, %mul3A_347 : i32
          %get3A_349 = arith.index_cast %add3A_346 : i32 to index
          %get3A_350 = arith.index_cast %mul3A_348 : i32 to index
          %get3A_351 = tpu.vector_load %arg10[%get3A_349, %get3A_350] {strides = array<i32>} : memref<64x128xf32, #tpu.memory_space<vmem>>, vector<16xf32>,
          %add3A_352 = arith.constant 4 : i32
          %add3A_353 = arith.addi %mul3A_121, %add3A_352 : i32
          %mul3A_354 = arith.constant 16 : i32
          %mul3A_355 = arith.muli %scan3A_257, %mul3A_354 : i32
          %get3A_356 = arith.index_cast %add3A_353 : i32 to index
          %get3A_357 = arith.index_cast %mul3A_355 : i32 to index
          %get3A_358 = tpu.vector_load %arg11[%get3A_356, %get3A_357] {strides = array<i32>} : memref<64x128xf32, #tpu.memory_space<vmem>>, vector<16xf32>,
          %mul3A_359 = arith.mulf %get3A_351, %get3A_358 : vector<16xf32>
          %mul3A_360 = arith.mulf %mul3A_359, %get3A_276 : vector<16xf32>
          %add3A_361 = arith.addf %scan3A_262, %mul3A_360 : vector<16xf32>
          %add3A_362 = arith.constant 5 : i32
          %add3A_363 = arith.addi %mul3A_121, %add3A_362 : i32
          %mul3A_364 = arith.constant 16 : i32
          %mul3A_365 = arith.muli %scan3A_257, %mul3A_364 : i32
          %get3A_366 = arith.index_cast %add3A_363 : i32 to index
          %get3A_367 = arith.index_cast %mul3A_365 : i32 to index
          %get3A_368 = tpu.vector_load %arg10[%get3A_366, %get3A_367] {strides = array<i32>} : memref<64x128xf32, #tpu.memory_space<vmem>>, vector<16xf32>,
          %add3A_369 = arith.constant 5 : i32
          %add3A_370 = arith.addi %mul3A_121, %add3A_369 : i32
          %mul3A_371 = arith.constant 16 : i32
          %mul3A_372 = arith.muli %scan3A_257, %mul3A_371 : i32
          %get3A_373 = arith.index_cast %add3A_370 : i32 to index
          %get3A_374 = arith.index_cast %mul3A_372 : i32 to index
          %get3A_375 = tpu.vector_load %arg11[%get3A_373, %get3A_374] {strides = array<i32>} : memref<64x128xf32, #tpu.memory_space<vmem>>, vector<16xf32>,
          %mul3A_376 = arith.mulf %get3A_368, %get3A_375 : vector<16xf32>
          %mul3A_377 = arith.mulf %mul3A_376, %get3A_276 : vector<16xf32>
          %add3A_378 = arith.addf %scan3A_263, %mul3A_377 : vector<16xf32>
          %add3A_379 = arith.constant 6 : i32
          %add3A_380 = arith.addi %mul3A_121, %add3A_379 : i32
          %mul3A_381 = arith.constant 16 : i32
          %mul3A_382 = arith.muli %scan3A_257, %mul3A_381 : i32
          %get3A_383 = arith.index_cast %add3A_380 : i32 to index
          %get3A_384 = arith.index_cast %mul3A_382 : i32 to index
          %get3A_385 = tpu.vector_load %arg10[%get3A_383, %get3A_384] {strides = array<i32>} : memref<64x128xf32, #tpu.memory_space<vmem>>, vector<16xf32>,
          %add3A_386 = arith.constant 6 : i32
          %add3A_387 = arith.addi %mul3A_121, %add3A_386 : i32
          %mul3A_388 = arith.constant 16 : i32
          %mul3A_389 = arith.muli %scan3A_257, %mul3A_388 : i32
          %get3A_390 = arith.index_cast %add3A_387 : i32 to index
          %get3A_391 = arith.index_cast %mul3A_389 : i32 to index
          %get3A_392 = tpu.vector_load %arg11[%get3A_390, %get3A_391] {strides = array<i32>} : memref<64x128xf32, #tpu.memory_space<vmem>>, vector<16xf32>,
          %mul3A_393 = arith.mulf %get3A_385, %get3A_392 : vector<16xf32>
          %mul3A_394 = arith.mulf %mul3A_393, %get3A_276 : vector<16xf32>
          %add3A_395 = arith.addf %scan3A_264, %mul3A_394 : vector<16xf32>
          %add3A_396 = arith.constant 7 : i32
          %add3A_397 = arith.addi %mul3A_121, %add3A_396 : i32
          %mul3A_398 = arith.constant 16 : i32
          %mul3A_399 = arith.muli %scan3A_257, %mul3A_398 : i32
          %get3A_400 = arith.index_cast %add3A_397 : i32 to index
          %get3A_401 = arith.index_cast %mul3A_399 : i32 to index
          %get3A_402 = tpu.vector_load %arg10[%get3A_400, %get3A_401] {strides = array<i32>} : memref<64x128xf32, #tpu.memory_space<vmem>>, vector<16xf32>,
          %add3A_403 = arith.constant 7 : i32
          %add3A_404 = arith.addi %mul3A_121, %add3A_403 : i32
          %mul3A_405 = arith.constant 16 : i32
          %mul3A_406 = arith.muli %scan3A_257, %mul3A_405 : i32
          %get3A_407 = arith.index_cast %add3A_404 : i32 to index
          %get3A_408 = arith.index_cast %mul3A_406 : i32 to index
          %get3A_409 = tpu.vector_load %arg11[%get3A_407, %get3A_408] {strides = array<i32>} : memref<64x128xf32, #tpu.memory_space<vmem>>, vector<16xf32>,
          %mul3A_410 = arith.mulf %get3A_402, %get3A_409 : vector<16xf32>
          %mul3A_411 = arith.mulf %mul3A_410, %get3A_276 : vector<16xf32>
          %add3A_412 = arith.addf %scan3A_265, %mul3A_411 : vector<16xf32>
          %add3A_413 = arith.constant 8 : i32
          %add3A_414 = arith.addi %mul3A_121, %add3A_413 : i32
          %mul3A_415 = arith.constant 16 : i32
          %mul3A_416 = arith.muli %scan3A_257, %mul3A_415 : i32
          %get3A_417 = arith.index_cast %add3A_414 : i32 to index
          %get3A_418 = arith.index_cast %mul3A_416 : i32 to index
          %get3A_419 = tpu.vector_load %arg10[%get3A_417, %get3A_418] {strides = array<i32>} : memref<64x128xf32, #tpu.memory_space<vmem>>, vector<16xf32>,
          %add3A_420 = arith.constant 8 : i32
          %add3A_421 = arith.addi %mul3A_121, %add3A_420 : i32
          %mul3A_422 = arith.constant 16 : i32
          %mul3A_423 = arith.muli %scan3A_257, %mul3A_422 : i32
          %get3A_424 = arith.index_cast %add3A_421 : i32 to index
          %get3A_425 = arith.index_cast %mul3A_423 : i32 to index
          %get3A_426 = tpu.vector_load %arg11[%get3A_424, %get3A_425] {strides = array<i32>} : memref<64x128xf32, #tpu.memory_space<vmem>>, vector<16xf32>,
          %mul3A_427 = arith.mulf %get3A_419, %get3A_426 : vector<16xf32>
          %mul3A_428 = arith.mulf %mul3A_427, %get3A_276 : vector<16xf32>
          %add3A_429 = arith.addf %scan3A_266, %mul3A_428 : vector<16xf32>
          %add3A_430 = arith.constant 9 : i32
          %add3A_431 = arith.addi %mul3A_121, %add3A_430 : i32
          %mul3A_432 = arith.constant 16 : i32
          %mul3A_433 = arith.muli %scan3A_257, %mul3A_432 : i32
          %get3A_434 = arith.index_cast %add3A_431 : i32 to index
          %get3A_435 = arith.index_cast %mul3A_433 : i32 to index
          %get3A_436 = tpu.vector_load %arg10[%get3A_434, %get3A_435] {strides = array<i32>} : memref<64x128xf32, #tpu.memory_space<vmem>>, vector<16xf32>,
          %add3A_437 = arith.constant 9 : i32
          %add3A_438 = arith.addi %mul3A_121, %add3A_437 : i32
          %mul3A_439 = arith.constant 16 : i32
          %mul3A_440 = arith.muli %scan3A_257, %mul3A_439 : i32
          %get3A_441 = arith.index_cast %add3A_438 : i32 to index
          %get3A_442 = arith.index_cast %mul3A_440 : i32 to index
          %get3A_443 = tpu.vector_load %arg11[%get3A_441, %get3A_442] {strides = array<i32>} : memref<64x128xf32, #tpu.memory_space<vmem>>, vector<16xf32>,
          %mul3A_444 = arith.mulf %get3A_436, %get3A_443 : vector<16xf32>
          %mul3A_445 = arith.mulf %mul3A_444, %get3A_276 : vector<16xf32>
          %add3A_446 = arith.addf %scan3A_267, %mul3A_445 : vector<16xf32>
          %add3A_447 = arith.constant 10 : i32
          %add3A_448 = arith.addi %mul3A_121, %add3A_447 : i32
          %mul3A_449 = arith.constant 16 : i32
          %mul3A_450 = arith.muli %scan3A_257, %mul3A_449 : i32
          %get3A_451 = arith.index_cast %add3A_448 : i32 to index
          %get3A_452 = arith.index_cast %mul3A_450 : i32 to index
          %get3A_453 = tpu.vector_load %arg10[%get3A_451, %get3A_452] {strides = array<i32>} : memref<64x128xf32, #tpu.memory_space<vmem>>, vector<16xf32>,
          %add3A_454 = arith.constant 10 : i32
          %add3A_455 = arith.addi %mul3A_121, %add3A_454 : i32
          %mul3A_456 = arith.constant 16 : i32
          %mul3A_457 = arith.muli %scan3A_257, %mul3A_456 : i32
          %get3A_458 = arith.index_cast %add3A_455 : i32 to index
          %get3A_459 = arith.index_cast %mul3A_457 : i32 to index
          %get3A_460 = tpu.vector_load %arg11[%get3A_458, %get3A_459] {strides = array<i32>} : memref<64x128xf32, #tpu.memory_space<vmem>>, vector<16xf32>,
          %mul3A_461 = arith.mulf %get3A_453, %get3A_460 : vector<16xf32>
          %mul3A_462 = arith.mulf %mul3A_461, %get3A_276 : vector<16xf32>
          %add3A_463 = arith.addf %scan3A_268, %mul3A_462 : vector<16xf32>
          %add3A_464 = arith.constant 11 : i32
          %add3A_465 = arith.addi %mul3A_121, %add3A_464 : i32
          %mul3A_466 = arith.constant 16 : i32
          %mul3A_467 = arith.muli %scan3A_257, %mul3A_466 : i32
          %get3A_468 = arith.index_cast %add3A_465 : i32 to index
          %get3A_469 = arith.index_cast %mul3A_467 : i32 to index
          %get3A_470 = tpu.vector_load %arg10[%get3A_468, %get3A_469] {strides = array<i32>} : memref<64x128xf32, #tpu.memory_space<vmem>>, vector<16xf32>,
          %add3A_471 = arith.constant 11 : i32
          %add3A_472 = arith.addi %mul3A_121, %add3A_471 : i32
          %mul3A_473 = arith.constant 16 : i32
          %mul3A_474 = arith.muli %scan3A_257, %mul3A_473 : i32
          %get3A_475 = arith.index_cast %add3A_472 : i32 to index
          %get3A_476 = arith.index_cast %mul3A_474 : i32 to index
          %get3A_477 = tpu.vector_load %arg11[%get3A_475, %get3A_476] {strides = array<i32>} : memref<64x128xf32, #tpu.memory_space<vmem>>, vector<16xf32>,
          %mul3A_478 = arith.mulf %get3A_470, %get3A_477 : vector<16xf32>
          %mul3A_479 = arith.mulf %mul3A_478, %get3A_276 : vector<16xf32>
          %add3A_480 = arith.addf %scan3A_269, %mul3A_479 : vector<16xf32>
          %add3A_481 = arith.constant 12 : i32
          %add3A_482 = arith.addi %mul3A_121, %add3A_481 : i32
          %mul3A_483 = arith.constant 16 : i32
          %mul3A_484 = arith.muli %scan3A_257, %mul3A_483 : i32
          %get3A_485 = arith.index_cast %add3A_482 : i32 to index
          %get3A_486 = arith.index_cast %mul3A_484 : i32 to index
          %get3A_487 = tpu.vector_load %arg10[%get3A_485, %get3A_486] {strides = array<i32>} : memref<64x128xf32, #tpu.memory_space<vmem>>, vector<16xf32>,
          %add3A_488 = arith.constant 12 : i32
          %add3A_489 = arith.addi %mul3A_121, %add3A_488 : i32
          %mul3A_490 = arith.constant 16 : i32
          %mul3A_491 = arith.muli %scan3A_257, %mul3A_490 : i32
          %get3A_492 = arith.index_cast %add3A_489 : i32 to index
          %get3A_493 = arith.index_cast %mul3A_491 : i32 to index
          %get3A_494 = tpu.vector_load %arg11[%get3A_492, %get3A_493] {strides = array<i32>} : memref<64x128xf32, #tpu.memory_space<vmem>>, vector<16xf32>,
          %mul3A_495 = arith.mulf %get3A_487, %get3A_494 : vector<16xf32>
          %mul3A_496 = arith.mulf %mul3A_495, %get3A_276 : vector<16xf32>
          %add3A_497 = arith.addf %scan3A_270, %mul3A_496 : vector<16xf32>
          %add3A_498 = arith.constant 13 : i32
          %add3A_499 = arith.addi %mul3A_121, %add3A_498 : i32
          %mul3A_500 = arith.constant 16 : i32
          %mul3A_501 = arith.muli %scan3A_257, %mul3A_500 : i32
          %get3A_502 = arith.index_cast %add3A_499 : i32 to index
          %get3A_503 = arith.index_cast %mul3A_501 : i32 to index
          %get3A_504 = tpu.vector_load %arg10[%get3A_502, %get3A_503] {strides = array<i32>} : memref<64x128xf32, #tpu.memory_space<vmem>>, vector<16xf32>,
          %add3A_505 = arith.constant 13 : i32
          %add3A_506 = arith.addi %mul3A_121, %add3A_505 : i32
          %mul3A_507 = arith.constant 16 : i32
          %mul3A_508 = arith.muli %scan3A_257, %mul3A_507 : i32
          %get3A_509 = arith.index_cast %add3A_506 : i32 to index
          %get3A_510 = arith.index_cast %mul3A_508 : i32 to index
          %get3A_511 = tpu.vector_load %arg11[%get3A_509, %get3A_510] {strides = array<i32>} : memref<64x128xf32, #tpu.memory_space<vmem>>, vector<16xf32>,
          %mul3A_512 = arith.mulf %get3A_504, %get3A_511 : vector<16xf32>
          %mul3A_513 = arith.mulf %mul3A_512, %get3A_276 : vector<16xf32>
          %add3A_514 = arith.addf %scan3A_271, %mul3A_513 : vector<16xf32>
          %add3A_515 = arith.constant 14 : i32
          %add3A_516 = arith.addi %mul3A_121, %add3A_515 : i32
          %mul3A_517 = arith.constant 16 : i32
          %mul3A_518 = arith.muli %scan3A_257, %mul3A_517 : i32
          %get3A_519 = arith.index_cast %add3A_516 : i32 to index
          %get3A_520 = arith.index_cast %mul3A_518 : i32 to index
          %get3A_521 = tpu.vector_load %arg10[%get3A_519, %get3A_520] {strides = array<i32>} : memref<64x128xf32, #tpu.memory_space<vmem>>, vector<16xf32>,
          %add3A_522 = arith.constant 14 : i32
          %add3A_523 = arith.addi %mul3A_121, %add3A_522 : i32
          %mul3A_524 = arith.constant 16 : i32
          %mul3A_525 = arith.muli %scan3A_257, %mul3A_524 : i32
          %get3A_526 = arith.index_cast %add3A_523 : i32 to index
          %get3A_527 = arith.index_cast %mul3A_525 : i32 to index
          %get3A_528 = tpu.vector_load %arg11[%get3A_526, %get3A_527] {strides = array<i32>} : memref<64x128xf32, #tpu.memory_space<vmem>>, vector<16xf32>,
          %mul3A_529 = arith.mulf %get3A_521, %get3A_528 : vector<16xf32>
          %mul3A_530 = arith.mulf %mul3A_529, %get3A_276 : vector<16xf32>
          %add3A_531 = arith.addf %scan3A_272, %mul3A_530 : vector<16xf32>
          %add3A_532 = arith.constant 15 : i32
          %add3A_533 = arith.addi %mul3A_121, %add3A_532 : i32
          %mul3A_534 = arith.constant 16 : i32
          %mul3A_535 = arith.muli %scan3A_257, %mul3A_534 : i32
          %get3A_536 = arith.index_cast %add3A_533 : i32 to index
          %get3A_537 = arith.index_cast %mul3A_535 : i32 to index
          %get3A_538 = tpu.vector_load %arg10[%get3A_536, %get3A_537] {strides = array<i32>} : memref<64x128xf32, #tpu.memory_space<vmem>>, vector<16xf32>,
          %add3A_539 = arith.constant 15 : i32
          %add3A_540 = arith.addi %mul3A_121, %add3A_539 : i32
          %mul3A_541 = arith.constant 16 : i32
          %mul3A_542 = arith.muli %scan3A_257, %mul3A_541 : i32
          %get3A_543 = arith.index_cast %add3A_540 : i32 to index
          %get3A_544 = arith.index_cast %mul3A_542 : i32 to index
          %get3A_545 = tpu.vector_load %arg11[%get3A_543, %get3A_544] {strides = array<i32>} : memref<64x128xf32, #tpu.memory_space<vmem>>, vector<16xf32>,
          %mul3A_546 = arith.mulf %get3A_538, %get3A_545 : vector<16xf32>
          %mul3A_547 = arith.mulf %mul3A_546, %get3A_276 : vector<16xf32>
          %add3A_548 = arith.addf %scan3A_273, %mul3A_547 : vector<16xf32>
          scf.yield %add3A_293, %add3A_310, %add3A_327, %add3A_344, %add3A_361, %add3A_378, %add3A_395, %add3A_412, %add3A_429, %add3A_446, %add3A_463, %add3A_480, %add3A_497, %add3A_514, %add3A_531, %add3A_548 : vector<16xf32>, vector<16xf32>, vector<16xf32>, vector<16xf32>, vector<16xf32>, vector<16xf32>, vector<16xf32>, vector<16xf32>, vector<16xf32>, vector<16xf32>, vector<16xf32>, vector<16xf32>, vector<16xf32>, vector<16xf32>, vector<16xf32>, vector<16xf32>
        }
        %scan3A_128 = arith.constant 8 : i32
        %swap3A = arith.constant 0 : i32
        %swap3A_129 = arith.index_cast %swap3A : i32 to index
        %swap3A_130 = arith.constant 0 : index
        %swap3A_131 = tpu.vector_load %arg16[%swap3A_129, %swap3A_130] {strides = array<i32>} : memref<16x16xf32, #tpu.memory_space<vmem>>, vector<16xf32>,
        tpu.vector_store %arg16[%swap3A_129, %swap3A_130], %scan3A_127#0 {strides = array<i32>} : memref<16x16xf32, #tpu.memory_space<vmem>>, vector<16xf32>,
        %swap3A_132 = arith.constant 1 : i32
        %swap3A_133 = arith.index_cast %swap3A_132 : i32 to index
        %swap3A_134 = arith.constant 0 : index
        %swap3A_135 = tpu.vector_load %arg16[%swap3A_133, %swap3A_134] {strides = array<i32>} : memref<16x16xf32, #tpu.memory_space<vmem>>, vector<16xf32>,
        tpu.vector_store %arg16[%swap3A_133, %swap3A_134], %scan3A_127#1 {strides = array<i32>} : memref<16x16xf32, #tpu.memory_space<vmem>>, vector<16xf32>,
        %swap3A_136 = arith.constant 2 : i32
        %swap3A_137 = arith.index_cast %swap3A_136 : i32 to index
        %swap3A_138 = arith.constant 0 : index
        %swap3A_139 = tpu.vector_load %arg16[%swap3A_137, %swap3A_138] {strides = array<i32>} : memref<16x16xf32, #tpu.memory_space<vmem>>, vector<16xf32>,
        tpu.vector_store %arg16[%swap3A_137, %swap3A_138], %scan3A_127#2 {strides = array<i32>} : memref<16x16xf32, #tpu.memory_space<vmem>>, vector<16xf32>,
        %swap3A_140 = arith.constant 3 : i32
        %swap3A_141 = arith.index_cast %swap3A_140 : i32 to index
        %swap3A_142 = arith.constant 0 : index
        %swap3A_143 = tpu.vector_load %arg16[%swap3A_141, %swap3A_142] {strides = array<i32>} : memref<16x16xf32, #tpu.memory_space<vmem>>, vector<16xf32>,
        tpu.vector_store %arg16[%swap3A_141, %swap3A_142], %scan3A_127#3 {strides = array<i32>} : memref<16x16xf32, #tpu.memory_space<vmem>>, vector<16xf32>,
        %swap3A_144 = arith.constant 4 : i32
        %swap3A_145 = arith.index_cast %swap3A_144 : i32 to index
        %swap3A_146 = arith.constant 0 : index
        %swap3A_147 = tpu.vector_load %arg16[%swap3A_145, %swap3A_146] {strides = array<i32>} : memref<16x16xf32, #tpu.memory_space<vmem>>, vector<16xf32>,
        tpu.vector_store %arg16[%swap3A_145, %swap3A_146], %scan3A_127#4 {strides = array<i32>} : memref<16x16xf32, #tpu.memory_space<vmem>>, vector<16xf32>,
        %swap3A_148 = arith.constant 5 : i32
        %swap3A_149 = arith.index_cast %swap3A_148 : i32 to index
        %swap3A_150 = arith.constant 0 : index
        %swap3A_151 = tpu.vector_load %arg16[%swap3A_149, %swap3A_150] {strides = array<i32>} : memref<16x16xf32, #tpu.memory_space<vmem>>, vector<16xf32>,
        tpu.vector_store %arg16[%swap3A_149, %swap3A_150], %scan3A_127#5 {strides = array<i32>} : memref<16x16xf32, #tpu.memory_space<vmem>>, vector<16xf32>,
        %swap3A_152 = arith.constant 6 : i32
        %swap3A_153 = arith.index_cast %swap3A_152 : i32 to index
        %swap3A_154 = arith.constant 0 : index
        %swap3A_155 = tpu.vector_load %arg16[%swap3A_153, %swap3A_154] {strides = array<i32>} : memref<16x16xf32, #tpu.memory_space<vmem>>, vector<16xf32>,
        tpu.vector_store %arg16[%swap3A_153, %swap3A_154], %scan3A_127#6 {strides = array<i32>} : memref<16x16xf32, #tpu.memory_space<vmem>>, vector<16xf32>,
        %swap3A_156 = arith.constant 7 : i32
        %swap3A_157 = arith.index_cast %swap3A_156 : i32 to index
        %swap3A_158 = arith.constant 0 : index
        %swap3A_159 = tpu.vector_load %arg16[%swap3A_157, %swap3A_158] {strides = array<i32>} : memref<16x16xf32, #tpu.memory_space<vmem>>, vector<16xf32>,
        tpu.vector_store %arg16[%swap3A_157, %swap3A_158], %scan3A_127#7 {strides = array<i32>} : memref<16x16xf32, #tpu.memory_space<vmem>>, vector<16xf32>,
        %swap3A_160 = arith.constant 8 : i32
        %swap3A_161 = arith.index_cast %swap3A_160 : i32 to index
        %swap3A_162 = arith.constant 0 : index
        %swap3A_163 = tpu.vector_load %arg16[%swap3A_161, %swap3A_162] {strides = array<i32>} : memref<16x16xf32, #tpu.memory_space<vmem>>, vector<16xf32>,
        tpu.vector_store %arg16[%swap3A_161, %swap3A_162], %scan3A_127#8 {strides = array<i32>} : memref<16x16xf32, #tpu.memory_space<vmem>>, vector<16xf32>,
        %swap3A_164 = arith.constant 9 : i32
        %swap3A_165 = arith.index_cast %swap3A_164 : i32 to index
        %swap3A_166 = arith.constant 0 : index
        %swap3A_167 = tpu.vector_load %arg16[%swap3A_165, %swap3A_166] {strides = array<i32>} : memref<16x16xf32, #tpu.memory_space<vmem>>, vector<16xf32>,
        tpu.vector_store %arg16[%swap3A_165, %swap3A_166], %scan3A_127#9 {strides = array<i32>} : memref<16x16xf32, #tpu.memory_space<vmem>>, vector<16xf32>,
        %swap3A_168 = arith.constant 10 : i32
        %swap3A_169 = arith.index_cast %swap3A_168 : i32 to index
        %swap3A_170 = arith.constant 0 : index
        %swap3A_171 = tpu.vector_load %arg16[%swap3A_169, %swap3A_170] {strides = array<i32>} : memref<16x16xf32, #tpu.memory_space<vmem>>, vector<16xf32>,
        tpu.vector_store %arg16[%swap3A_169, %swap3A_170], %scan3A_127#10 {strides = array<i32>} : memref<16x16xf32, #tpu.memory_space<vmem>>, vector<16xf32>,
        %swap3A_172 = arith.constant 11 : i32
        %swap3A_173 = arith.index_cast %swap3A_172 : i32 to index
        %swap3A_174 = arith.constant 0 : index
        %swap3A_175 = tpu.vector_load %arg16[%swap3A_173, %swap3A_174] {strides = array<i32>} : memref<16x16xf32, #tpu.memory_space<vmem>>, vector<16xf32>,
        tpu.vector_store %arg16[%swap3A_173, %swap3A_174], %scan3A_127#11 {strides = array<i32>} : memref<16x16xf32, #tpu.memory_space<vmem>>, vector<16xf32>,
        %swap3A_176 = arith.constant 12 : i32
        %swap3A_177 = arith.index_cast %swap3A_176 : i32 to index
        %swap3A_178 = arith.constant 0 : index
        %swap3A_179 = tpu.vector_load %arg16[%swap3A_177, %swap3A_178] {strides = array<i32>} : memref<16x16xf32, #tpu.memory_space<vmem>>, vector<16xf32>,
        tpu.vector_store %arg16[%swap3A_177, %swap3A_178], %scan3A_127#12 {strides = array<i32>} : memref<16x16xf32, #tpu.memory_space<vmem>>, vector<16xf32>,
        %swap3A_180 = arith.constant 13 : i32
        %swap3A_181 = arith.index_cast %swap3A_180 : i32 to index
        %swap3A_182 = arith.constant 0 : index
        %swap3A_183 = tpu.vector_load %arg16[%swap3A_181, %swap3A_182] {strides = array<i32>} : memref<16x16xf32, #tpu.memory_space<vmem>>, vector<16xf32>,
        tpu.vector_store %arg16[%swap3A_181, %swap3A_182], %scan3A_127#13 {strides = array<i32>} : memref<16x16xf32, #tpu.memory_space<vmem>>, vector<16xf32>,
        %swap3A_184 = arith.constant 14 : i32
        %swap3A_185 = arith.index_cast %swap3A_184 : i32 to index
        %swap3A_186 = arith.constant 0 : index
        %swap3A_187 = tpu.vector_load %arg16[%swap3A_185, %swap3A_186] {strides = array<i32>} : memref<16x16xf32, #tpu.memory_space<vmem>>, vector<16xf32>,
        tpu.vector_store %arg16[%swap3A_185, %swap3A_186], %scan3A_127#14 {strides = array<i32>} : memref<16x16xf32, #tpu.memory_space<vmem>>, vector<16xf32>,
        %swap3A_188 = arith.constant 15 : i32
        %swap3A_189 = arith.index_cast %swap3A_188 : i32 to index
        %swap3A_190 = arith.constant 0 : index
        %swap3A_191 = tpu.vector_load %arg16[%swap3A_189, %swap3A_190] {strides = array<i32>} : memref<16x16xf32, #tpu.memory_space<vmem>>, vector<16xf32>,
        tpu.vector_store %arg16[%swap3A_189, %swap3A_190], %scan3A_127#15 {strides = array<i32>} : memref<16x16xf32, #tpu.memory_space<vmem>>, vector<16xf32>,
        %broadcast_in_dim3A_192 = arith.constant 0 : i32
        %broadcast_in_dim3A_193 = vector.broadcast %broadcast_in_dim3A_192 : i32 to vector<16xi32>
        %gather3A = tpu.vector_load_idx %arg16[%iota3A, %broadcast_in_dim3A_193] : memref<16x16xf32, #tpu.memory_space<vmem>>[vector<16xi32>, vector<16xi32>], vector<16xf32>,
        %broadcast_in_dim3A_194 = arith.constant 1 : i32
        %broadcast_in_dim3A_195 = vector.broadcast %broadcast_in_dim3A_194 : i32 to vector<16xi32>
        %gather3A_196 = tpu.vector_load_idx %arg16[%iota3A, %broadcast_in_dim3A_195] : memref<16x16xf32, #tpu.memory_space<vmem>>[vector<16xi32>, vector<16xi32>], vector<16xf32>,
        %add3A_197 = arith.addf %gather3A, %gather3A_196 : vector<16xf32>
        %broadcast_in_dim3A_198 = arith.constant 2 : i32
        %broadcast_in_dim3A_199 = vector.broadcast %broadcast_in_dim3A_198 : i32 to vector<16xi32>
        %gather3A_200 = tpu.vector_load_idx %arg16[%iota3A, %broadcast_in_dim3A_199] : memref<16x16xf32, #tpu.memory_space<vmem>>[vector<16xi32>, vector<16xi32>], vector<16xf32>,
        %add3A_201 = arith.addf %add3A_197, %gather3A_200 : vector<16xf32>
        %broadcast_in_dim3A_202 = arith.constant 3 : i32
        %broadcast_in_dim3A_203 = vector.broadcast %broadcast_in_dim3A_202 : i32 to vector<16xi32>
        %gather3A_204 = tpu.vector_load_idx %arg16[%iota3A, %broadcast_in_dim3A_203] : memref<16x16xf32, #tpu.memory_space<vmem>>[vector<16xi32>, vector<16xi32>], vector<16xf32>,
        %add3A_205 = arith.addf %add3A_201, %gather3A_204 : vector<16xf32>
        %broadcast_in_dim3A_206 = arith.constant 4 : i32
        %broadcast_in_dim3A_207 = vector.broadcast %broadcast_in_dim3A_206 : i32 to vector<16xi32>
        %gather3A_208 = tpu.vector_load_idx %arg16[%iota3A, %broadcast_in_dim3A_207] : memref<16x16xf32, #tpu.memory_space<vmem>>[vector<16xi32>, vector<16xi32>], vector<16xf32>,
        %add3A_209 = arith.addf %add3A_205, %gather3A_208 : vector<16xf32>
        %broadcast_in_dim3A_210 = arith.constant 5 : i32
        %broadcast_in_dim3A_211 = vector.broadcast %broadcast_in_dim3A_210 : i32 to vector<16xi32>
        %gather3A_212 = tpu.vector_load_idx %arg16[%iota3A, %broadcast_in_dim3A_211] : memref<16x16xf32, #tpu.memory_space<vmem>>[vector<16xi32>, vector<16xi32>], vector<16xf32>,
        %add3A_213 = arith.addf %add3A_209, %gather3A_212 : vector<16xf32>
        %broadcast_in_dim3A_214 = arith.constant 6 : i32
        %broadcast_in_dim3A_215 = vector.broadcast %broadcast_in_dim3A_214 : i32 to vector<16xi32>
        %gather3A_216 = tpu.vector_load_idx %arg16[%iota3A, %broadcast_in_dim3A_215] : memref<16x16xf32, #tpu.memory_space<vmem>>[vector<16xi32>, vector<16xi32>], vector<16xf32>,
        %add3A_217 = arith.addf %add3A_213, %gather3A_216 : vector<16xf32>
        %broadcast_in_dim3A_218 = arith.constant 7 : i32
        %broadcast_in_dim3A_219 = vector.broadcast %broadcast_in_dim3A_218 : i32 to vector<16xi32>
        %gather3A_220 = tpu.vector_load_idx %arg16[%iota3A, %broadcast_in_dim3A_219] : memref<16x16xf32, #tpu.memory_space<vmem>>[vector<16xi32>, vector<16xi32>], vector<16xf32>,
        %add3A_221 = arith.addf %add3A_217, %gather3A_220 : vector<16xf32>
        %broadcast_in_dim3A_222 = arith.constant 8 : i32
        %broadcast_in_dim3A_223 = vector.broadcast %broadcast_in_dim3A_222 : i32 to vector<16xi32>
        %gather3A_224 = tpu.vector_load_idx %arg16[%iota3A, %broadcast_in_dim3A_223] : memref<16x16xf32, #tpu.memory_space<vmem>>[vector<16xi32>, vector<16xi32>], vector<16xf32>,
        %add3A_225 = arith.addf %add3A_221, %gather3A_224 : vector<16xf32>
        %broadcast_in_dim3A_226 = arith.constant 9 : i32
        %broadcast_in_dim3A_227 = vector.broadcast %broadcast_in_dim3A_226 : i32 to vector<16xi32>
        %gather3A_228 = tpu.vector_load_idx %arg16[%iota3A, %broadcast_in_dim3A_227] : memref<16x16xf32, #tpu.memory_space<vmem>>[vector<16xi32>, vector<16xi32>], vector<16xf32>,
        %add3A_229 = arith.addf %add3A_225, %gather3A_228 : vector<16xf32>
        %broadcast_in_dim3A_230 = arith.constant 10 : i32
        %broadcast_in_dim3A_231 = vector.broadcast %broadcast_in_dim3A_230 : i32 to vector<16xi32>
        %gather3A_232 = tpu.vector_load_idx %arg16[%iota3A, %broadcast_in_dim3A_231] : memref<16x16xf32, #tpu.memory_space<vmem>>[vector<16xi32>, vector<16xi32>], vector<16xf32>,
        %add3A_233 = arith.addf %add3A_229, %gather3A_232 : vector<16xf32>
        %broadcast_in_dim3A_234 = arith.constant 11 : i32
        %broadcast_in_dim3A_235 = vector.broadcast %broadcast_in_dim3A_234 : i32 to vector<16xi32>
        %gather3A_236 = tpu.vector_load_idx %arg16[%iota3A, %broadcast_in_dim3A_235] : memref<16x16xf32, #tpu.memory_space<vmem>>[vector<16xi32>, vector<16xi32>], vector<16xf32>,
        %add3A_237 = arith.addf %add3A_233, %gather3A_236 : vector<16xf32>
        %broadcast_in_dim3A_238 = arith.constant 12 : i32
        %broadcast_in_dim3A_239 = vector.broadcast %broadcast_in_dim3A_238 : i32 to vector<16xi32>
        %gather3A_240 = tpu.vector_load_idx %arg16[%iota3A, %broadcast_in_dim3A_239] : memref<16x16xf32, #tpu.memory_space<vmem>>[vector<16xi32>, vector<16xi32>], vector<16xf32>,
        %add3A_241 = arith.addf %add3A_237, %gather3A_240 : vector<16xf32>
        %broadcast_in_dim3A_242 = arith.constant 13 : i32
        %broadcast_in_dim3A_243 = vector.broadcast %broadcast_in_dim3A_242 : i32 to vector<16xi32>
        %gather3A_244 = tpu.vector_load_idx %arg16[%iota3A, %broadcast_in_dim3A_243] : memref<16x16xf32, #tpu.memory_space<vmem>>[vector<16xi32>, vector<16xi32>], vector<16xf32>,
        %add3A_245 = arith.addf %add3A_241, %gather3A_244 : vector<16xf32>
        %broadcast_in_dim3A_246 = arith.constant 14 : i32
        %broadcast_in_dim3A_247 = vector.broadcast %broadcast_in_dim3A_246 : i32 to vector<16xi32>
        %gather3A_248 = tpu.vector_load_idx %arg16[%iota3A, %broadcast_in_dim3A_247] : memref<16x16xf32, #tpu.memory_space<vmem>>[vector<16xi32>, vector<16xi32>], vector<16xf32>,
        %add3A_249 = arith.addf %add3A_245, %gather3A_248 : vector<16xf32>
        %broadcast_in_dim3A_250 = arith.constant 15 : i32
        %broadcast_in_dim3A_251 = vector.broadcast %broadcast_in_dim3A_250 : i32 to vector<16xi32>
        %gather3A_252 = tpu.vector_load_idx %arg16[%iota3A, %broadcast_in_dim3A_251] : memref<16x16xf32, #tpu.memory_space<vmem>>[vector<16xi32>, vector<16xi32>], vector<16xf32>,
        %add3A_253 = arith.addf %add3A_249, %gather3A_252 : vector<16xf32>
        %add3A_254 = arith.addi %mul3A_81, %mul3A_121 : i32
        %swap3A_255 = arith.index_cast %add3A_254 : i32 to index
        %swap3A_256 = tpu.vector_load %arg14[%swap3A_255] {strides = array<i32>} : memref<19328xf32, #tpu.memory_space<vmem>>, vector<16xf32>,
        tpu.vector_store %arg14[%swap3A_255], %add3A_253 {strides = array<i32>} : memref<19328xf32, #tpu.memory_space<vmem>>, vector<16xf32>,
      }
      %scan3A_86 = arith.constant 4 : i32
      %mul3A_87 = arith.constant 64 : i32
      %mul3A_88 = arith.muli %add3A_59, %mul3A_87 : i32
      %dma_wait3A_89 = tpu.memref_slice %arg8[%mul3A_88] : memref<19328xi32, #tpu.memory_space<vmem>> -> memref<64xi32, #tpu.memory_space<vmem>>
      %dma_wait3A_90 = arith.constant 0 : i32
      %dma_wait3A_91 = arith.constant 0 : i32
      %dma_wait3A_92 = tpu.memref_slice %arg4[%dma_wait3A_90, %dma_wait3A_91] : memref<100000x128xf32, #tpu.memory_space<hbm>> -> memref<100000x128xf32, #tpu.memory_space<hbm>>
      tpu.wait_indirect_dma semaphore(%arg18 : memref<!tpu.dma_semaphore, #tpu.memory_space<semaphore_mem>>) src(%dma_wait3A_92 : memref<100000x128xf32, #tpu.memory_space<hbm>>) dst(%arg12 : memref<64x128xf32, #tpu.memory_space<vmem>>)
      %dma_wait3A_93 = tpu.memref_slice %arg9[%mul3A_88] : memref<19328xi32, #tpu.memory_space<vmem>> -> memref<64xi32, #tpu.memory_space<vmem>>
      %dma_wait3A_94 = arith.constant 0 : i32
      %dma_wait3A_95 = arith.constant 0 : i32
      %dma_wait3A_96 = tpu.memref_slice %arg5[%dma_wait3A_94, %dma_wait3A_95] : memref<100000x128xf32, #tpu.memory_space<hbm>> -> memref<100000x128xf32, #tpu.memory_space<hbm>>
      tpu.wait_indirect_dma semaphore(%arg18 : memref<!tpu.dma_semaphore, #tpu.memory_space<semaphore_mem>>) src(%dma_wait3A_96 : memref<100000x128xf32, #tpu.memory_space<hbm>>) dst(%arg13 : memref<64x128xf32, #tpu.memory_space<vmem>>)
      %add3A_97 = arith.constant 1 : i32
      %add3A_98 = arith.addi %add3A_59, %add3A_97 : i32
      %sub3A_99 = arith.constant 1 : i32
      %sub3A_100 = arith.subi %select_n3A, %sub3A_99 : i32
      %min3A = arith.minsi %add3A_98, %sub3A_100 : i32
      %mul3A_101 = arith.constant 64 : i32
      %mul3A_102 = arith.muli %min3A, %mul3A_101 : i32
      %dma_start3A_103 = tpu.memref_slice %arg8[%mul3A_102] : memref<19328xi32, #tpu.memory_space<vmem>> -> memref<64xi32, #tpu.memory_space<vmem>>
      %dma_start3A_104 = arith.constant 0 : i32
      %dma_start3A_105 = arith.constant 0 : i32
      %dma_start3A_106 = tpu.memref_slice %arg4[%dma_start3A_104, %dma_start3A_105] : memref<100000x128xf32, #tpu.memory_space<hbm>> -> memref<100000x128xf32, #tpu.memory_space<hbm>>
      tpu.enqueue_indirect_dma source(%dma_start3A_106 : memref<100000x128xf32, #tpu.memory_space<hbm>>) target(%arg10 : memref<64x128xf32, #tpu.memory_space<vmem>>) offsets(%dma_start3A_103 : memref<64xi32, #tpu.memory_space<vmem>>) semaphore(%arg17 : memref<!tpu.dma_semaphore, #tpu.memory_space<semaphore_mem>>)
      %dma_start3A_107 = tpu.memref_slice %arg9[%mul3A_102] : memref<19328xi32, #tpu.memory_space<vmem>> -> memref<64xi32, #tpu.memory_space<vmem>>
      %dma_start3A_108 = arith.constant 0 : i32
      %dma_start3A_109 = arith.constant 0 : i32
      %dma_start3A_110 = tpu.memref_slice %arg5[%dma_start3A_108, %dma_start3A_109] : memref<100000x128xf32, #tpu.memory_space<hbm>> -> memref<100000x128xf32, #tpu.memory_space<hbm>>
      tpu.enqueue_indirect_dma source(%dma_start3A_110 : memref<100000x128xf32, #tpu.memory_space<hbm>>) target(%arg11 : memref<64x128xf32, #tpu.memory_space<vmem>>) offsets(%dma_start3A_107 : memref<64xi32, #tpu.memory_space<vmem>>) semaphore(%arg17 : memref<!tpu.dma_semaphore, #tpu.memory_space<semaphore_mem>>)
      %mul3A_111 = arith.constant 64 : i32
      %mul3A_112 = arith.muli %add3A_59, %mul3A_111 : i32
      %scan3A_113 = arith.constant 0 : i32
      %scan3A_114 = arith.constant 0 : i32
      %scan3A_115 = arith.constant 4 : i32
      %scan3A_116 = arith.addi %scan3A_114, %scan3A_115 : i32
      %scan3A_117 = arith.constant 1 : i32
      scf.for %scan3A_119 = %scan3A_114 to %scan3A_116 step %scan3A_117  : i32 {
        %mul3A_120 = arith.constant 16 : i32
        %mul3A_121 = arith.muli %scan3A_119, %mul3A_120 : i32
        %broadcast_in_dim3A = arith.constant 0.000000e+00 : f32
        %broadcast_in_dim3A_122 = vector.broadcast %broadcast_in_dim3A : f32 to vector<16xf32>
        %scan3A_123 = arith.constant 0 : i32
        %scan3A_124 = arith.constant 8 : i32
        %scan3A_125 = arith.addi %scan3A_123, %scan3A_124 : i32
        %scan3A_126 = arith.constant 1 : i32
        %scan3A_127:16 = scf.for %scan3A_257 = %scan3A_123 to %scan3A_125 step %scan3A_126 iter_args(%scan3A_258 = %broadcast_in_dim3A_122, %scan3A_259 = %broadcast_in_dim3A_122, %scan3A_260 = %broadcast_in_dim3A_122, %scan3A_261 = %broadcast_in_dim3A_122, %scan3A_262 = %broadcast_in_dim3A_122, %scan3A_263 = %broadcast_in_dim3A_122, %scan3A_264 = %broadcast_in_dim3A_122, %scan3A_265 = %broadcast_in_dim3A_122, %scan3A_266 = %broadcast_in_dim3A_122, %scan3A_267 = %broadcast_in_dim3A_122, %scan3A_268 = %broadcast_in_dim3A_122, %scan3A_269 = %broadcast_in_dim3A_122, %scan3A_270 = %broadcast_in_dim3A_122, %scan3A_271 = %broadcast_in_dim3A_122, %scan3A_272 = %broadcast_in_dim3A_122, %scan3A_273 = %broadcast_in_dim3A_122) -> (vector<16xf32>, vector<16xf32>, vector<16xf32>, vector<16xf32>, vector<16xf32>, vector<16xf32>, vector<16xf32>, vector<16xf32>, vector<16xf32>, vector<16xf32>, vector<16xf32>, vector<16xf32>, vector<16xf32>, vector<16xf32>, vector<16xf32>, vector<16xf32>)  : i32 {
          %mul3A_274 = arith.constant 16 : i32
          %mul3A_275 = arith.muli %scan3A_257, %mul3A_274 : i32
          %get3A = arith.index_cast %mul3A_275 : i32 to index
          %get3A_276 = tpu.vector_load %arg15[%get3A] {strides = array<i32>} : memref<128xf32, #tpu.memory_space<vmem>>, vector<16xf32>,
          %add3A_277 = arith.constant 0 : i32
          %add3A_278 = arith.addi %mul3A_121, %add3A_277 : i32
          %mul3A_279 = arith.constant 16 : i32
          %mul3A_280 = arith.muli %scan3A_257, %mul3A_279 : i32
          %get3A_281 = arith.index_cast %add3A_278 : i32 to index
          %get3A_282 = arith.index_cast %mul3A_280 : i32 to index
          %get3A_283 = tpu.vector_load %arg12[%get3A_281, %get3A_282] {strides = array<i32>} : memref<64x128xf32, #tpu.memory_space<vmem>>, vector<16xf32>,
          %add3A_284 = arith.constant 0 : i32
          %add3A_285 = arith.addi %mul3A_121, %add3A_284 : i32
          %mul3A_286 = arith.constant 16 : i32
          %mul3A_287 = arith.muli %scan3A_257, %mul3A_286 : i32
          %get3A_288 = arith.index_cast %add3A_285 : i32 to index
          %get3A_289 = arith.index_cast %mul3A_287 : i32 to index
          %get3A_290 = tpu.vector_load %arg13[%get3A_288, %get3A_289] {strides = array<i32>} : memref<64x128xf32, #tpu.memory_space<vmem>>, vector<16xf32>,
          %mul3A_291 = arith.mulf %get3A_283, %get3A_290 : vector<16xf32>
          %mul3A_292 = arith.mulf %mul3A_291, %get3A_276 : vector<16xf32>
          %add3A_293 = arith.addf %scan3A_258, %mul3A_292 : vector<16xf32>
          %add3A_294 = arith.constant 1 : i32
          %add3A_295 = arith.addi %mul3A_121, %add3A_294 : i32
          %mul3A_296 = arith.constant 16 : i32
          %mul3A_297 = arith.muli %scan3A_257, %mul3A_296 : i32
          %get3A_298 = arith.index_cast %add3A_295 : i32 to index
          %get3A_299 = arith.index_cast %mul3A_297 : i32 to index
          %get3A_300 = tpu.vector_load %arg12[%get3A_298, %get3A_299] {strides = array<i32>} : memref<64x128xf32, #tpu.memory_space<vmem>>, vector<16xf32>,
          %add3A_301 = arith.constant 1 : i32
          %add3A_302 = arith.addi %mul3A_121, %add3A_301 : i32
          %mul3A_303 = arith.constant 16 : i32
          %mul3A_304 = arith.muli %scan3A_257, %mul3A_303 : i32
          %get3A_305 = arith.index_cast %add3A_302 : i32 to index
          %get3A_306 = arith.index_cast %mul3A_304 : i32 to index
          %get3A_307 = tpu.vector_load %arg13[%get3A_305, %get3A_306] {strides = array<i32>} : memref<64x128xf32, #tpu.memory_space<vmem>>, vector<16xf32>,
          %mul3A_308 = arith.mulf %get3A_300, %get3A_307 : vector<16xf32>
          %mul3A_309 = arith.mulf %mul3A_308, %get3A_276 : vector<16xf32>
          %add3A_310 = arith.addf %scan3A_259, %mul3A_309 : vector<16xf32>
          %add3A_311 = arith.constant 2 : i32
          %add3A_312 = arith.addi %mul3A_121, %add3A_311 : i32
          %mul3A_313 = arith.constant 16 : i32
          %mul3A_314 = arith.muli %scan3A_257, %mul3A_313 : i32
          %get3A_315 = arith.index_cast %add3A_312 : i32 to index
          %get3A_316 = arith.index_cast %mul3A_314 : i32 to index
          %get3A_317 = tpu.vector_load %arg12[%get3A_315, %get3A_316] {strides = array<i32>} : memref<64x128xf32, #tpu.memory_space<vmem>>, vector<16xf32>,
          %add3A_318 = arith.constant 2 : i32
          %add3A_319 = arith.addi %mul3A_121, %add3A_318 : i32
          %mul3A_320 = arith.constant 16 : i32
          %mul3A_321 = arith.muli %scan3A_257, %mul3A_320 : i32
          %get3A_322 = arith.index_cast %add3A_319 : i32 to index
          %get3A_323 = arith.index_cast %mul3A_321 : i32 to index
          %get3A_324 = tpu.vector_load %arg13[%get3A_322, %get3A_323] {strides = array<i32>} : memref<64x128xf32, #tpu.memory_space<vmem>>, vector<16xf32>,
          %mul3A_325 = arith.mulf %get3A_317, %get3A_324 : vector<16xf32>
          %mul3A_326 = arith.mulf %mul3A_325, %get3A_276 : vector<16xf32>
          %add3A_327 = arith.addf %scan3A_260, %mul3A_326 : vector<16xf32>
          %add3A_328 = arith.constant 3 : i32
          %add3A_329 = arith.addi %mul3A_121, %add3A_328 : i32
          %mul3A_330 = arith.constant 16 : i32
          %mul3A_331 = arith.muli %scan3A_257, %mul3A_330 : i32
          %get3A_332 = arith.index_cast %add3A_329 : i32 to index
          %get3A_333 = arith.index_cast %mul3A_331 : i32 to index
          %get3A_334 = tpu.vector_load %arg12[%get3A_332, %get3A_333] {strides = array<i32>} : memref<64x128xf32, #tpu.memory_space<vmem>>, vector<16xf32>,
          %add3A_335 = arith.constant 3 : i32
          %add3A_336 = arith.addi %mul3A_121, %add3A_335 : i32
          %mul3A_337 = arith.constant 16 : i32
          %mul3A_338 = arith.muli %scan3A_257, %mul3A_337 : i32
          %get3A_339 = arith.index_cast %add3A_336 : i32 to index
          %get3A_340 = arith.index_cast %mul3A_338 : i32 to index
          %get3A_341 = tpu.vector_load %arg13[%get3A_339, %get3A_340] {strides = array<i32>} : memref<64x128xf32, #tpu.memory_space<vmem>>, vector<16xf32>,
          %mul3A_342 = arith.mulf %get3A_334, %get3A_341 : vector<16xf32>
          %mul3A_343 = arith.mulf %mul3A_342, %get3A_276 : vector<16xf32>
          %add3A_344 = arith.addf %scan3A_261, %mul3A_343 : vector<16xf32>
          %add3A_345 = arith.constant 4 : i32
          %add3A_346 = arith.addi %mul3A_121, %add3A_345 : i32
          %mul3A_347 = arith.constant 16 : i32
          %mul3A_348 = arith.muli %scan3A_257, %mul3A_347 : i32
          %get3A_349 = arith.index_cast %add3A_346 : i32 to index
          %get3A_350 = arith.index_cast %mul3A_348 : i32 to index
          %get3A_351 = tpu.vector_load %arg12[%get3A_349, %get3A_350] {strides = array<i32>} : memref<64x128xf32, #tpu.memory_space<vmem>>, vector<16xf32>,
          %add3A_352 = arith.constant 4 : i32
          %add3A_353 = arith.addi %mul3A_121, %add3A_352 : i32
          %mul3A_354 = arith.constant 16 : i32
          %mul3A_355 = arith.muli %scan3A_257, %mul3A_354 : i32
          %get3A_356 = arith.index_cast %add3A_353 : i32 to index
          %get3A_357 = arith.index_cast %mul3A_355 : i32 to index
          %get3A_358 = tpu.vector_load %arg13[%get3A_356, %get3A_357] {strides = array<i32>} : memref<64x128xf32, #tpu.memory_space<vmem>>, vector<16xf32>,
          %mul3A_359 = arith.mulf %get3A_351, %get3A_358 : vector<16xf32>
          %mul3A_360 = arith.mulf %mul3A_359, %get3A_276 : vector<16xf32>
          %add3A_361 = arith.addf %scan3A_262, %mul3A_360 : vector<16xf32>
          %add3A_362 = arith.constant 5 : i32
          %add3A_363 = arith.addi %mul3A_121, %add3A_362 : i32
          %mul3A_364 = arith.constant 16 : i32
          %mul3A_365 = arith.muli %scan3A_257, %mul3A_364 : i32
          %get3A_366 = arith.index_cast %add3A_363 : i32 to index
          %get3A_367 = arith.index_cast %mul3A_365 : i32 to index
          %get3A_368 = tpu.vector_load %arg12[%get3A_366, %get3A_367] {strides = array<i32>} : memref<64x128xf32, #tpu.memory_space<vmem>>, vector<16xf32>,
          %add3A_369 = arith.constant 5 : i32
          %add3A_370 = arith.addi %mul3A_121, %add3A_369 : i32
          %mul3A_371 = arith.constant 16 : i32
          %mul3A_372 = arith.muli %scan3A_257, %mul3A_371 : i32
          %get3A_373 = arith.index_cast %add3A_370 : i32 to index
          %get3A_374 = arith.index_cast %mul3A_372 : i32 to index
          %get3A_375 = tpu.vector_load %arg13[%get3A_373, %get3A_374] {strides = array<i32>} : memref<64x128xf32, #tpu.memory_space<vmem>>, vector<16xf32>,
          %mul3A_376 = arith.mulf %get3A_368, %get3A_375 : vector<16xf32>
          %mul3A_377 = arith.mulf %mul3A_376, %get3A_276 : vector<16xf32>
          %add3A_378 = arith.addf %scan3A_263, %mul3A_377 : vector<16xf32>
          %add3A_379 = arith.constant 6 : i32
          %add3A_380 = arith.addi %mul3A_121, %add3A_379 : i32
          %mul3A_381 = arith.constant 16 : i32
          %mul3A_382 = arith.muli %scan3A_257, %mul3A_381 : i32
          %get3A_383 = arith.index_cast %add3A_380 : i32 to index
          %get3A_384 = arith.index_cast %mul3A_382 : i32 to index
          %get3A_385 = tpu.vector_load %arg12[%get3A_383, %get3A_384] {strides = array<i32>} : memref<64x128xf32, #tpu.memory_space<vmem>>, vector<16xf32>,
          %add3A_386 = arith.constant 6 : i32
          %add3A_387 = arith.addi %mul3A_121, %add3A_386 : i32
          %mul3A_388 = arith.constant 16 : i32
          %mul3A_389 = arith.muli %scan3A_257, %mul3A_388 : i32
          %get3A_390 = arith.index_cast %add3A_387 : i32 to index
          %get3A_391 = arith.index_cast %mul3A_389 : i32 to index
          %get3A_392 = tpu.vector_load %arg13[%get3A_390, %get3A_391] {strides = array<i32>} : memref<64x128xf32, #tpu.memory_space<vmem>>, vector<16xf32>,
          %mul3A_393 = arith.mulf %get3A_385, %get3A_392 : vector<16xf32>
          %mul3A_394 = arith.mulf %mul3A_393, %get3A_276 : vector<16xf32>
          %add3A_395 = arith.addf %scan3A_264, %mul3A_394 : vector<16xf32>
          %add3A_396 = arith.constant 7 : i32
          %add3A_397 = arith.addi %mul3A_121, %add3A_396 : i32
          %mul3A_398 = arith.constant 16 : i32
          %mul3A_399 = arith.muli %scan3A_257, %mul3A_398 : i32
          %get3A_400 = arith.index_cast %add3A_397 : i32 to index
          %get3A_401 = arith.index_cast %mul3A_399 : i32 to index
          %get3A_402 = tpu.vector_load %arg12[%get3A_400, %get3A_401] {strides = array<i32>} : memref<64x128xf32, #tpu.memory_space<vmem>>, vector<16xf32>,
          %add3A_403 = arith.constant 7 : i32
          %add3A_404 = arith.addi %mul3A_121, %add3A_403 : i32
          %mul3A_405 = arith.constant 16 : i32
          %mul3A_406 = arith.muli %scan3A_257, %mul3A_405 : i32
          %get3A_407 = arith.index_cast %add3A_404 : i32 to index
          %get3A_408 = arith.index_cast %mul3A_406 : i32 to index
          %get3A_409 = tpu.vector_load %arg13[%get3A_407, %get3A_408] {strides = array<i32>} : memref<64x128xf32, #tpu.memory_space<vmem>>, vector<16xf32>,
          %mul3A_410 = arith.mulf %get3A_402, %get3A_409 : vector<16xf32>
          %mul3A_411 = arith.mulf %mul3A_410, %get3A_276 : vector<16xf32>
          %add3A_412 = arith.addf %scan3A_265, %mul3A_411 : vector<16xf32>
          %add3A_413 = arith.constant 8 : i32
          %add3A_414 = arith.addi %mul3A_121, %add3A_413 : i32
          %mul3A_415 = arith.constant 16 : i32
          %mul3A_416 = arith.muli %scan3A_257, %mul3A_415 : i32
          %get3A_417 = arith.index_cast %add3A_414 : i32 to index
          %get3A_418 = arith.index_cast %mul3A_416 : i32 to index
          %get3A_419 = tpu.vector_load %arg12[%get3A_417, %get3A_418] {strides = array<i32>} : memref<64x128xf32, #tpu.memory_space<vmem>>, vector<16xf32>,
          %add3A_420 = arith.constant 8 : i32
          %add3A_421 = arith.addi %mul3A_121, %add3A_420 : i32
          %mul3A_422 = arith.constant 16 : i32
          %mul3A_423 = arith.muli %scan3A_257, %mul3A_422 : i32
          %get3A_424 = arith.index_cast %add3A_421 : i32 to index
          %get3A_425 = arith.index_cast %mul3A_423 : i32 to index
          %get3A_426 = tpu.vector_load %arg13[%get3A_424, %get3A_425] {strides = array<i32>} : memref<64x128xf32, #tpu.memory_space<vmem>>, vector<16xf32>,
          %mul3A_427 = arith.mulf %get3A_419, %get3A_426 : vector<16xf32>
          %mul3A_428 = arith.mulf %mul3A_427, %get3A_276 : vector<16xf32>
          %add3A_429 = arith.addf %scan3A_266, %mul3A_428 : vector<16xf32>
          %add3A_430 = arith.constant 9 : i32
          %add3A_431 = arith.addi %mul3A_121, %add3A_430 : i32
          %mul3A_432 = arith.constant 16 : i32
          %mul3A_433 = arith.muli %scan3A_257, %mul3A_432 : i32
          %get3A_434 = arith.index_cast %add3A_431 : i32 to index
          %get3A_435 = arith.index_cast %mul3A_433 : i32 to index
          %get3A_436 = tpu.vector_load %arg12[%get3A_434, %get3A_435] {strides = array<i32>} : memref<64x128xf32, #tpu.memory_space<vmem>>, vector<16xf32>,
          %add3A_437 = arith.constant 9 : i32
          %add3A_438 = arith.addi %mul3A_121, %add3A_437 : i32
          %mul3A_439 = arith.constant 16 : i32
          %mul3A_440 = arith.muli %scan3A_257, %mul3A_439 : i32
          %get3A_441 = arith.index_cast %add3A_438 : i32 to index
          %get3A_442 = arith.index_cast %mul3A_440 : i32 to index
          %get3A_443 = tpu.vector_load %arg13[%get3A_441, %get3A_442] {strides = array<i32>} : memref<64x128xf32, #tpu.memory_space<vmem>>, vector<16xf32>,
          %mul3A_444 = arith.mulf %get3A_436, %get3A_443 : vector<16xf32>
          %mul3A_445 = arith.mulf %mul3A_444, %get3A_276 : vector<16xf32>
          %add3A_446 = arith.addf %scan3A_267, %mul3A_445 : vector<16xf32>
          %add3A_447 = arith.constant 10 : i32
          %add3A_448 = arith.addi %mul3A_121, %add3A_447 : i32
          %mul3A_449 = arith.constant 16 : i32
          %mul3A_450 = arith.muli %scan3A_257, %mul3A_449 : i32
          %get3A_451 = arith.index_cast %add3A_448 : i32 to index
          %get3A_452 = arith.index_cast %mul3A_450 : i32 to index
          %get3A_453 = tpu.vector_load %arg12[%get3A_451, %get3A_452] {strides = array<i32>} : memref<64x128xf32, #tpu.memory_space<vmem>>, vector<16xf32>,
          %add3A_454 = arith.constant 10 : i32
          %add3A_455 = arith.addi %mul3A_121, %add3A_454 : i32
          %mul3A_456 = arith.constant 16 : i32
          %mul3A_457 = arith.muli %scan3A_257, %mul3A_456 : i32
          %get3A_458 = arith.index_cast %add3A_455 : i32 to index
          %get3A_459 = arith.index_cast %mul3A_457 : i32 to index
          %get3A_460 = tpu.vector_load %arg13[%get3A_458, %get3A_459] {strides = array<i32>} : memref<64x128xf32, #tpu.memory_space<vmem>>, vector<16xf32>,
          %mul3A_461 = arith.mulf %get3A_453, %get3A_460 : vector<16xf32>
          %mul3A_462 = arith.mulf %mul3A_461, %get3A_276 : vector<16xf32>
          %add3A_463 = arith.addf %scan3A_268, %mul3A_462 : vector<16xf32>
          %add3A_464 = arith.constant 11 : i32
          %add3A_465 = arith.addi %mul3A_121, %add3A_464 : i32
          %mul3A_466 = arith.constant 16 : i32
          %mul3A_467 = arith.muli %scan3A_257, %mul3A_466 : i32
          %get3A_468 = arith.index_cast %add3A_465 : i32 to index
          %get3A_469 = arith.index_cast %mul3A_467 : i32 to index
          %get3A_470 = tpu.vector_load %arg12[%get3A_468, %get3A_469] {strides = array<i32>} : memref<64x128xf32, #tpu.memory_space<vmem>>, vector<16xf32>,
          %add3A_471 = arith.constant 11 : i32
          %add3A_472 = arith.addi %mul3A_121, %add3A_471 : i32
          %mul3A_473 = arith.constant 16 : i32
          %mul3A_474 = arith.muli %scan3A_257, %mul3A_473 : i32
          %get3A_475 = arith.index_cast %add3A_472 : i32 to index
          %get3A_476 = arith.index_cast %mul3A_474 : i32 to index
          %get3A_477 = tpu.vector_load %arg13[%get3A_475, %get3A_476] {strides = array<i32>} : memref<64x128xf32, #tpu.memory_space<vmem>>, vector<16xf32>,
          %mul3A_478 = arith.mulf %get3A_470, %get3A_477 : vector<16xf32>
          %mul3A_479 = arith.mulf %mul3A_478, %get3A_276 : vector<16xf32>
          %add3A_480 = arith.addf %scan3A_269, %mul3A_479 : vector<16xf32>
          %add3A_481 = arith.constant 12 : i32
          %add3A_482 = arith.addi %mul3A_121, %add3A_481 : i32
          %mul3A_483 = arith.constant 16 : i32
          %mul3A_484 = arith.muli %scan3A_257, %mul3A_483 : i32
          %get3A_485 = arith.index_cast %add3A_482 : i32 to index
          %get3A_486 = arith.index_cast %mul3A_484 : i32 to index
          %get3A_487 = tpu.vector_load %arg12[%get3A_485, %get3A_486] {strides = array<i32>} : memref<64x128xf32, #tpu.memory_space<vmem>>, vector<16xf32>,
          %add3A_488 = arith.constant 12 : i32
          %add3A_489 = arith.addi %mul3A_121, %add3A_488 : i32
          %mul3A_490 = arith.constant 16 : i32
          %mul3A_491 = arith.muli %scan3A_257, %mul3A_490 : i32
          %get3A_492 = arith.index_cast %add3A_489 : i32 to index
          %get3A_493 = arith.index_cast %mul3A_491 : i32 to index
          %get3A_494 = tpu.vector_load %arg13[%get3A_492, %get3A_493] {strides = array<i32>} : memref<64x128xf32, #tpu.memory_space<vmem>>, vector<16xf32>,
          %mul3A_495 = arith.mulf %get3A_487, %get3A_494 : vector<16xf32>
          %mul3A_496 = arith.mulf %mul3A_495, %get3A_276 : vector<16xf32>
          %add3A_497 = arith.addf %scan3A_270, %mul3A_496 : vector<16xf32>
          %add3A_498 = arith.constant 13 : i32
          %add3A_499 = arith.addi %mul3A_121, %add3A_498 : i32
          %mul3A_500 = arith.constant 16 : i32
          %mul3A_501 = arith.muli %scan3A_257, %mul3A_500 : i32
          %get3A_502 = arith.index_cast %add3A_499 : i32 to index
          %get3A_503 = arith.index_cast %mul3A_501 : i32 to index
          %get3A_504 = tpu.vector_load %arg12[%get3A_502, %get3A_503] {strides = array<i32>} : memref<64x128xf32, #tpu.memory_space<vmem>>, vector<16xf32>,
          %add3A_505 = arith.constant 13 : i32
          %add3A_506 = arith.addi %mul3A_121, %add3A_505 : i32
          %mul3A_507 = arith.constant 16 : i32
          %mul3A_508 = arith.muli %scan3A_257, %mul3A_507 : i32
          %get3A_509 = arith.index_cast %add3A_506 : i32 to index
          %get3A_510 = arith.index_cast %mul3A_508 : i32 to index
          %get3A_511 = tpu.vector_load %arg13[%get3A_509, %get3A_510] {strides = array<i32>} : memref<64x128xf32, #tpu.memory_space<vmem>>, vector<16xf32>,
          %mul3A_512 = arith.mulf %get3A_504, %get3A_511 : vector<16xf32>
          %mul3A_513 = arith.mulf %mul3A_512, %get3A_276 : vector<16xf32>
          %add3A_514 = arith.addf %scan3A_271, %mul3A_513 : vector<16xf32>
          %add3A_515 = arith.constant 14 : i32
          %add3A_516 = arith.addi %mul3A_121, %add3A_515 : i32
          %mul3A_517 = arith.constant 16 : i32
          %mul3A_518 = arith.muli %scan3A_257, %mul3A_517 : i32
          %get3A_519 = arith.index_cast %add3A_516 : i32 to index
          %get3A_520 = arith.index_cast %mul3A_518 : i32 to index
          %get3A_521 = tpu.vector_load %arg12[%get3A_519, %get3A_520] {strides = array<i32>} : memref<64x128xf32, #tpu.memory_space<vmem>>, vector<16xf32>,
          %add3A_522 = arith.constant 14 : i32
          %add3A_523 = arith.addi %mul3A_121, %add3A_522 : i32
          %mul3A_524 = arith.constant 16 : i32
          %mul3A_525 = arith.muli %scan3A_257, %mul3A_524 : i32
          %get3A_526 = arith.index_cast %add3A_523 : i32 to index
          %get3A_527 = arith.index_cast %mul3A_525 : i32 to index
          %get3A_528 = tpu.vector_load %arg13[%get3A_526, %get3A_527] {strides = array<i32>} : memref<64x128xf32, #tpu.memory_space<vmem>>, vector<16xf32>,
          %mul3A_529 = arith.mulf %get3A_521, %get3A_528 : vector<16xf32>
          %mul3A_530 = arith.mulf %mul3A_529, %get3A_276 : vector<16xf32>
          %add3A_531 = arith.addf %scan3A_272, %mul3A_530 : vector<16xf32>
          %add3A_532 = arith.constant 15 : i32
          %add3A_533 = arith.addi %mul3A_121, %add3A_532 : i32
          %mul3A_534 = arith.constant 16 : i32
          %mul3A_535 = arith.muli %scan3A_257, %mul3A_534 : i32
          %get3A_536 = arith.index_cast %add3A_533 : i32 to index
          %get3A_537 = arith.index_cast %mul3A_535 : i32 to index
          %get3A_538 = tpu.vector_load %arg12[%get3A_536, %get3A_537] {strides = array<i32>} : memref<64x128xf32, #tpu.memory_space<vmem>>, vector<16xf32>,
          %add3A_539 = arith.constant 15 : i32
          %add3A_540 = arith.addi %mul3A_121, %add3A_539 : i32
          %mul3A_541 = arith.constant 16 : i32
          %mul3A_542 = arith.muli %scan3A_257, %mul3A_541 : i32
          %get3A_543 = arith.index_cast %add3A_540 : i32 to index
          %get3A_544 = arith.index_cast %mul3A_542 : i32 to index
          %get3A_545 = tpu.vector_load %arg13[%get3A_543, %get3A_544] {strides = array<i32>} : memref<64x128xf32, #tpu.memory_space<vmem>>, vector<16xf32>,
          %mul3A_546 = arith.mulf %get3A_538, %get3A_545 : vector<16xf32>
          %mul3A_547 = arith.mulf %mul3A_546, %get3A_276 : vector<16xf32>
          %add3A_548 = arith.addf %scan3A_273, %mul3A_547 : vector<16xf32>
          scf.yield %add3A_293, %add3A_310, %add3A_327, %add3A_344, %add3A_361, %add3A_378, %add3A_395, %add3A_412, %add3A_429, %add3A_446, %add3A_463, %add3A_480, %add3A_497, %add3A_514, %add3A_531, %add3A_548 : vector<16xf32>, vector<16xf32>, vector<16xf32>, vector<16xf32>, vector<16xf32>, vector<16xf32>, vector<16xf32>, vector<16xf32>, vector<16xf32>, vector<16xf32>, vector<16xf32>, vector<16xf32>, vector<16xf32>, vector<16xf32>, vector<16xf32>, vector<16xf32>
        }
        %scan3A_128 = arith.constant 8 : i32
        %swap3A = arith.constant 0 : i32
        %swap3A_129 = arith.index_cast %swap3A : i32 to index
        %swap3A_130 = arith.constant 0 : index
        %swap3A_131 = tpu.vector_load %arg16[%swap3A_129, %swap3A_130] {strides = array<i32>} : memref<16x16xf32, #tpu.memory_space<vmem>>, vector<16xf32>,
        tpu.vector_store %arg16[%swap3A_129, %swap3A_130], %scan3A_127#0 {strides = array<i32>} : memref<16x16xf32, #tpu.memory_space<vmem>>, vector<16xf32>,
        %swap3A_132 = arith.constant 1 : i32
        %swap3A_133 = arith.index_cast %swap3A_132 : i32 to index
        %swap3A_134 = arith.constant 0 : index
        %swap3A_135 = tpu.vector_load %arg16[%swap3A_133, %swap3A_134] {strides = array<i32>} : memref<16x16xf32, #tpu.memory_space<vmem>>, vector<16xf32>,
        tpu.vector_store %arg16[%swap3A_133, %swap3A_134], %scan3A_127#1 {strides = array<i32>} : memref<16x16xf32, #tpu.memory_space<vmem>>, vector<16xf32>,
        %swap3A_136 = arith.constant 2 : i32
        %swap3A_137 = arith.index_cast %swap3A_136 : i32 to index
        %swap3A_138 = arith.constant 0 : index
        %swap3A_139 = tpu.vector_load %arg16[%swap3A_137, %swap3A_138] {strides = array<i32>} : memref<16x16xf32, #tpu.memory_space<vmem>>, vector<16xf32>,
        tpu.vector_store %arg16[%swap3A_137, %swap3A_138], %scan3A_127#2 {strides = array<i32>} : memref<16x16xf32, #tpu.memory_space<vmem>>, vector<16xf32>,
        %swap3A_140 = arith.constant 3 : i32
        %swap3A_141 = arith.index_cast %swap3A_140 : i32 to index
        %swap3A_142 = arith.constant 0 : index
        %swap3A_143 = tpu.vector_load %arg16[%swap3A_141, %swap3A_142] {strides = array<i32>} : memref<16x16xf32, #tpu.memory_space<vmem>>, vector<16xf32>,
        tpu.vector_store %arg16[%swap3A_141, %swap3A_142], %scan3A_127#3 {strides = array<i32>} : memref<16x16xf32, #tpu.memory_space<vmem>>, vector<16xf32>,
        %swap3A_144 = arith.constant 4 : i32
        %swap3A_145 = arith.index_cast %swap3A_144 : i32 to index
        %swap3A_146 = arith.constant 0 : index
        %swap3A_147 = tpu.vector_load %arg16[%swap3A_145, %swap3A_146] {strides = array<i32>} : memref<16x16xf32, #tpu.memory_space<vmem>>, vector<16xf32>,
        tpu.vector_store %arg16[%swap3A_145, %swap3A_146], %scan3A_127#4 {strides = array<i32>} : memref<16x16xf32, #tpu.memory_space<vmem>>, vector<16xf32>,
        %swap3A_148 = arith.constant 5 : i32
        %swap3A_149 = arith.index_cast %swap3A_148 : i32 to index
        %swap3A_150 = arith.constant 0 : index
        %swap3A_151 = tpu.vector_load %arg16[%swap3A_149, %swap3A_150] {strides = array<i32>} : memref<16x16xf32, #tpu.memory_space<vmem>>, vector<16xf32>,
        tpu.vector_store %arg16[%swap3A_149, %swap3A_150], %scan3A_127#5 {strides = array<i32>} : memref<16x16xf32, #tpu.memory_space<vmem>>, vector<16xf32>,
        %swap3A_152 = arith.constant 6 : i32
        %swap3A_153 = arith.index_cast %swap3A_152 : i32 to index
        %swap3A_154 = arith.constant 0 : index
        %swap3A_155 = tpu.vector_load %arg16[%swap3A_153, %swap3A_154] {strides = array<i32>} : memref<16x16xf32, #tpu.memory_space<vmem>>, vector<16xf32>,
        tpu.vector_store %arg16[%swap3A_153, %swap3A_154], %scan3A_127#6 {strides = array<i32>} : memref<16x16xf32, #tpu.memory_space<vmem>>, vector<16xf32>,
        %swap3A_156 = arith.constant 7 : i32
        %swap3A_157 = arith.index_cast %swap3A_156 : i32 to index
        %swap3A_158 = arith.constant 0 : index
        %swap3A_159 = tpu.vector_load %arg16[%swap3A_157, %swap3A_158] {strides = array<i32>} : memref<16x16xf32, #tpu.memory_space<vmem>>, vector<16xf32>,
        tpu.vector_store %arg16[%swap3A_157, %swap3A_158], %scan3A_127#7 {strides = array<i32>} : memref<16x16xf32, #tpu.memory_space<vmem>>, vector<16xf32>,
        %swap3A_160 = arith.constant 8 : i32
        %swap3A_161 = arith.index_cast %swap3A_160 : i32 to index
        %swap3A_162 = arith.constant 0 : index
        %swap3A_163 = tpu.vector_load %arg16[%swap3A_161, %swap3A_162] {strides = array<i32>} : memref<16x16xf32, #tpu.memory_space<vmem>>, vector<16xf32>,
        tpu.vector_store %arg16[%swap3A_161, %swap3A_162], %scan3A_127#8 {strides = array<i32>} : memref<16x16xf32, #tpu.memory_space<vmem>>, vector<16xf32>,
        %swap3A_164 = arith.constant 9 : i32
        %swap3A_165 = arith.index_cast %swap3A_164 : i32 to index
        %swap3A_166 = arith.constant 0 : index
        %swap3A_167 = tpu.vector_load %arg16[%swap3A_165, %swap3A_166] {strides = array<i32>} : memref<16x16xf32, #tpu.memory_space<vmem>>, vector<16xf32>,
        tpu.vector_store %arg16[%swap3A_165, %swap3A_166], %scan3A_127#9 {strides = array<i32>} : memref<16x16xf32, #tpu.memory_space<vmem>>, vector<16xf32>,
        %swap3A_168 = arith.constant 10 : i32
        %swap3A_169 = arith.index_cast %swap3A_168 : i32 to index
        %swap3A_170 = arith.constant 0 : index
        %swap3A_171 = tpu.vector_load %arg16[%swap3A_169, %swap3A_170] {strides = array<i32>} : memref<16x16xf32, #tpu.memory_space<vmem>>, vector<16xf32>,
        tpu.vector_store %arg16[%swap3A_169, %swap3A_170], %scan3A_127#10 {strides = array<i32>} : memref<16x16xf32, #tpu.memory_space<vmem>>, vector<16xf32>,
        %swap3A_172 = arith.constant 11 : i32
        %swap3A_173 = arith.index_cast %swap3A_172 : i32 to index
        %swap3A_174 = arith.constant 0 : index
        %swap3A_175 = tpu.vector_load %arg16[%swap3A_173, %swap3A_174] {strides = array<i32>} : memref<16x16xf32, #tpu.memory_space<vmem>>, vector<16xf32>,
        tpu.vector_store %arg16[%swap3A_173, %swap3A_174], %scan3A_127#11 {strides = array<i32>} : memref<16x16xf32, #tpu.memory_space<vmem>>, vector<16xf32>,
        %swap3A_176 = arith.constant 12 : i32
        %swap3A_177 = arith.index_cast %swap3A_176 : i32 to index
        %swap3A_178 = arith.constant 0 : index
        %swap3A_179 = tpu.vector_load %arg16[%swap3A_177, %swap3A_178] {strides = array<i32>} : memref<16x16xf32, #tpu.memory_space<vmem>>, vector<16xf32>,
        tpu.vector_store %arg16[%swap3A_177, %swap3A_178], %scan3A_127#12 {strides = array<i32>} : memref<16x16xf32, #tpu.memory_space<vmem>>, vector<16xf32>,
        %swap3A_180 = arith.constant 13 : i32
        %swap3A_181 = arith.index_cast %swap3A_180 : i32 to index
        %swap3A_182 = arith.constant 0 : index
        %swap3A_183 = tpu.vector_load %arg16[%swap3A_181, %swap3A_182] {strides = array<i32>} : memref<16x16xf32, #tpu.memory_space<vmem>>, vector<16xf32>,
        tpu.vector_store %arg16[%swap3A_181, %swap3A_182], %scan3A_127#13 {strides = array<i32>} : memref<16x16xf32, #tpu.memory_space<vmem>>, vector<16xf32>,
        %swap3A_184 = arith.constant 14 : i32
        %swap3A_185 = arith.index_cast %swap3A_184 : i32 to index
        %swap3A_186 = arith.constant 0 : index
        %swap3A_187 = tpu.vector_load %arg16[%swap3A_185, %swap3A_186] {strides = array<i32>} : memref<16x16xf32, #tpu.memory_space<vmem>>, vector<16xf32>,
        tpu.vector_store %arg16[%swap3A_185, %swap3A_186], %scan3A_127#14 {strides = array<i32>} : memref<16x16xf32, #tpu.memory_space<vmem>>, vector<16xf32>,
        %swap3A_188 = arith.constant 15 : i32
        %swap3A_189 = arith.index_cast %swap3A_188 : i32 to index
        %swap3A_190 = arith.constant 0 : index
        %swap3A_191 = tpu.vector_load %arg16[%swap3A_189, %swap3A_190] {strides = array<i32>} : memref<16x16xf32, #tpu.memory_space<vmem>>, vector<16xf32>,
        tpu.vector_store %arg16[%swap3A_189, %swap3A_190], %scan3A_127#15 {strides = array<i32>} : memref<16x16xf32, #tpu.memory_space<vmem>>, vector<16xf32>,
        %broadcast_in_dim3A_192 = arith.constant 0 : i32
        %broadcast_in_dim3A_193 = vector.broadcast %broadcast_in_dim3A_192 : i32 to vector<16xi32>
        %gather3A = tpu.vector_load_idx %arg16[%iota3A, %broadcast_in_dim3A_193] : memref<16x16xf32, #tpu.memory_space<vmem>>[vector<16xi32>, vector<16xi32>], vector<16xf32>,
        %broadcast_in_dim3A_194 = arith.constant 1 : i32
        %broadcast_in_dim3A_195 = vector.broadcast %broadcast_in_dim3A_194 : i32 to vector<16xi32>
        %gather3A_196 = tpu.vector_load_idx %arg16[%iota3A, %broadcast_in_dim3A_195] : memref<16x16xf32, #tpu.memory_space<vmem>>[vector<16xi32>, vector<16xi32>], vector<16xf32>,
        %add3A_197 = arith.addf %gather3A, %gather3A_196 : vector<16xf32>
        %broadcast_in_dim3A_198 = arith.constant 2 : i32
        %broadcast_in_dim3A_199 = vector.broadcast %broadcast_in_dim3A_198 : i32 to vector<16xi32>
        %gather3A_200 = tpu.vector_load_idx %arg16[%iota3A, %broadcast_in_dim3A_199] : memref<16x16xf32, #tpu.memory_space<vmem>>[vector<16xi32>, vector<16xi32>], vector<16xf32>,
        %add3A_201 = arith.addf %add3A_197, %gather3A_200 : vector<16xf32>
        %broadcast_in_dim3A_202 = arith.constant 3 : i32
        %broadcast_in_dim3A_203 = vector.broadcast %broadcast_in_dim3A_202 : i32 to vector<16xi32>
        %gather3A_204 = tpu.vector_load_idx %arg16[%iota3A, %broadcast_in_dim3A_203] : memref<16x16xf32, #tpu.memory_space<vmem>>[vector<16xi32>, vector<16xi32>], vector<16xf32>,
        %add3A_205 = arith.addf %add3A_201, %gather3A_204 : vector<16xf32>
        %broadcast_in_dim3A_206 = arith.constant 4 : i32
        %broadcast_in_dim3A_207 = vector.broadcast %broadcast_in_dim3A_206 : i32 to vector<16xi32>
        %gather3A_208 = tpu.vector_load_idx %arg16[%iota3A, %broadcast_in_dim3A_207] : memref<16x16xf32, #tpu.memory_space<vmem>>[vector<16xi32>, vector<16xi32>], vector<16xf32>,
        %add3A_209 = arith.addf %add3A_205, %gather3A_208 : vector<16xf32>
        %broadcast_in_dim3A_210 = arith.constant 5 : i32
        %broadcast_in_dim3A_211 = vector.broadcast %broadcast_in_dim3A_210 : i32 to vector<16xi32>
        %gather3A_212 = tpu.vector_load_idx %arg16[%iota3A, %broadcast_in_dim3A_211] : memref<16x16xf32, #tpu.memory_space<vmem>>[vector<16xi32>, vector<16xi32>], vector<16xf32>,
        %add3A_213 = arith.addf %add3A_209, %gather3A_212 : vector<16xf32>
        %broadcast_in_dim3A_214 = arith.constant 6 : i32
        %broadcast_in_dim3A_215 = vector.broadcast %broadcast_in_dim3A_214 : i32 to vector<16xi32>
        %gather3A_216 = tpu.vector_load_idx %arg16[%iota3A, %broadcast_in_dim3A_215] : memref<16x16xf32, #tpu.memory_space<vmem>>[vector<16xi32>, vector<16xi32>], vector<16xf32>,
        %add3A_217 = arith.addf %add3A_213, %gather3A_216 : vector<16xf32>
        %broadcast_in_dim3A_218 = arith.constant 7 : i32
        %broadcast_in_dim3A_219 = vector.broadcast %broadcast_in_dim3A_218 : i32 to vector<16xi32>
        %gather3A_220 = tpu.vector_load_idx %arg16[%iota3A, %broadcast_in_dim3A_219] : memref<16x16xf32, #tpu.memory_space<vmem>>[vector<16xi32>, vector<16xi32>], vector<16xf32>,
        %add3A_221 = arith.addf %add3A_217, %gather3A_220 : vector<16xf32>
        %broadcast_in_dim3A_222 = arith.constant 8 : i32
        %broadcast_in_dim3A_223 = vector.broadcast %broadcast_in_dim3A_222 : i32 to vector<16xi32>
        %gather3A_224 = tpu.vector_load_idx %arg16[%iota3A, %broadcast_in_dim3A_223] : memref<16x16xf32, #tpu.memory_space<vmem>>[vector<16xi32>, vector<16xi32>], vector<16xf32>,
        %add3A_225 = arith.addf %add3A_221, %gather3A_224 : vector<16xf32>
        %broadcast_in_dim3A_226 = arith.constant 9 : i32
        %broadcast_in_dim3A_227 = vector.broadcast %broadcast_in_dim3A_226 : i32 to vector<16xi32>
        %gather3A_228 = tpu.vector_load_idx %arg16[%iota3A, %broadcast_in_dim3A_227] : memref<16x16xf32, #tpu.memory_space<vmem>>[vector<16xi32>, vector<16xi32>], vector<16xf32>,
        %add3A_229 = arith.addf %add3A_225, %gather3A_228 : vector<16xf32>
        %broadcast_in_dim3A_230 = arith.constant 10 : i32
        %broadcast_in_dim3A_231 = vector.broadcast %broadcast_in_dim3A_230 : i32 to vector<16xi32>
        %gather3A_232 = tpu.vector_load_idx %arg16[%iota3A, %broadcast_in_dim3A_231] : memref<16x16xf32, #tpu.memory_space<vmem>>[vector<16xi32>, vector<16xi32>], vector<16xf32>,
        %add3A_233 = arith.addf %add3A_229, %gather3A_232 : vector<16xf32>
        %broadcast_in_dim3A_234 = arith.constant 11 : i32
        %broadcast_in_dim3A_235 = vector.broadcast %broadcast_in_dim3A_234 : i32 to vector<16xi32>
        %gather3A_236 = tpu.vector_load_idx %arg16[%iota3A, %broadcast_in_dim3A_235] : memref<16x16xf32, #tpu.memory_space<vmem>>[vector<16xi32>, vector<16xi32>], vector<16xf32>,
        %add3A_237 = arith.addf %add3A_233, %gather3A_236 : vector<16xf32>
        %broadcast_in_dim3A_238 = arith.constant 12 : i32
        %broadcast_in_dim3A_239 = vector.broadcast %broadcast_in_dim3A_238 : i32 to vector<16xi32>
        %gather3A_240 = tpu.vector_load_idx %arg16[%iota3A, %broadcast_in_dim3A_239] : memref<16x16xf32, #tpu.memory_space<vmem>>[vector<16xi32>, vector<16xi32>], vector<16xf32>,
        %add3A_241 = arith.addf %add3A_237, %gather3A_240 : vector<16xf32>
        %broadcast_in_dim3A_242 = arith.constant 13 : i32
        %broadcast_in_dim3A_243 = vector.broadcast %broadcast_in_dim3A_242 : i32 to vector<16xi32>
        %gather3A_244 = tpu.vector_load_idx %arg16[%iota3A, %broadcast_in_dim3A_243] : memref<16x16xf32, #tpu.memory_space<vmem>>[vector<16xi32>, vector<16xi32>], vector<16xf32>,
        %add3A_245 = arith.addf %add3A_241, %gather3A_244 : vector<16xf32>
        %broadcast_in_dim3A_246 = arith.constant 14 : i32
        %broadcast_in_dim3A_247 = vector.broadcast %broadcast_in_dim3A_246 : i32 to vector<16xi32>
        %gather3A_248 = tpu.vector_load_idx %arg16[%iota3A, %broadcast_in_dim3A_247] : memref<16x16xf32, #tpu.memory_space<vmem>>[vector<16xi32>, vector<16xi32>], vector<16xf32>,
        %add3A_249 = arith.addf %add3A_245, %gather3A_248 : vector<16xf32>
        %broadcast_in_dim3A_250 = arith.constant 15 : i32
        %broadcast_in_dim3A_251 = vector.broadcast %broadcast_in_dim3A_250 : i32 to vector<16xi32>
        %gather3A_252 = tpu.vector_load_idx %arg16[%iota3A, %broadcast_in_dim3A_251] : memref<16x16xf32, #tpu.memory_space<vmem>>[vector<16xi32>, vector<16xi32>], vector<16xf32>,
        %add3A_253 = arith.addf %add3A_249, %gather3A_252 : vector<16xf32>
        %add3A_254 = arith.addi %mul3A_112, %mul3A_121 : i32
        %swap3A_255 = arith.index_cast %add3A_254 : i32 to index
        %swap3A_256 = tpu.vector_load %arg14[%swap3A_255] {strides = array<i32>} : memref<19328xf32, #tpu.memory_space<vmem>>, vector<16xf32>,
        tpu.vector_store %arg14[%swap3A_255], %add3A_253 {strides = array<i32>} : memref<19328xf32, #tpu.memory_space<vmem>>, vector<16xf32>,
      }
      %scan3A_118 = arith.constant 4 : i32
    }
    %sub3A_43 = arith.constant 1 : i32
    %sub3A_44 = arith.subi %select_n3A, %sub3A_43 : i32
    %mul3A_45 = arith.constant 64 : i32
    %mul3A_46 = arith.muli %sub3A_44, %mul3A_45 : i32
    %dma_wait3A = tpu.memref_slice %arg8[%mul3A_46] : memref<19328xi32, #tpu.memory_space<vmem>> -> memref<64xi32, #tpu.memory_space<vmem>>
    %dma_wait3A_47 = arith.constant 0 : i32
    %dma_wait3A_48 = arith.constant 0 : i32
    %dma_wait3A_49 = tpu.memref_slice %arg4[%dma_wait3A_47, %dma_wait3A_48] : memref<100000x128xf32, #tpu.memory_space<hbm>> -> memref<100000x128xf32, #tpu.memory_space<hbm>>
    tpu.wait_indirect_dma semaphore(%arg17 : memref<!tpu.dma_semaphore, #tpu.memory_space<semaphore_mem>>) src(%dma_wait3A_49 : memref<100000x128xf32, #tpu.memory_space<hbm>>) dst(%arg10 : memref<64x128xf32, #tpu.memory_space<vmem>>)
    %dma_wait3A_50 = tpu.memref_slice %arg9[%mul3A_46] : memref<19328xi32, #tpu.memory_space<vmem>> -> memref<64xi32, #tpu.memory_space<vmem>>
    %dma_wait3A_51 = arith.constant 0 : i32
    %dma_wait3A_52 = arith.constant 0 : i32
    %dma_wait3A_53 = tpu.memref_slice %arg5[%dma_wait3A_51, %dma_wait3A_52] : memref<100000x128xf32, #tpu.memory_space<hbm>> -> memref<100000x128xf32, #tpu.memory_space<hbm>>
    tpu.wait_indirect_dma semaphore(%arg17 : memref<!tpu.dma_semaphore, #tpu.memory_space<semaphore_mem>>) src(%dma_wait3A_53 : memref<100000x128xf32, #tpu.memory_space<hbm>>) dst(%arg11 : memref<64x128xf32, #tpu.memory_space<vmem>>)
    "tpu.region"() ({
      %run_scoped3A = tpu.sem_alloc : memref<!tpu.dma_semaphore, #tpu.memory_space<semaphore_mem>>
      %dma_start3A_55 = arith.constant 0 : i32
      %dma_start3A_56 = tpu.memref_slice %arg14[%dma_start3A_55] : memref<19328xf32, #tpu.memory_space<vmem>> -> memref<12160xf32, #tpu.memory_space<vmem>>
      %dma_start3A_57 = tpu.memref_slice %arg7[%select_n3A_6] : memref<510976xf32, #tpu.memory_space<hbm>> -> memref<12160xf32, #tpu.memory_space<hbm>>
      %dma_start3A_58 = tpu.memref_slice %arg7[%select_n3A_6] : memref<510976xf32, #tpu.memory_space<hbm>> -> memref<12160xf32, #tpu.memory_space<hbm>>
      %dma_start3A_59 = arith.constant 0 : i32
      %dma_start3A_60 = tpu.memref_slice %arg14[%dma_start3A_59] : memref<19328xf32, #tpu.memory_space<vmem>> -> memref<12160xf32, #tpu.memory_space<vmem>>
      tpu.enqueue_dma source(%dma_start3A_60 : memref<12160xf32, #tpu.memory_space<vmem>>) target(%dma_start3A_58 : memref<12160xf32, #tpu.memory_space<hbm>>) target_semaphore(%run_scoped3A : memref<!tpu.dma_semaphore, #tpu.memory_space<semaphore_mem>>)
      %dma_wait3A_61 = arith.constant 0 : i32
      %dma_wait3A_62 = tpu.memref_slice %arg14[%dma_wait3A_61] : memref<19328xf32, #tpu.memory_space<vmem>> -> memref<12160xf32, #tpu.memory_space<vmem>>
      %dma_wait3A_63 = tpu.memref_slice %arg7[%select_n3A_6] : memref<510976xf32, #tpu.memory_space<hbm>> -> memref<12160xf32, #tpu.memory_space<hbm>>
      %dma_wait3A_64 = tpu.memref_slice %arg7[%select_n3A_6] : memref<510976xf32, #tpu.memory_space<hbm>> -> memref<12160xf32, #tpu.memory_space<hbm>>
      %dma_wait3A_65 = arith.constant 0 : i32
      %dma_wait3A_66 = tpu.memref_slice %arg14[%dma_wait3A_65] : memref<19328xf32, #tpu.memory_space<vmem>> -> memref<12160xf32, #tpu.memory_space<vmem>>
      tpu.wait_dma2 semaphore(%run_scoped3A : memref<!tpu.dma_semaphore, #tpu.memory_space<semaphore_mem>>) src(%dma_wait3A_66 : memref<12160xf32, #tpu.memory_space<vmem>>) dst(%dma_wait3A_64 : memref<12160xf32, #tpu.memory_space<hbm>>)
      tpu.yield
    }) : () -> ()
    %convert_element_type3A = arith.extui %eq3A_0 : i1 to i32
    %cond3A = arith.constant 0 : i32
    %cond3A_54 = arith.cmpi ne, %convert_element_type3A, %cond3A : i32
    scf.if %cond3A_54 {
      %add3A_55 = arith.constant 12160 : i32
      %add3A_56 = arith.addi %select_n3A_6, %add3A_55 : i32
      "tpu.region"() ({
        %run_scoped3A = tpu.sem_alloc : memref<!tpu.dma_semaphore, #tpu.memory_space<semaphore_mem>>
        %dma_start3A_57 = arith.constant 12160 : i32
        %dma_start3A_58 = tpu.memref_slice %arg14[%dma_start3A_57] : memref<19328xf32, #tpu.memory_space<vmem>> -> memref<7168xf32, #tpu.memory_space<vmem>>
        %dma_start3A_59 = tpu.memref_slice %arg7[%add3A_56] : memref<510976xf32, #tpu.memory_space<hbm>> -> memref<7168xf32, #tpu.memory_space<hbm>>
        %dma_start3A_60 = tpu.memref_slice %arg7[%add3A_56] : memref<510976xf32, #tpu.memory_space<hbm>> -> memref<7168xf32, #tpu.memory_space<hbm>>
        %dma_start3A_61 = arith.constant 12160 : i32
        %dma_start3A_62 = tpu.memref_slice %arg14[%dma_start3A_61] : memref<19328xf32, #tpu.memory_space<vmem>> -> memref<7168xf32, #tpu.memory_space<vmem>>
        tpu.enqueue_dma source(%dma_start3A_62 : memref<7168xf32, #tpu.memory_space<vmem>>) target(%dma_start3A_60 : memref<7168xf32, #tpu.memory_space<hbm>>) target_semaphore(%run_scoped3A : memref<!tpu.dma_semaphore, #tpu.memory_space<semaphore_mem>>)
        %dma_wait3A_63 = arith.constant 12160 : i32
        %dma_wait3A_64 = tpu.memref_slice %arg14[%dma_wait3A_63] : memref<19328xf32, #tpu.memory_space<vmem>> -> memref<7168xf32, #tpu.memory_space<vmem>>
        %dma_wait3A_65 = tpu.memref_slice %arg7[%add3A_56] : memref<510976xf32, #tpu.memory_space<hbm>> -> memref<7168xf32, #tpu.memory_space<hbm>>
        %dma_wait3A_66 = tpu.memref_slice %arg7[%add3A_56] : memref<510976xf32, #tpu.memory_space<hbm>> -> memref<7168xf32, #tpu.memory_space<hbm>>
        %dma_wait3A_67 = arith.constant 12160 : i32
        %dma_wait3A_68 = tpu.memref_slice %arg14[%dma_wait3A_67] : memref<19328xf32, #tpu.memory_space<vmem>> -> memref<7168xf32, #tpu.memory_space<vmem>>
        tpu.wait_dma2 semaphore(%run_scoped3A : memref<!tpu.dma_semaphore, #tpu.memory_space<semaphore_mem>>) src(%dma_wait3A_68 : memref<7168xf32, #tpu.memory_space<vmem>>) dst(%dma_wait3A_66 : memref<7168xf32, #tpu.memory_space<hbm>>)
        tpu.yield
      }) : () -> ()
    } else {
    }
    return
  }
}

</mosaic_0001>

<sc_bundles>
// kernel: kernel.3.cloned.1.call-start
scs
__scs_entry_jumppad:
0x0: {  	(pc) =	sbr.rel $0x88, $3  }
0x1: {  	(tag) =	ssettag $0x0;
	lr =	simm.s32 $0x1  }
0x2: {  	[smem:$0x3F9C] =	sst lr;
	_ =	strace $0xD0000000  }
0x3: {  	_ = 	snop  }
0x4: {  	_ = 	snop  }
0x5: {  	_ = 	snop  }
0x6: {  	_ = 	snop  }
0x7: {  	_ = 	snop  }
__scs_overlays_trampoline_lowered:
0x8: {  	[smem:$0x3FAB] =	sst s0  }
0x9: {  	[smem:$0x3FAC] =	sst s1  }
0xa: {  	[smem:$0x3FAD] =	sst s2  }
0xb: {  	[smem:$0x3FAE] =	sst s3  }
0xc: {  	[smem:$0x3FAF] =	sst s4  }
0xd: {  	[smem:$0x3FB0] =	sst s5  }
0xe: {  	[smem:$0x3FB1] =	sst s6  }
0xf: {  	[smem:$0x3FB2] =	sst s7  }
0x10: {  	[smem:$0x3FB3] =	sst s8  }
0x11: {  	[smem:$0x3FB4] =	sst s9;
	s0 =	simm.s32 @!p0 $0x0  }
0x12: {  	s1 =	sld [smem:$0x3F9A];
	s0 =	simm.s32 @p0 $0x1  }
0x13: {  	[smem:$0x3FB5] =	sst s0;
	s0 =	simm.s32 @!p1 $0x0  }
0x14: {  	s2 =	sld [smem:$0x3F99];
	s0 =	simm.s32 @p1 $0x1  }
0x15: {  	[smem:$0x3FB6] =	sst s0;
	s0 =	simm.s32 @!p2 $0x0  }
0x16: {  	s3 =	sld [smem:$0x3FDB];
	s0 =	simm.s32 @p2 $0x1  }
0x17: {  	s4 =	simm.s32 $0x1BF5;
	[smem:$0x3FB8] =	sst s0  }
0x18: {  	s0 =	sld [smem:$0x3F9B];
	_ =	swait.ge [sflag:s4], $0x0  }
0x19: {  	s7 =	sld [smem:$0x3F9C]  }
0x1a: {  	s8 =	sadd.s32 $0xFFFFE003, lr  }
0x1b: {  	s9 =	sadd.s32 $0xFFFFFEF7, lr;
	s5 =	simm.s32 $0xFFFFFFFF;
	p2 =	slt.u32 s8, $0xFFFFF086  }
0x1c: {  	p1 =	slt.u32 s9, $0xF7A;
	s5 =	simm.s32 @!p2 $0x0  }
0x1d: {  	s5 =	simm.s32 @p1 $0x1;
	p0 =	seq.s32 s7, s2  }
0x1e: {  	s7 =	smul.u32 @!p0 $0xF7A, s2;
	p2 =	seq.s32 @!p0 s5, $0x0  }
0x1f: {  	s9 =	smul.u32 $0xF7A, s1;
	s8 =	simm.s32 @!p0 $0x1BF5;
	p2 =	por !p2, p0  }
0x20: {  	[sflag:s8] =	ssyncset.s32 @!p0 $0xFFFFF086;
	s6 =	sadd.s32 @!p0 s3, s7;
	s7 =	simm.s32 @!p0 $0x108  }
0x21: {  	s3 =	sadd.s32 s3, s9;
	s6 =	sadd.s32 @!p0 $0x88, s6;
	s7 =	simm.s32 @p2 $0x1082  }
0x22: {  	[simem:s7], [sflag:s8] =	dma.local @!p0 [hbm:s6], $0xF7A  }
0x23: {  	s9 =	sor.u32 $0xD0000000, s2;
	s6 =	simm.s32 $0x108;
	_ =	swait.ge @!p0 [sflag:s8], $0x0  }
0x24: {  	s3 =	sadd.s32 $0x88, s3;
	s6 =	simm.s32 @!p1 $0x1082;
	[sflag:s4] =	ssyncset.s32 $0xFFFFF086  }
0x25: {  	[simem:s6], [sflag:s4] =	dma.local [hbm:s3], $0xF7A  }
0x26: {  	[smem:$0x3F9C] =	sst s1;
	(tag) =	ssettag s2;
	_ =	strace s9  }
0x27: {  	s1 =	sld [smem:$0x3FAC]  }
0x28: {  	s2 =	sld [smem:$0x3FAD]  }
0x29: {  	s4 =	sld [smem:$0x3FAF]  }
0x2a: {  	p0 =	seq.s32 s5, $0x0;
	s5 =	sld [smem:$0x3FB0]  }
0x2b: {  	s6 =	sld [smem:$0x3FB1]  }
0x2c: {  	s7 =	sld [smem:$0x3FB2]  }
0x2d: {  	s3 =	simm.s32 $0x108;
	s8 =	sld [smem:$0x3FB3]  }
0x2e: {  	s3 =	simm.s32 @!p0 $0x1082;
	s9 =	sld [smem:$0x3FB4]  }
0x2f: {  	lr =	sadd.s32 s0, s3;
	s0 =	sld [smem:$0x3FAB]  }
0x30: {  	s3 =	sld [smem:$0x3FAE]  }
0x31: {  	[smem:$0x3FB7] =	sst s10  }
0x32: {  	s10 =	sld [smem:$0x3FB5];
	_ =	sdelay $0x3  }
0x33: {  	p0 =	seq.s32 s10, $0x1;
	s10 =	sld [smem:$0x3FB7];
	_ =	sdelay $0x3  }
0x34: {  	[smem:$0x3FB7] =	sst s10  }
0x35: {  	s10 =	sld [smem:$0x3FB6];
	_ =	sdelay $0x3  }
0x36: {  	p1 =	seq.s32 s10, $0x1;
	s10 =	sld [smem:$0x3FB7];
	_ =	sdelay $0x3  }
0x37: {  	[smem:$0x3FB7] =	sst s10  }
0x38: {  	s10 =	sld [smem:$0x3FB8]  }
0x39: {  	_ = 	snop;
	(pc) =	sbr.ind lr, $3  }
0x3a: {  	_ = 	snop  }
0x3b: {  	_ = 	snop  }
0x3c: {  	p2 =	seq.s32 s10, $0x1;
	s10 =	sld [smem:$0x3FB7]  }
0x3d: {  	_ =	shalt  }
0x3e: {  	_ =	shalt  }
0x3f: {  	_ =	shalt  }
0x40: {  	_ =	shalt  }
0x41: {  	_ =	shalt  }
0x42: {  	_ =	shalt  }
0x43: {  	_ =	shalt  }
0x44: {  	_ =	shalt  }
0x45: {  	_ =	shalt  }
0x46: {  	_ =	shalt  }
0x47: {  	_ =	shalt  }
0x48: {  	_ =	shalt  }
0x49: {  	_ =	shalt  }
0x4a: {  	_ =	shalt  }
0x4b: {  	_ =	shalt  }
0x4c: {  	_ =	shalt  }
0x4d: {  	_ =	shalt  }
0x4e: {  	_ =	shalt  }
0x4f: {  	_ =	shalt  }
0x50: {  	_ =	shalt  }
0x51: {  	_ =	shalt  }
0x52: {  	_ =	shalt  }
0x53: {  	_ =	shalt  }
0x54: {  	_ =	shalt  }
0x55: {  	_ =	shalt  }
0x56: {  	_ =	shalt  }
0x57: {  	_ =	shalt  }
0x58: {  	_ =	shalt  }
0x59: {  	_ =	shalt  }
0x5a: {  	_ =	shalt  }
0x5b: {  	_ =	shalt  }
0x5c: {  	_ =	shalt  }
0x5d: {  	_ =	shalt  }
0x5e: {  	_ =	shalt  }
0x5f: {  	_ =	shalt  }
0x60: {  	_ =	shalt  }
0x61: {  	_ =	shalt  }
0x62: {  	_ =	shalt  }
0x63: {  	_ =	shalt  }
0x64: {  	_ =	shalt  }
0x65: {  	_ =	shalt  }
0x66: {  	_ =	shalt  }
0x67: {  	_ =	shalt  }
0x68: {  	_ =	shalt  }
0x69: {  	_ =	shalt  }
0x6a: {  	_ =	shalt  }
0x6b: {  	_ =	shalt  }
0x6c: {  	_ =	shalt  }
0x6d: {  	_ =	shalt  }
0x6e: {  	_ =	shalt  }
0x6f: {  	_ =	shalt  }
0x70: {  	_ =	shalt  }
0x71: {  	_ =	shalt  }
0x72: {  	_ =	shalt  }
0x73: {  	_ =	shalt  }
0x74: {  	_ =	shalt  }
0x75: {  	_ =	shalt  }
0x76: {  	_ =	shalt  }
0x77: {  	_ =	shalt  }
0x78: {  	_ =	shalt  }
0x79: {  	_ =	shalt  }
0x7a: {  	_ =	shalt  }
0x7b: {  	_ =	shalt  }
0x7c: {  	_ =	shalt  }
0x7d: {  	_ =	shalt  }
0x7e: {  	_ =	shalt  }
0x7f: {  	_ =	shalt  }
0x80: {  	_ =	shalt  }
0x81: {  	_ =	shalt  }
0x82: {  	_ =	shalt  }
0x83: {  	_ =	shalt  }
0x84: {  	_ =	shalt  }
0x85: {  	_ =	shalt  }
0x86: {  	_ =	shalt  }
0x87: {  	_ =	shalt  }
.Lfunc_end0:
.L_simem_size_0:
called_computation_lowered:
.L_overlay_start_0:
0x88: {  	s2 =	sld [smem:$0x3FD9]  }
0x89: {  	s3 =	sld [smem:$0x3FFE];
	_ =	sdelay $0x1  }
0x8a: {  	s1 =	srdreg.scid  }
0x8b: {  	s0 =	sand.u32 $0x1, s1  }
0x8c: {  	s17 =	sshll.u32 s0, $0xA;
	s2 =	sadd.s32 s3, s2  }
0x8d: {  	s2 =	sadd.s32 s2, s17  }
0x8e: {  	[smem:$0x3FC3] =	sst s2  }
0x8f: {  	_ = 	snop  }
0x90: {  	s2 =	sld [smem:$0x3FC7]  }
0x91: {  	s18 =	sld [smem:$0x3FC6]  }
0x92: {  	s4 =	sld [smem:$0x3FC5];
	(tm) =	ssettm $0x1  }
0x93: {  	s5 =	sld [smem:$0x3FFB];
	_ =	sdelay $0x3  }
0x94: {  	_ =	strace s5  }
0x95: {  	s5 =	sld [smem:$0x3FFC];
	_ =	sdelay $0x3  }
0x96: {  	_ =	strace s5  }
0x97: {  	s5 =	sld [smem:$0x3FFD];
	_ =	sdelay $0x3  }
0x98: {  	_ =	strace s5  }
0x99: {  	_ =	strace $0x8FFFFFFF  }
0x9a: {  	s19 =	sld [smem:$0x3FDB];
	_ =	sdelay $0x1  }
0x9b: {  	s6 =	simm.s32 $_scs_section_size  }
0x9c: {  	s7 =	simm.s32 $_size__tile_overlayer_lowered;
	s8 =	simm.s32 $_tile_overlayer_lowered  }
0x9d: {  	s22 =	simm.s32 $0x1BFF;
	s21 =	sshll.u32 s8, $0x1;
	s5 =	sadd.s32 s6, s19  }
0x9e: {  	s9 =	simm.s32 $0x0;
	s20 =	sshll.u32 s7, $0x1;
	s7 =	sadd.s32 s21, s5  }
0x9f: {  	[timem:s9], [sflag:s22] =	dma.local [hbm:s7], s20  }
0xa0: {  	_ =	swait.ge [sflag:s22], s20  }
0xa1: {  	s6 =	ssub.s32 $0x0, s20;
	[sflag:s22] =	ssyncset.done $0x0  }
0xa2: {  	[sflag:s22] =	ssyncadd.s32 s6;
	_ =	sdelay $0x1  }
0xa3: {  	s23 =	simm.s32 $0x1B8B  }
0xa4: {  	_ =	swait.ge [sflag:s23], $0x1  }
0xa5: {  	[sflag:s23] =	ssyncset.done $0x0  }
0xa6: {  	s25 =	simm.s32 $0x1B8E;
	s24 =	sld [smem:$0x3FFE];
	[sflag:s23] =	ssyncadd.s32 $0xFFFFFFFF  }
0xa7: {  	s26 =	simm.s32 $execute0_lowered;
	[smem:$0x3FD2] =	sst s25  }
0xa8: {  	s7 =	sshll.u32 s26, $0x1;
	_ =	strace $0x80000046;
	[dreg:$0x1] =	wrdreg $0xFFFFFFFF  }
0xa9: {  	s28 =	simm.s32 $_size_execute0_lowered;
	s5 =	sadd.s32 s5, s7;
	[dreg:$0x0] =	wrdreg $0x0  }
0xaa: {  	s7 =	sshll.u32 s28, $0x1;
	[dreg:$0x2] =	wrdreg s5  }
0xab: {  	[dreg:$0x3] =	wrdreg s7  }
0xac: {  	[dreg:$0x4] =	wrdreg $0xC0  }
0xad: {  	_ =	task [dreg:s9], $0x5FFFF  }
0xae: {  	[dreg:$0x1] =	wrdreg $0xFFFFFFFF  }
0xaf: {  	[dreg:$0x0] =	wrdreg $0x60  }
0xb0: {  	[dreg:$0x2] =	wrdreg s24  }
0xb1: {  	[dreg:$0x3] =	wrdreg s2  }
0xb2: {  	[dreg:$0x4] =	wrdreg s18  }
0xb3: {  	[dreg:$0x5] =	wrdreg s4  }
0xb4: {  	[dreg:$0x6] =	wrdreg $0x9  }
0xb5: {  	_ =	task.clear_ibuf [dreg:s9], $0x7FFFF;
	_ =	strace $0x90000046  }
0xb6: {  	s29 =	simm.s32 $0x9;
	_ =	strace $0x80000048  }
0xb7: {  	_ =	swait.ge [sflag:s29], $0x1  }
0xb8: {  	[sflag:s29] =	ssyncadd.s32 $0xFFFFFFFF  }
0xb9: {  	_ =	strace $0x90000048  }
0xba: {  	_ =	sfence  }
0xbb: {  	s30 =	sld [smem:$0x0];
	_ =	sdelay $0x2  }
0xbc: {  	s31 =	sshll.u32 s1, $0xD;
	s1 =	sshrl.u32 s1, $0x2  }
0xbd: {  	s3 =	sand.u32 $0x4000, s31;
	s1 =	sadd.s32 s1, s30  }
0xbe: {  	s0 =	sor.u32 s3, s0;
	s1 =	sshll.u32 s1, $0x11  }
0xbf: {  	s0 =	sor.u32 s1, s0  }
0xc0: {  	s0 =	sadd.s32 $0x8F2B, s0  }
0xc1: {  	[sflag:s0] =	ssyncadd.remote.s32 $0x1  }
0xc2: {  	_ =	sfence.sel $0xFFFF  }
0xc3: {  	[dreg:$0x0] =	wrdreg $0xFFFFFFFF;
	(pc) =	sbr.abs _section_cstart, $3  }
0xc4: {  	[dreg:$0x1] =	wrdreg $0xFFFFFFFF  }
0xc5: {  	_ =	task.clear_ibuf [dreg:s9], $0x2FFFF;
	_ =	strace $0x9FFFFFFF  }
0xc6: {  	(tm) =	ssettm $0x7FFFFFFF  }
0xc7: {  	_ =	shalt  }
tec
execute0_lowered:
.L_overlay_start_1:
0x0: {  	(tag) =	ssettag $0x1  }
0x1: {  	s0 =	rddreg [dreg:$0x0]  }
0x2: {  	s1 =	rddreg [dreg:$0x1]  }
0x3: {  	s2 =	rddreg [dreg:$0x2]  }
0x4: {  	s4 =	rddreg [dreg:$0x3];
	s5 =	simm.s32 $0x0;
	s7 =	stileid.u32  }
0x5: {  	s3 =	srdreg.scid;
	s13 =	simm.s32 $0x3;
	s14 =	simm.s32 $0x4B80  }
0x6: {  	s15 =	simm.s32 $0x16280;
	s16 =	simm.s32 $0x40;
	s17 =	simm.s32 $0x9700  }
0x7: {  	s18 =	simm.s32 $0xB700;
	s19 =	simm.s32 $0x1;
	s20 =	simm.s32 $0xD700  }
0x8: {  	s21 =	simm.s32 $0xF700;
	s22 =	simm.s32 $0x16300;
	s23 =	simm.s32 $0x2  }
0x9: {  	s24 =	simm.s32 $0x11700;
	s25 =	simm.s32 $0x0;
	s6 =	smul.u32 $0x2F80, s7  }
0xa: {  	v0 =	vlaneseq.u32;
	[smem:$0x7FF] =	sst s5;
	s3 =	sand.u32 $0x1, s3;
	s7 =	smul.u32 $0x4B80, s7  }
0xb: {  	s10 =	sadd.s32 $0x1F400, s0;
	v0 =	vmul.u32 $0x80, v0;
	_ =	strace $0x80000047;
	s8 =	ssub.s32 $0x2, s3  }
0xc: {  	p0 =	seq.s32 s3, $0x0;
	s6 =	sadd.s32 $0x4B800, s6;
	s9 =	sshrl.u32 s8, $0x1  }
0xd: {  	v1 =	vor.u32 $0x1, v0;
	v61 =	vor.u32 $0x2, v0;
	v62 =	vor.u32 $0x3, v0;
	s6 =	smov.u32 @p0 s7;
	s12 =	ssub.s32 s8, s9;
	s9 =	simm.s32 $0x12E  }
0xe: {  	s31 =	sshrl.u32 s7, $0x3;
	v63 =	vor.u32 $0x4, v0;
	v5 =	vor.u32 $0x5, v0;
	v6 =	vor.u32 $0x6, v0;
	[tilespmem:$0x1FFC0] =	vst v1;
	s11 =	sshrl.u32 s6, $0x3;
	s9 =	simm.s32 @!p0 $0xBE  }
0xf: {  	v7 =	vor.u32 $0x7, v0;
	v8 =	vor.u32 $0x8, v0;
	v9 =	vor.u32 $0x9, v0;
	[tilespmem:$0x1FFD0] =	vst v61;
	s12 =	smax.u32 s12, $0x1;
	p0 =	sne.s32 s3, $0x0;
	s6 =	sadd.s32 s0, s11  }
0x10: {  	v10 =	vor.u32 $0xA, v0;
	v11 =	vor.u32 $0xB, v0;
	v12 =	vor.u32 $0xC, v0;
	[tilespmem:$0x1FFE0] =	vst v62;
	s8 =	sshrl.u32 s9, $0x1;
	s0 =	sadd.s32 s10, s31;
	s9 =	sadd.s32 $0xFFFFFFFF, s9  }
0x11: {  	v13 =	vor.u32 $0xD, v0;
	v14 =	vor.u32 $0xE, v0;
	v4 =	vmovc v0;
	v15 =	vor.u32 $0xF, v0;
	[tilespmem:$0x1FFF0] =	vst v63;
	s10 =	sadd.s32 s10, s11;
	s7 =	sadd.s32 $0xFA00, s6;
	s11 =	sadd.s32 $0x5F0, s0  }
.LBB2_1:
0x12: {  	[tilespmem:s5], [sflag:$0x3] =	stream.linear.gather [hbm4b:s6+s5], $0x4B80, $0x38;
	[tilespmem:$0x16B00] =	vst v63  }
0x13: {  	_ =	swait.ge [sflag:s13], $0x4B80  }
0x14: {  	[sflag:s13] =	ssyncset.done $0x0  }
0x15: {  	[sflag:s13] =	ssyncadd.s32 $0xFFFFB480  }
0x16: {  	[tilespmem:s14], [sflag:$0x3] =	stream.linear.gather [hbm4b:s7+s5], $0x4B80, $0x38;
	[tilespmem:$0x16B00] =	vst v63  }
0x17: {  	_ =	swait.ge [sflag:s13], $0x4B80  }
0x18: {  	[sflag:s13] =	ssyncset.done $0x0  }
0x19: {  	[sflag:s13] =	ssyncadd.s32 $0xFFFFB480  }
0x1a: {  	[tilespmem:s15], [sflag:$0x3] =	stream.linear.gather [hbm4b:s4+s5], $0x80, $0x38;
	[tilespmem:$0x16B00] =	vst v63  }
0x1b: {  	_ =	swait.ge [sflag:s13], $0x80  }
0x1c: {  	[sflag:s13] =	ssyncset.done $0x0  }
0x1d: {  	[sflag:s13] =	ssyncadd.s32 $0xFFFFFF80  }
0x1e: {  	[tilespmem:s17], [sflag:$0x1] =	stream.indirect.gather [hbm4b:s1+s16], $0x80, s5, s16, $0xb8;
	[tilespmem:$0x16B00] =	vst v63  }
0x1f: {  	s26 =	simm.s32 $0x0  }
0x20: {  	[tilespmem:s18], [sflag:$0x1] =	stream.indirect.gather [hbm4b:s2+s16], $0x80, s14, s16, $0xb8;
	[tilespmem:$0x16B00] =	vst v63  }
.LBB2_2:
0x21: {  	_ =	swait.ge [sflag:s19], $0x2000  }
0x22: {  	[sflag:s19] =	ssyncset.done $0x0  }
0x23: {  	[sflag:s19] =	ssyncadd.s32 $0xFFFFE000  }
0x24: {  	_ =	swait.ge [sflag:s19], $0x2000  }
0x25: {  	s0 =	sshll.u32 s26, $0x7;
	[sflag:s19] =	ssyncset.done $0x0  }
0x26: {  	s28 =	sor.u32 $0x40, s0;
	[sflag:s19] =	ssyncadd.s32 $0xFFFFE000  }
0x27: {  	[tilespmem:s20], [sflag:$0x2] =	stream.indirect.gather [hbm4b:s1+s16], $0x80, s28, s16, $0xb8;
	[tilespmem:$0x16B00] =	vst v63  }
0x28: {  	s3 =	sshll.u32 s26, $0x9;
	s0 =	sadd.s32 $0x4BC0, s0  }
0x29: {  	[tilespmem:s21], [sflag:$0x2] =	stream.indirect.gather [hbm4b:s2+s16], $0x80, s0, s16, $0xb8;
	[tilespmem:$0x16B00] =	vst v63  }
0x2a: {  	s0 =	sshra.s32 s3, $0x2  }
0x2b: {  	s0 =	sadd.s32 $0x11700, s0  }
0x2c: {  	s29 =	simm.s32 $0x0;
	s30 =	simm.s32 $0x9B00;
	s31 =	simm.s32 $0xBB00;
	v16 =	vmov s0  }
.LBB2_3:
0x2d: {  	v19 =	vmov s30  }
0x2e: {  	v18 =	vmov s31;
	_ =	sdelay $0x1  }
0x2f: {  	s3 =	simm.s32 $0x0  }
0x30: {  	v20 =	vld [tilespmem:s3+$0x16280]  }
0x31: {  	v17 =	vld.idx.msk [tilespmem:v19+s3+$0x380 ss:$0x1], $0xffff  }
0x32: {  	v21 =	vld.idx.msk [tilespmem:v18+s3+$0x380 ss:$0x1], $0xffff  }
0x33: {  	v22 =	vld.idx.msk [tilespmem:v19+s3+$0xFFFFFC00 ss:$0x1], $0xffff  }
0x34: {  	v23 =	vld.idx.msk [tilespmem:v18+s3+$0xFFFFFC00 ss:$0x1], $0xffff  }
0x35: {  	v24 =	vld.idx.msk [tilespmem:v19+s3+$0xFFFFFC80 ss:$0x1], $0xffff  }
0x36: {  	v25 =	vld.idx.msk [tilespmem:v18+s3+$0xFFFFFC80 ss:$0x1], $0xffff  }
0x37: {  	v26 =	vld.idx.msk [tilespmem:v19+s3+$0xFFFFFD00 ss:$0x1], $0xffff  }
0x38: {  	v27 =	vld.idx.msk [tilespmem:v18+s3+$0xFFFFFD00 ss:$0x1], $0xffff  }
0x39: {  	v28 =	vld.idx.msk [tilespmem:v19+s3+$0xFFFFFD80 ss:$0x1], $0xffff  }
0x3a: {  	v29 =	vld.idx.msk [tilespmem:v18+s3+$0xFFFFFD80 ss:$0x1], $0xffff  }
0x3b: {  	v30 =	vld.idx.msk [tilespmem:v19+s3+$0xFFFFFE00 ss:$0x1], $0xffff  }
0x3c: {  	v31 =	vld.idx.msk [tilespmem:v18+s3+$0xFFFFFE00 ss:$0x1], $0xffff  }
0x3d: {  	v32 =	vld.idx.msk [tilespmem:v19+s3+$0xFFFFFE80 ss:$0x1], $0xffff  }
0x3e: {  	v34 =	vld.idx.msk [tilespmem:v18+s3+$0xFFFFFE80 ss:$0x1], $0xffff  }
0x3f: {  	v35 =	vld.idx.msk [tilespmem:v19+s3+$0xFFFFFF00 ss:$0x1], $0xffff  }
0x40: {  	v36 =	vld.idx.msk [tilespmem:v18+s3+$0xFFFFFF00 ss:$0x1], $0xffff  }
0x41: {  	v41 =	vld.idx.msk [tilespmem:v19+s3+$0x180 ss:$0x1], $0xffff  }
0x42: {  	v63 =	vld.idx.msk [tilespmem:v18+s3+$0x180 ss:$0x1], $0xffff  }
0x43: {  	v37 =	vld.idx.msk [tilespmem:v19+s3+$0xFFFFFF80 ss:$0x1], $0xffff  }
0x44: {  	v38 =	vld.idx.msk [tilespmem:v19+s3+$0x80 ss:$0x1], $0xffff;
	v17 =	vmul.f32 v21, v17;
	v22 =	vmul.f32 v23, v22  }
0x45: {  	v21 =	vld.idx.msk [tilespmem:v18+s3+$0xFFFFFF80 ss:$0x1], $0xffff;
	v23 =	vmul.f32 v25, v24;
	v27 =	vmul.f32 v27, v26  }
0x46: {  	v24 =	vld.idx.msk [tilespmem:v19+s3+$0x0 ss:$0x1], $0xffff;
	v28 =	vmul.f32 v29, v28;
	v29 =	vmul.f32 v31, v30  }
0x47: {  	v25 =	vld.idx.msk [tilespmem:v18+s3+$0x0 ss:$0x1], $0xffff;
	v30 =	vmul.f32 v34, v32;
	v44 =	vmul.f32 v63, v41  }
0x48: {  	v33 =	vimm.f32 $0.0e+00;
	v39 =	vld.idx.msk [tilespmem:v18+s3+$0x80 ss:$0x1], $0xffff;
	v17 =	vmul.f32 v17, v20;
	v22 =	vmul.f32 v22, v20  }
0x49: {  	v62 =	vld.idx.msk [tilespmem:v19+s3+$0x100 ss:$0x1], $0xffff;
	v34 =	vimm.f32 $0.0e+00;
	v23 =	vmul.f32 v23, v20;
	v31 =	vmul.f32 v28, v20  }
0x4a: {  	v40 =	vld.idx.msk [tilespmem:v18+s3+$0x100 ss:$0x1], $0xffff;
	v32 =	vmul.f32 v30, v20;
	v17 =	vadd.f32 v17, v33;
	v26 =	vadd.f32 v22, v33  }
0x4b: {  	s0 =	simm.s32 $0x10;
	v22 =	vmul.f32 v27, v20;
	v27 =	vadd.f32 v23, v33;
	v21 =	vmul.f32 v21, v37  }
0x4c: {  	v41 =	vld.idx.msk [tilespmem:v19+s0+$0x380 ss:$0x1], $0xffff;
	v23 =	vmul.f32 v29, v20;
	v29 =	vadd.f32 v31, v33;
	v24 =	vmul.f32 v25, v24  }
0x4d: {  	v25 =	vmul.f32 v39, v38;
	v38 =	vld.idx.msk [tilespmem:v18+s3+$0x200 ss:$0x1], $0xffff;
	v28 =	vadd.f32 v22, v33;
	v21 =	vmul.f32 v21, v20  }
0x4e: {  	v22 =	vmul.f32 v36, v35;
	v36 =	vld.idx.msk [tilespmem:v19+s3+$0x200 ss:$0x1], $0xffff;
	v30 =	vadd.f32 v23, v33;
	v23 =	vmul.f32 v24, v20  }
0x4f: {  	v37 =	vld.idx.msk [tilespmem:v19+s3+$0x280 ss:$0x1], $0xffff;
	v42 =	vmul.f32 v25, v20;
	v25 =	vadd.f32 v21, v33;
	v21 =	vmul.f32 v40, v62  }
0x50: {  	v31 =	vadd.f32 v32, v33;
	v35 =	vimm.f32 $0.0e+00;
	v22 =	vmul.f32 v22, v20;
	v40 =	vld.idx.msk [tilespmem:v18+s3+$0x280 ss:$0x1], $0xffff  }
0x51: {  	v39 =	vld.idx.msk [tilespmem:v19+s3+$0x300 ss:$0x1], $0xffff;
	v24 =	vadd.f32 v23, v33;
	v23 =	vimm.f32 $0.0e+00;
	v43 =	vmul.f32 v21, v20  }
0x52: {  	v32 =	vadd.f32 v22, v33;
	v22 =	vadd.f32 v42, v33;
	v42 =	vld.idx.msk [tilespmem:v18+s3+$0x300 ss:$0x1], $0xffff;
	s3 =	simm.s32 $0x80;
	v21 =	vimm.f32 $0.0e+00  }
.LBB2_4:
0x53: {  	p1 =	sne.s32 s3, $0x1C0;
	v45 =	vld.idx.msk [tilespmem:v18+s0+$0x380 ss:$0x1], $0xffff;
	v33 =	vadd.f32 v43, v33;
	v43 =	vmul.f32 v44, v20;
	v36 =	vmul.f32 v38, v36  }
0x54: {  	v38 =	vld.idx.msk [tilespmem:v19+s0+$0xFFFFFC00 ss:$0x1], $0xffff  }
0x55: {  	v37 =	vmul.f32 v40, v37;
	v44 =	vld.idx.msk [tilespmem:v18+s0+$0xFFFFFC00 ss:$0x1], $0xffff;
	v35 =	vadd.f32 v43, v35;
	v36 =	vmul.f32 v36, v20  }
0x56: {  	v40 =	vld [tilespmem:s0+$0x16280]  }
0x57: {  	v43 =	vld.idx.msk [tilespmem:v19+s0+$0xFFFFFC80 ss:$0x1], $0xffff;
	v34 =	vadd.f32 v36, v34;
	v36 =	vmul.f32 v37, v20;
	v37 =	vmul.f32 v42, v39  }
0x58: {  	v39 =	vld.idx.msk [tilespmem:v18+s0+$0xFFFFFC80 ss:$0x1], $0xffff  }
0x59: {  	v41 =	vmul.f32 v45, v41;
	v42 =	vld.idx.msk [tilespmem:v19+s0+$0xFFFFFD00 ss:$0x1], $0xffff;
	v23 =	vadd.f32 v36, v23;
	v0 =	vmul.f32 v37, v20  }
0x5a: {  	v36 =	vld.idx.msk [tilespmem:v18+s0+$0xFFFFFD00 ss:$0x1], $0xffff  }
0x5b: {  	v37 =	vmul.f32 v44, v38;
	v38 =	vld.idx.msk [tilespmem:v19+s0+$0xFFFFFD80 ss:$0x1], $0xffff;
	v41 =	vmul.f32 v41, v40;
	v21 =	vadd.f32 v0, v21  }
0x5c: {  	v20 =	vmov v40;
	v44 =	vld.idx.msk [tilespmem:v18+s0+$0xFFFFFD80 ss:$0x1], $0xffff  }
0x5d: {  	v37 =	vmul.f32 v37, v20;
	v40 =	vld.idx.msk [tilespmem:v19+s0+$0xFFFFFE00 ss:$0x1], $0xffff;
	v17 =	vadd.f32 v41, v17  }
0x5e: {  	v39 =	vmul.f32 v39, v43;
	v41 =	vld.idx.msk [tilespmem:v18+s0+$0xFFFFFE00 ss:$0x1], $0xffff  }
0x5f: {  	v26 =	vadd.f32 v37, v26;
	v37 =	vld.idx.msk [tilespmem:v19+s0+$0xFFFFFE80 ss:$0x1], $0xffff  }
0x60: {  	v39 =	vmul.f32 v39, v20;
	v36 =	vmul.f32 v36, v42;
	v42 =	vld.idx.msk [tilespmem:v18+s0+$0xFFFFFE80 ss:$0x1], $0xffff  }
0x61: {  	v43 =	vld.idx.msk [tilespmem:v19+s0+$0xFFFFFF00 ss:$0x1], $0xffff  }
0x62: {  	v27 =	vadd.f32 v39, v27;
	v36 =	vmul.f32 v36, v20;
	v38 =	vmul.f32 v44, v38;
	v39 =	vld.idx.msk [tilespmem:v18+s0+$0xFFFFFF00 ss:$0x1], $0xffff  }
0x63: {  	v44 =	vld.idx.msk [tilespmem:v19+s0+$0xFFFFFF80 ss:$0x1], $0xffff  }
0x64: {  	v28 =	vadd.f32 v36, v28;
	v36 =	vmul.f32 v38, v20;
	v38 =	vmul.f32 v41, v40;
	v40 =	vld.idx.msk [tilespmem:v18+s0+$0xFFFFFF80 ss:$0x1], $0xffff  }
0x65: {  	v41 =	vld.idx.msk [tilespmem:v19+s0+$0x0 ss:$0x1], $0xffff  }
0x66: {  	v29 =	vadd.f32 v36, v29;
	v36 =	vmul.f32 v38, v20;
	v37 =	vmul.f32 v42, v37;
	v38 =	vld.idx.msk [tilespmem:v18+s0+$0x0 ss:$0x1], $0xffff  }
0x67: {  	v42 =	vld.idx.msk [tilespmem:v19+s0+$0x80 ss:$0x1], $0xffff  }
0x68: {  	v30 =	vadd.f32 v36, v30;
	v36 =	vmul.f32 v37, v20;
	v37 =	vmul.f32 v39, v43;
	v39 =	vld.idx.msk [tilespmem:v18+s0+$0x80 ss:$0x1], $0xffff  }
0x69: {  	v43 =	vld.idx.msk [tilespmem:v19+s0+$0x100 ss:$0x1], $0xffff  }
0x6a: {  	v31 =	vadd.f32 v36, v31;
	v36 =	vmul.f32 v37, v20;
	v37 =	vmul.f32 v40, v44;
	v40 =	vld.idx.msk [tilespmem:v18+s0+$0x100 ss:$0x1], $0xffff  }
0x6b: {  	v44 =	vld.idx.msk [tilespmem:v19+s0+$0x180 ss:$0x1], $0xffff  }
0x6c: {  	v32 =	vadd.f32 v36, v32;
	v37 =	vmul.f32 v37, v20;
	v38 =	vmul.f32 v38, v41;
	v41 =	vld.idx.msk [tilespmem:v18+s0+$0x180 ss:$0x1], $0xffff  }
0x6d: {  	v36 =	vld.idx.msk [tilespmem:v19+s0+$0x200 ss:$0x1], $0xffff  }
0x6e: {  	v25 =	vadd.f32 v37, v25;
	v45 =	vmul.f32 v38, v20;
	v39 =	vmul.f32 v39, v42;
	v38 =	vld.idx.msk [tilespmem:v18+s0+$0x200 ss:$0x1], $0xffff  }
.Ltmp0:
0x6f: {  	v37 =	vld.idx.msk [tilespmem:v19+s0+$0x280 ss:$0x1], $0xffff;
	(pc) =	sbr.rel @p1 .LBB2_4-.Ltmp0, $4  }
0x70: {  	v24 =	vadd.f32 v45, v24;
	v42 =	vmul.f32 v39, v20;
	v43 =	vmul.f32 v40, v43;
	v40 =	vld.idx.msk [tilespmem:v18+s0+$0x280 ss:$0x1], $0xffff  }
0x71: {  	v39 =	vld.idx.msk [tilespmem:v19+s0+$0x300 ss:$0x1], $0xffff  }
0x72: {  	v22 =	vadd.f32 v42, v22;
	v43 =	vmul.f32 v43, v20;
	v44 =	vmul.f32 v41, v44;
	v42 =	vld.idx.msk [tilespmem:v18+s0+$0x300 ss:$0x1], $0xffff;
	s0 =	sshra.s32 s3, $0x2  }
0x73: {  	s3 =	sadd.s32 $0x40, s3;
	v41 =	vld.idx.msk [tilespmem:v19+s0+$0x380 ss:$0x1], $0xffff  }
0x74: {  	_ =	sdelay $0x3  }
0x75: {  	v45 =	vld.idx.msk [tilespmem:v18+s0+$0x380 ss:$0x1], $0xffff  }
0x76: {  	v46 =	vld.idx.msk [tilespmem:v19+s0+$0xFFFFFC00 ss:$0x1], $0xffff  }
0x77: {  	v47 =	vld.idx.msk [tilespmem:v18+s0+$0xFFFFFC00 ss:$0x1], $0xffff  }
0x78: {  	v48 =	vld [tilespmem:s0+$0x16280]  }
0x79: {  	v49 =	vld.idx.msk [tilespmem:v19+s0+$0xFFFFFC80 ss:$0x1], $0xffff  }
0x7a: {  	v50 =	vld.idx.msk [tilespmem:v18+s0+$0xFFFFFC80 ss:$0x1], $0xffff  }
0x7b: {  	v51 =	vld.idx.msk [tilespmem:v19+s0+$0xFFFFFD00 ss:$0x1], $0xffff  }
0x7c: {  	v52 =	vld.idx.msk [tilespmem:v18+s0+$0xFFFFFD00 ss:$0x1], $0xffff  }
0x7d: {  	v53 =	vld.idx.msk [tilespmem:v19+s0+$0xFFFFFD80 ss:$0x1], $0xffff  }
0x7e: {  	v54 =	vld.idx.msk [tilespmem:v18+s0+$0xFFFFFD80 ss:$0x1], $0xffff  }
0x7f: {  	v55 =	vld.idx.msk [tilespmem:v19+s0+$0xFFFFFE00 ss:$0x1], $0xffff  }
0x80: {  	v56 =	vld.idx.msk [tilespmem:v18+s0+$0xFFFFFE00 ss:$0x1], $0xffff  }
0x81: {  	v57 =	vld.idx.msk [tilespmem:v19+s0+$0xFFFFFE80 ss:$0x1], $0xffff  }
0x82: {  	v58 =	vld.idx.msk [tilespmem:v18+s0+$0xFFFFFE80 ss:$0x1], $0xffff  }
0x83: {  	v59 =	vld.idx.msk [tilespmem:v19+s0+$0xFFFFFF00 ss:$0x1], $0xffff  }
0x84: {  	v60 =	vld.idx.msk [tilespmem:v18+s0+$0xFFFFFF00 ss:$0x1], $0xffff  }
0x85: {  	v61 =	vld.idx.msk [tilespmem:v19+s0+$0xFFFFFF80 ss:$0x1], $0xffff  }
0x86: {  	v62 =	vld.idx.msk [tilespmem:v18+s0+$0xFFFFFF80 ss:$0x1], $0xffff  }
0x87: {  	v63 =	vld.idx.msk [tilespmem:v19+s0+$0x0 ss:$0x1], $0xffff  }
0x88: {  	v0 =	vld.idx.msk [tilespmem:v18+s0+$0x0 ss:$0x1], $0xffff  }
0x89: {  	v1 =	vld.idx.msk [tilespmem:v19+s0+$0x80 ss:$0x1], $0xffff;
	v36 =	vmul.f32 v38, v36  }
0x8a: {  	v2 =	vld.idx.msk [tilespmem:v18+s0+$0x80 ss:$0x1], $0xffff;
	v37 =	vmul.f32 v40, v37  }
0x8b: {  	v3 =	vld.idx.msk [tilespmem:v19+s0+$0x100 ss:$0x1], $0xffff;
	v40 =	vmul.f32 v44, v20;
	v36 =	vmul.f32 v36, v20  }
0x8c: {  	v38 =	vld.idx.msk [tilespmem:v18+s0+$0x100 ss:$0x1], $0xffff;
	v39 =	vmul.f32 v42, v39;
	v37 =	vmul.f32 v37, v20  }
0x8d: {  	v33 =	vadd.f32 v43, v33;
	v43 =	vld.idx.msk [tilespmem:v18+s0+$0x200 ss:$0x1], $0xffff;
	v41 =	vmul.f32 v45, v41;
	v45 =	vmul.f32 v47, v46  }
0x8e: {  	v44 =	vld.idx.msk [tilespmem:v18+s0+$0x180 ss:$0x1], $0xffff;
	v20 =	vmul.f32 v39, v20;
	v50 =	vmul.f32 v50, v49  }
0x8f: {  	v42 =	vld.idx.msk [tilespmem:v19+s0+$0x180 ss:$0x1], $0xffff;
	v53 =	vmul.f32 v54, v53;
	v56 =	vmul.f32 v56, v55  }
0x90: {  	v35 =	vadd.f32 v40, v35;
	v46 =	vld.idx.msk [tilespmem:v19+s0+$0x200 ss:$0x1], $0xffff;
	v0 =	vmul.f32 v0, v63;
	v40 =	vmul.f32 v45, v48  }
0x91: {  	v47 =	vld.idx.msk [tilespmem:v19+s0+$0x280 ss:$0x1], $0xffff;
	v45 =	vmul.f32 v52, v51;
	v52 =	vmul.f32 v50, v48  }
0x92: {  	v54 =	vld.idx.msk [tilespmem:v18+s0+$0x280 ss:$0x1], $0xffff;
	v1 =	vmul.f32 v2, v1;
	v39 =	vmul.f32 v53, v48;
	v26 =	vadd.f32 v40, v26  }
0x93: {  	v19 =	vld.idx.msk [tilespmem:v19+s0+$0x300 ss:$0x1], $0xffff;
	v3 =	vmul.f32 v38, v3;
	v0 =	vmul.f32 v0, v48;
	v27 =	vadd.f32 v52, v27  }
0x94: {  	v18 =	vld.idx.msk [tilespmem:v18+s0+$0x300 ss:$0x1], $0xffff;
	v1 =	vmul.f32 v1, v48;
	v29 =	vadd.f32 v39, v29;
	[tilespmem:$0x16300] =	vst v26  }
0x95: {  	v58 =	vmul.f32 v58, v57;
	v3 =	vmul.f32 v3, v48;
	v0 =	vadd.f32 v0, v24;
	[tilespmem:$0x16380] =	vst v27  }
0x96: {  	v59 =	vmul.f32 v60, v59;
	v45 =	vmul.f32 v45, v48;
	v1 =	vadd.f32 v1, v22;
	[tilespmem:$0x16480] =	vst v29  }
0x97: {  	v61 =	vmul.f32 v62, v61;
	v60 =	vmul.f32 v56, v48;
	v49 =	vadd.f32 v3, v33;
	[tilespmem:$0x16700] =	vst v0  }
0x98: {  	v62 =	vmul.f32 v58, v48;
	v28 =	vadd.f32 v45, v28;
	[tilespmem:$0x16780] =	vst v1  }
0x99: {  	v44 =	vmul.f32 v44, v42;
	v40 =	vmul.f32 v61, v48;
	v26 =	vadd.f32 v60, v30;
	[tilespmem:$0x16800] =	vst v49  }
0x9a: {  	v34 =	vadd.f32 v36, v34;
	v36 =	vmul.f32 v59, v48;
	v27 =	vadd.f32 v62, v31;
	[tilespmem:$0x16400] =	vst v28  }
0x9b: {  	v2 =	vadd.f32 v40, v25;
	v45 =	vmul.f32 v43, v46;
	v46 =	vmul.f32 v44, v48;
	[tilespmem:$0x16500] =	vst v26  }
0x9c: {  	v53 =	vmul.f32 v41, v48;
	v47 =	vmul.f32 v54, v47;
	v28 =	vadd.f32 v36, v32;
	[tilespmem:$0x16580] =	vst v27  }
0x9d: {  	v18 =	vmul.f32 v18, v19;
	v54 =	vld [tilespmem:$0x1FFC0];
	[tilespmem:$0x16680] =	vst v2;
	v3 =	vmul.f32 v45, v48;
	v19 =	vadd.f32 v46, v35  }
0x9e: {  	v50 =	vadd.f32 v37, v23;
	v51 =	vmul.f32 v47, v48;
	v2 =	vadd.f32 v53, v17;
	[tilespmem:$0x16600] =	vst v28  }
0x9f: {  	v55 =	vld [tilespmem:$0x1FFD0];
	v52 =	vadd.f32 v20, v21;
	v18 =	vmul.f32 v18, v48;
	v3 =	vadd.f32 v3, v34;
	[tilespmem:$0x16880] =	vst v19  }
0xa0: {  	v0 =	vadd.f32 v51, v50;
	[tilespmem:$0x16A80] =	vst v2  }
0xa1: {  	v1 =	vadd.f32 v18, v52;
	[tilespmem:$0x16900] =	vst v3;
	v3 =	vld [tilespmem:$0x1FFE0]  }
0xa2: {  	[tilespmem:$0x16980] =	vst v0  }
0xa3: {  	v56 =	vld [tilespmem:$0x1FFF0];
	[tilespmem:$0x16A00] =	vst v1  }
0xa4: {  	v0 =	vld.idx.msk [tilespmem:v4+s22+$0x0], $0xffff  }
0xa5: {  	v1 =	vld.idx.msk [tilespmem:v54+s22+$0x0], $0xffff;
	_ =	sdelay $0x1  }
0xa6: {  	v2 =	vld.idx.msk [tilespmem:v55+s22+$0x0], $0xffff;
	_ =	sdelay $0x1  }
0xa7: {  	v3 =	vld.idx.msk [tilespmem:v3+s22+$0x0], $0xffff  }
0xa8: {  	v0 =	vadd.f32 v1, v0  }
0xa9: {  	v1 =	vld.idx.msk [tilespmem:v56+s22+$0x0], $0xffff  }
0xaa: {  	v0 =	vadd.f32 v2, v0  }
0xab: {  	v57 =	vld.idx.msk [tilespmem:v5+s22+$0x0], $0xffff  }
0xac: {  	v0 =	vadd.f32 v3, v0  }
0xad: {  	v3 =	vld.idx.msk [tilespmem:v6+s22+$0x0], $0xffff  }
0xae: {  	v0 =	vadd.f32 v1, v0  }
0xaf: {  	v58 =	vld.idx.msk [tilespmem:v7+s22+$0x0], $0xffff  }
0xb0: {  	v0 =	vadd.f32 v57, v0  }
0xb1: {  	v59 =	vld.idx.msk [tilespmem:v8+s22+$0x0], $0xffff  }
0xb2: {  	v0 =	vadd.f32 v3, v0  }
0xb3: {  	v3 =	vld.idx.msk [tilespmem:v9+s22+$0x0], $0xffff  }
0xb4: {  	v0 =	vadd.f32 v58, v0  }
0xb5: {  	v60 =	vld.idx.msk [tilespmem:v10+s22+$0x0], $0xffff  }
0xb6: {  	v0 =	vadd.f32 v59, v0  }
0xb7: {  	v61 =	vld.idx.msk [tilespmem:v11+s22+$0x0], $0xffff  }
0xb8: {  	v0 =	vadd.f32 v3, v0  }
0xb9: {  	v3 =	vld.idx.msk [tilespmem:v12+s22+$0x0], $0xffff  }
0xba: {  	v0 =	vadd.f32 v60, v0  }
0xbb: {  	v62 =	vld.idx.msk [tilespmem:v13+s22+$0x0], $0xffff  }
0xbc: {  	v0 =	vadd.f32 v61, v0  }
0xbd: {  	v63 =	vld.idx.msk [tilespmem:v14+s22+$0x0], $0xffff  }
0xbe: {  	v0 =	vadd.f32 v3, v0  }
0xbf: {  	v3 =	vld.idx.msk [tilespmem:v15+s22+$0x0], $0xffff  }
0xc0: {  	s3 =	sshll.u32 s29, $0x4;
	s29 =	sadd.s32 $0x1, s29;
	v0 =	vadd.f32 v62, v0  }
0xc1: {  	p1 =	sne.s32 s29, $0x4  }
.Ltmp1:
0xc2: {  	v0 =	vadd.f32 v63, v0;
	(pc) =	sbr.rel @p1 .LBB2_3-.Ltmp1, $4  }
0xc3: {  	_ = 	snop  }
0xc4: {  	v0 =	vadd.f32 v3, v0  }
0xc5: {  	s0 =	sand.u32 $0x3FFFFFF0, s3  }
0xc6: {  	s30 =	sadd.s32 $0x800, s30;
	s31 =	sadd.s32 $0x800, s31;
	[tilespmem:v16+s0+$0x0 ss:$0x1] =	vst.idx.msk $0xffff, v0  }
0xc7: {  	_ =	swait.ge [sflag:s23], $0x2000  }
0xc8: {  	s0 =	sshll.u32 s26, $0x1;
	[sflag:s23] =	ssyncset.done $0x0  }
0xc9: {  	s0 =	sadd.s32 $0x2, s0;
	[sflag:s23] =	ssyncadd.s32 $0xFFFFE000  }
0xca: {  	s3 =	smov.u32 s9;
	p1 =	slt.s32 s0, s9;
	_ =	swait.ge [sflag:s23], $0x2000  }
0xcb: {  	s31 =	sadd.s32 $0x11700, s28;
	s3 =	smov.u32 @p1 s0;
	[sflag:s23] =	ssyncset.done $0x0  }
0xcc: {  	s28 =	simm.s32 $0x0;
	s0 =	sshll.u32 s3, $0x6;
	[sflag:s23] =	ssyncadd.s32 $0xFFFFE000  }
0xcd: {  	[tilespmem:s17], [sflag:$0x1] =	stream.indirect.gather [hbm4b:s1+s16], $0x80, s0, s16, $0xb8;
	[tilespmem:$0x16B00] =	vst v63  }
0xce: {  	s29 =	simm.s32 $0xDB00;
	s30 =	simm.s32 $0xFB00;
	s0 =	sadd.s32 $0x4B80, s0  }
0xcf: {  	v16 =	vmov s31;
	[tilespmem:s18], [sflag:$0x1] =	stream.indirect.gather [hbm4b:s2+s16], $0x80, s0, s16, $0xb8;
	[tilespmem:$0x16B00] =	vst v63  }
.LBB2_7:
0xd0: {  	v19 =	vmov s29  }
0xd1: {  	v18 =	vmov s30;
	_ =	sdelay $0x2  }
0xd2: {  	s3 =	simm.s32 $0x0  }
0xd3: {  	v0 =	vld.idx.msk [tilespmem:v19+s3+$0x380 ss:$0x1], $0xffff  }
0xd4: {  	v1 =	vld.idx.msk [tilespmem:v18+s3+$0x380 ss:$0x1], $0xffff  }
0xd5: {  	v2 =	vld.idx.msk [tilespmem:v19+s3+$0xFFFFFC00 ss:$0x1], $0xffff  }
0xd6: {  	v3 =	vld.idx.msk [tilespmem:v18+s3+$0xFFFFFC00 ss:$0x1], $0xffff  }
0xd7: {  	v17 =	vld.idx.msk [tilespmem:v19+s3+$0xFFFFFC80 ss:$0x1], $0xffff  }
0xd8: {  	v21 =	vld.idx.msk [tilespmem:v18+s3+$0xFFFFFC80 ss:$0x1], $0xffff  }
0xd9: {  	v22 =	vld.idx.msk [tilespmem:v19+s3+$0xFFFFFD00 ss:$0x1], $0xffff  }
0xda: {  	v23 =	vld.idx.msk [tilespmem:v18+s3+$0xFFFFFD00 ss:$0x1], $0xffff  }
0xdb: {  	v24 =	vld.idx.msk [tilespmem:v19+s3+$0xFFFFFD80 ss:$0x1], $0xffff  }
0xdc: {  	v25 =	vld.idx.msk [tilespmem:v18+s3+$0xFFFFFD80 ss:$0x1], $0xffff  }
0xdd: {  	v26 =	vld.idx.msk [tilespmem:v19+s3+$0xFFFFFE00 ss:$0x1], $0xffff  }
0xde: {  	v27 =	vld.idx.msk [tilespmem:v18+s3+$0xFFFFFE00 ss:$0x1], $0xffff  }
0xdf: {  	v28 =	vld.idx.msk [tilespmem:v19+s3+$0xFFFFFE80 ss:$0x1], $0xffff  }
0xe0: {  	v29 =	vld.idx.msk [tilespmem:v18+s3+$0xFFFFFE80 ss:$0x1], $0xffff  }
0xe1: {  	v30 =	vld.idx.msk [tilespmem:v19+s3+$0xFFFFFF00 ss:$0x1], $0xffff  }
0xe2: {  	v31 =	vld.idx.msk [tilespmem:v18+s3+$0xFFFFFF00 ss:$0x1], $0xffff  }
0xe3: {  	v32 =	vld.idx.msk [tilespmem:v19+s3+$0xFFFFFF80 ss:$0x1], $0xffff  }
0xe4: {  	v57 =	vld.idx.msk [tilespmem:v18+s3+$0xFFFFFF80 ss:$0x1], $0xffff  }
0xe5: {  	v41 =	vld.idx.msk [tilespmem:v19+s3+$0x180 ss:$0x1], $0xffff  }
0xe6: {  	v42 =	vld.idx.msk [tilespmem:v18+s3+$0x180 ss:$0x1], $0xffff  }
0xe7: {  	v20 =	vld [tilespmem:s3+$0x16280];
	v0 =	vmul.f32 v1, v0;
	v2 =	vmul.f32 v3, v2  }
0xe8: {  	v3 =	vmul.f32 v21, v17;
	v22 =	vmul.f32 v23, v22  }
0xe9: {  	v34 =	vld.idx.msk [tilespmem:v18+s3+$0x0 ss:$0x1], $0xffff;
	v23 =	vmul.f32 v25, v24;
	v58 =	vmul.f32 v27, v26  }
0xea: {  	v35 =	vld.idx.msk [tilespmem:v19+s3+$0x80 ss:$0x1], $0xffff;
	v25 =	vmul.f32 v29, v28;
	v60 =	vmul.f32 v31, v30  }
0xeb: {  	v39 =	vld.idx.msk [tilespmem:v19+s3+$0x100 ss:$0x1], $0xffff;
	v1 =	vmul.f32 v57, v32;
	v44 =	vmul.f32 v42, v41  }
0xec: {  	v21 =	vld.idx.msk [tilespmem:v19+s3+$0x0 ss:$0x1], $0xffff;
	v0 =	vmul.f32 v0, v20;
	v2 =	vmul.f32 v2, v20  }
0xed: {  	v24 =	vld.idx.msk [tilespmem:v18+s3+$0x80 ss:$0x1], $0xffff;
	v3 =	vmul.f32 v3, v20;
	v59 =	vmul.f32 v22, v20  }
0xee: {  	v33 =	vimm.f32 $0.0e+00;
	v22 =	vmul.f32 v23, v20;
	v23 =	vld.idx.msk [tilespmem:v18+s3+$0x100 ss:$0x1], $0xffff;
	v61 =	vmul.f32 v60, v20  }
0xef: {  	v1 =	vmul.f32 v1, v20;
	v17 =	vadd.f32 v0, v33;
	v26 =	vadd.f32 v2, v33  }
0xf0: {  	v36 =	vld.idx.msk [tilespmem:v19+s3+$0x200 ss:$0x1], $0xffff;
	v27 =	vadd.f32 v3, v33;
	v0 =	vmul.f32 v58, v20;
	v28 =	vadd.f32 v59, v33  }
0xf1: {  	v38 =	vld.idx.msk [tilespmem:v18+s3+$0x200 ss:$0x1], $0xffff;
	v3 =	vmul.f32 v25, v20;
	v29 =	vadd.f32 v22, v33;
	v32 =	vadd.f32 v61, v33  }
0xf2: {  	v37 =	vld.idx.msk [tilespmem:v19+s3+$0x280 ss:$0x1], $0xffff;
	v25 =	vadd.f32 v1, v33;
	v21 =	vmul.f32 v34, v21;
	v22 =	vmul.f32 v24, v35  }
0xf3: {  	v40 =	vld.idx.msk [tilespmem:v18+s3+$0x280 ss:$0x1], $0xffff;
	v35 =	vimm.f32 $0.0e+00;
	v34 =	vimm.f32 $0.0e+00;
	v63 =	vmul.f32 v23, v39  }
0xf4: {  	s0 =	simm.s32 $0x10;
	v42 =	vld.idx.msk [tilespmem:v18+s3+$0x300 ss:$0x1], $0xffff;
	v31 =	vadd.f32 v3, v33;
	v62 =	vmul.f32 v21, v20;
	v3 =	vmul.f32 v22, v20  }
0xf5: {  	v41 =	vld.idx.msk [tilespmem:v19+s0+$0x380 ss:$0x1], $0xffff;
	v30 =	vadd.f32 v0, v33;
	v23 =	vimm.f32 $0.0e+00;
	v43 =	vmul.f32 v63, v20  }
0xf6: {  	v39 =	vld.idx.msk [tilespmem:v19+s3+$0x300 ss:$0x1], $0xffff;
	s3 =	simm.s32 $0x80;
	v21 =	vimm.f32 $0.0e+00;
	v24 =	vadd.f32 v62, v33;
	v22 =	vadd.f32 v3, v33  }
.LBB2_8:
0xf7: {  	p1 =	sne.s32 s3, $0x1C0;
	v0 =	vld.idx.msk [tilespmem:v18+s0+$0x380 ss:$0x1], $0xffff;
	v33 =	vadd.f32 v43, v33;
	v1 =	vmul.f32 v44, v20;
	v2 =	vmul.f32 v38, v36  }
0xf8: {  	v3 =	vld.idx.msk [tilespmem:v19+s0+$0xFFFFFC00 ss:$0x1], $0xffff  }
0xf9: {  	v36 =	vld.idx.msk [tilespmem:v18+s0+$0xFFFFFC00 ss:$0x1], $0xffff;
	v35 =	vadd.f32 v1, v35;
	v1 =	vmul.f32 v2, v20;
	v2 =	vmul.f32 v40, v37  }
0xfa: {  	v37 =	vld [tilespmem:s0+$0x16280]  }
0xfb: {  	v38 =	vld.idx.msk [tilespmem:v19+s0+$0xFFFFFC80 ss:$0x1], $0xffff;
	v34 =	vadd.f32 v1, v34;
	v1 =	vmul.f32 v2, v20;
	v2 =	vmul.f32 v42, v39  }
0xfc: {  	v39 =	vld.idx.msk [tilespmem:v18+s0+$0xFFFFFC80 ss:$0x1], $0xffff  }
0xfd: {  	v0 =	vmul.f32 v0, v41;
	v40 =	vld.idx.msk [tilespmem:v19+s0+$0xFFFFFD00 ss:$0x1], $0xffff;
	v23 =	vadd.f32 v1, v23;
	v1 =	vmul.f32 v2, v20  }
0xfe: {  	v2 =	vld.idx.msk [tilespmem:v18+s0+$0xFFFFFD00 ss:$0x1], $0xffff  }
0xff: {  	v3 =	vmul.f32 v36, v3;
	v36 =	vld.idx.msk [tilespmem:v19+s0+$0xFFFFFD80 ss:$0x1], $0xffff;
	v0 =	vmul.f32 v0, v37;
	v21 =	vadd.f32 v1, v21  }
0x100: {  	v20 =	vmov v37;
	v1 =	vld.idx.msk [tilespmem:v18+s0+$0xFFFFFD80 ss:$0x1], $0xffff  }
0x101: {  	v3 =	vmul.f32 v3, v20;
	v37 =	vld.idx.msk [tilespmem:v19+s0+$0xFFFFFE00 ss:$0x1], $0xffff;
	v17 =	vadd.f32 v0, v17  }
0x102: {  	v0 =	vmul.f32 v39, v38;
	v38 =	vld.idx.msk [tilespmem:v18+s0+$0xFFFFFE00 ss:$0x1], $0xffff  }
0x103: {  	v26 =	vadd.f32 v3, v26;
	v3 =	vld.idx.msk [tilespmem:v19+s0+$0xFFFFFE80 ss:$0x1], $0xffff  }
0x104: {  	v0 =	vmul.f32 v0, v20;
	v2 =	vmul.f32 v2, v40;
	v39 =	vld.idx.msk [tilespmem:v18+s0+$0xFFFFFE80 ss:$0x1], $0xffff  }
0x105: {  	v40 =	vld.idx.msk [tilespmem:v19+s0+$0xFFFFFF00 ss:$0x1], $0xffff  }
0x106: {  	v27 =	vadd.f32 v0, v27;
	v0 =	vmul.f32 v2, v20;
	v1 =	vmul.f32 v1, v36;
	v2 =	vld.idx.msk [tilespmem:v18+s0+$0xFFFFFF00 ss:$0x1], $0xffff  }
0x107: {  	v36 =	vld.idx.msk [tilespmem:v19+s0+$0xFFFFFF80 ss:$0x1], $0xffff  }
0x108: {  	v28 =	vadd.f32 v0, v28;
	v0 =	vmul.f32 v1, v20;
	v1 =	vmul.f32 v38, v37;
	v37 =	vld.idx.msk [tilespmem:v18+s0+$0xFFFFFF80 ss:$0x1], $0xffff  }
0x109: {  	v38 =	vld.idx.msk [tilespmem:v19+s0+$0x0 ss:$0x1], $0xffff  }
0x10a: {  	v29 =	vadd.f32 v0, v29;
	v0 =	vmul.f32 v1, v20;
	v1 =	vmul.f32 v39, v3;
	v3 =	vld.idx.msk [tilespmem:v18+s0+$0x0 ss:$0x1], $0xffff  }
0x10b: {  	v39 =	vld.idx.msk [tilespmem:v19+s0+$0x80 ss:$0x1], $0xffff  }
0x10c: {  	v30 =	vadd.f32 v0, v30;
	v0 =	vmul.f32 v1, v20;
	v1 =	vmul.f32 v2, v40;
	v2 =	vld.idx.msk [tilespmem:v18+s0+$0x80 ss:$0x1], $0xffff  }
0x10d: {  	v40 =	vld.idx.msk [tilespmem:v19+s0+$0x100 ss:$0x1], $0xffff  }
0x10e: {  	v31 =	vadd.f32 v0, v31;
	v0 =	vmul.f32 v1, v20;
	v1 =	vmul.f32 v37, v36;
	v41 =	vld.idx.msk [tilespmem:v18+s0+$0x100 ss:$0x1], $0xffff  }
0x10f: {  	v42 =	vld.idx.msk [tilespmem:v19+s0+$0x180 ss:$0x1], $0xffff  }
0x110: {  	v32 =	vadd.f32 v0, v32;
	v0 =	vmul.f32 v1, v20;
	v1 =	vmul.f32 v3, v38;
	v3 =	vld.idx.msk [tilespmem:v18+s0+$0x180 ss:$0x1], $0xffff  }
0x111: {  	v36 =	vld.idx.msk [tilespmem:v19+s0+$0x200 ss:$0x1], $0xffff  }
0x112: {  	v25 =	vadd.f32 v0, v25;
	v0 =	vmul.f32 v1, v20;
	v1 =	vmul.f32 v2, v39;
	v38 =	vld.idx.msk [tilespmem:v18+s0+$0x200 ss:$0x1], $0xffff  }
.Ltmp2:
0x113: {  	v37 =	vld.idx.msk [tilespmem:v19+s0+$0x280 ss:$0x1], $0xffff;
	(pc) =	sbr.rel @p1 .LBB2_8-.Ltmp2, $4  }
0x114: {  	v24 =	vadd.f32 v0, v24;
	v0 =	vmul.f32 v1, v20;
	v1 =	vmul.f32 v41, v40;
	v40 =	vld.idx.msk [tilespmem:v18+s0+$0x280 ss:$0x1], $0xffff  }
0x115: {  	v39 =	vld.idx.msk [tilespmem:v19+s0+$0x300 ss:$0x1], $0xffff  }
0x116: {  	v22 =	vadd.f32 v0, v22;
	v43 =	vmul.f32 v1, v20;
	v44 =	vmul.f32 v3, v42;
	v42 =	vld.idx.msk [tilespmem:v18+s0+$0x300 ss:$0x1], $0xffff;
	s0 =	sshra.s32 s3, $0x2  }
0x117: {  	s3 =	sadd.s32 $0x40, s3;
	v41 =	vld.idx.msk [tilespmem:v19+s0+$0x380 ss:$0x1], $0xffff  }
0x118: {  	_ =	sdelay $0x3  }
0x119: {  	v0 =	vld.idx.msk [tilespmem:v18+s0+$0x380 ss:$0x1], $0xffff  }
0x11a: {  	v1 =	vld.idx.msk [tilespmem:v19+s0+$0xFFFFFC00 ss:$0x1], $0xffff  }
0x11b: {  	v2 =	vld.idx.msk [tilespmem:v18+s0+$0xFFFFFC00 ss:$0x1], $0xffff  }
0x11c: {  	v3 =	vld [tilespmem:s0+$0x16280]  }
0x11d: {  	v45 =	vld.idx.msk [tilespmem:v19+s0+$0xFFFFFC80 ss:$0x1], $0xffff  }
0x11e: {  	v46 =	vld.idx.msk [tilespmem:v18+s0+$0xFFFFFC80 ss:$0x1], $0xffff  }
0x11f: {  	v47 =	vld.idx.msk [tilespmem:v19+s0+$0xFFFFFD00 ss:$0x1], $0xffff  }
0x120: {  	v48 =	vld.idx.msk [tilespmem:v18+s0+$0xFFFFFD00 ss:$0x1], $0xffff  }
0x121: {  	v49 =	vld.idx.msk [tilespmem:v19+s0+$0xFFFFFD80 ss:$0x1], $0xffff  }
0x122: {  	v50 =	vld.idx.msk [tilespmem:v18+s0+$0xFFFFFD80 ss:$0x1], $0xffff  }
0x123: {  	v51 =	vld.idx.msk [tilespmem:v19+s0+$0xFFFFFE00 ss:$0x1], $0xffff  }
0x124: {  	v52 =	vld.idx.msk [tilespmem:v18+s0+$0xFFFFFE00 ss:$0x1], $0xffff  }
0x125: {  	v53 =	vld.idx.msk [tilespmem:v19+s0+$0xFFFFFE80 ss:$0x1], $0xffff  }
0x126: {  	v54 =	vld.idx.msk [tilespmem:v18+s0+$0xFFFFFE80 ss:$0x1], $0xffff  }
0x127: {  	v55 =	vld.idx.msk [tilespmem:v19+s0+$0xFFFFFF00 ss:$0x1], $0xffff  }
0x128: {  	v56 =	vld.idx.msk [tilespmem:v18+s0+$0xFFFFFF00 ss:$0x1], $0xffff  }
0x129: {  	v57 =	vld.idx.msk [tilespmem:v19+s0+$0xFFFFFF80 ss:$0x1], $0xffff  }
0x12a: {  	v58 =	vld.idx.msk [tilespmem:v18+s0+$0xFFFFFF80 ss:$0x1], $0xffff  }
0x12b: {  	v59 =	vld.idx.msk [tilespmem:v19+s0+$0x0 ss:$0x1], $0xffff  }
0x12c: {  	v60 =	vld.idx.msk [tilespmem:v18+s0+$0x0 ss:$0x1], $0xffff  }
0x12d: {  	v61 =	vld.idx.msk [tilespmem:v19+s0+$0x80 ss:$0x1], $0xffff  }
0x12e: {  	v62 =	vld.idx.msk [tilespmem:v18+s0+$0x80 ss:$0x1], $0xffff;
	v36 =	vmul.f32 v38, v36  }
0x12f: {  	v63 =	vld.idx.msk [tilespmem:v19+s0+$0x100 ss:$0x1], $0xffff;
	v37 =	vmul.f32 v40, v37  }
0x130: {  	v38 =	vld.idx.msk [tilespmem:v18+s0+$0x100 ss:$0x1], $0xffff;
	v40 =	vmul.f32 v44, v20;
	v36 =	vmul.f32 v36, v20  }
0x131: {  	v33 =	vadd.f32 v43, v33;
	v43 =	vld.idx.msk [tilespmem:v18+s0+$0x200 ss:$0x1], $0xffff;
	v39 =	vmul.f32 v42, v39;
	v37 =	vmul.f32 v37, v20  }
0x132: {  	v44 =	vld.idx.msk [tilespmem:v19+s0+$0x280 ss:$0x1], $0xffff;
	v0 =	vmul.f32 v0, v41;
	v1 =	vmul.f32 v2, v1  }
0x133: {  	v42 =	vld.idx.msk [tilespmem:v19+s0+$0x180 ss:$0x1], $0xffff;
	v20 =	vmul.f32 v39, v20;
	v39 =	vmul.f32 v46, v45  }
0x134: {  	v35 =	vadd.f32 v40, v35;
	v41 =	vld.idx.msk [tilespmem:v18+s0+$0x180 ss:$0x1], $0xffff;
	v40 =	vmul.f32 v48, v47;
	v49 =	vmul.f32 v50, v49  }
0x135: {  	v2 =	vld.idx.msk [tilespmem:v19+s0+$0x200 ss:$0x1], $0xffff;
	v53 =	vmul.f32 v54, v53;
	v1 =	vmul.f32 v1, v3  }
0x136: {  	v34 =	vadd.f32 v36, v34;
	v50 =	vld.idx.msk [tilespmem:v18+s0+$0x280 ss:$0x1], $0xffff;
	v54 =	vmul.f32 v56, v55;
	v48 =	vmul.f32 v39, v3  }
0x137: {  	v19 =	vld.idx.msk [tilespmem:v19+s0+$0x300 ss:$0x1], $0xffff;
	v57 =	vmul.f32 v58, v57;
	v40 =	vmul.f32 v40, v3;
	v1 =	vadd.f32 v1, v26  }
0x138: {  	v18 =	vld.idx.msk [tilespmem:v18+s0+$0x300 ss:$0x1], $0xffff;
	v59 =	vmul.f32 v60, v59;
	v39 =	vmul.f32 v49, v3;
	v27 =	vadd.f32 v48, v27  }
0x139: {  	v61 =	vmul.f32 v62, v61;
	v62 =	vmul.f32 v57, v3;
	v28 =	vadd.f32 v40, v28;
	[tilespmem:$0x16300] =	vst v1  }
0x13a: {  	v38 =	vmul.f32 v38, v63;
	v36 =	vmul.f32 v59, v3;
	v56 =	vadd.f32 v39, v29;
	[tilespmem:$0x16380] =	vst v27  }
0x13b: {  	v52 =	vmul.f32 v52, v51;
	v0 =	vmul.f32 v0, v3;
	v39 =	vadd.f32 v62, v25;
	[tilespmem:$0x16400] =	vst v28  }
0x13c: {  	v47 =	vmul.f32 v38, v3;
	v24 =	vadd.f32 v36, v24;
	[tilespmem:$0x16480] =	vst v56  }
0x13d: {  	v55 =	vmul.f32 v52, v3;
	v0 =	vadd.f32 v0, v17;
	[tilespmem:$0x16680] =	vst v39  }
0x13e: {  	v58 =	vmul.f32 v53, v3;
	v49 =	vmul.f32 v50, v44;
	v50 =	vadd.f32 v47, v33;
	[tilespmem:$0x16700] =	vst v24  }
0x13f: {  	v60 =	vmul.f32 v54, v3;
	v46 =	vmul.f32 v41, v42;
	v1 =	vadd.f32 v55, v30;
	[tilespmem:$0x16A80] =	vst v0  }
0x140: {  	v40 =	vmul.f32 v61, v3;
	v18 =	vmul.f32 v18, v19;
	v27 =	vadd.f32 v58, v31;
	[tilespmem:$0x16800] =	vst v50  }
0x141: {  	v2 =	vmul.f32 v43, v2;
	v28 =	vadd.f32 v60, v32;
	v48 =	vmul.f32 v46, v3;
	[tilespmem:$0x16500] =	vst v1  }
0x142: {  	v20 =	vadd.f32 v20, v21;
	v54 =	vld [tilespmem:$0x1FFC0];
	v22 =	vadd.f32 v40, v22;
	v18 =	vmul.f32 v18, v3;
	[tilespmem:$0x16580] =	vst v27  }
0x143: {  	v2 =	vmul.f32 v2, v3;
	[tilespmem:$0x16600] =	vst v28;
	v51 =	vadd.f32 v48, v35  }
0x144: {  	v19 =	vadd.f32 v37, v23;
	v55 =	vld [tilespmem:$0x1FFD0];
	v52 =	vmul.f32 v49, v3;
	[tilespmem:$0x16780] =	vst v22;
	v3 =	vadd.f32 v18, v20  }
0x145: {  	v2 =	vadd.f32 v2, v34;
	[tilespmem:$0x16880] =	vst v51  }
0x146: {  	v53 =	vadd.f32 v52, v19;
	[tilespmem:$0x16A00] =	vst v3;
	v3 =	vld [tilespmem:$0x1FFE0]  }
0x147: {  	[tilespmem:$0x16900] =	vst v2  }
0x148: {  	v56 =	vld [tilespmem:$0x1FFF0];
	[tilespmem:$0x16980] =	vst v53  }
0x149: {  	v0 =	vld.idx.msk [tilespmem:v4+s22+$0x0], $0xffff  }
0x14a: {  	v1 =	vld.idx.msk [tilespmem:v54+s22+$0x0], $0xffff;
	_ =	sdelay $0x1  }
0x14b: {  	v2 =	vld.idx.msk [tilespmem:v55+s22+$0x0], $0xffff;
	_ =	sdelay $0x1  }
0x14c: {  	v3 =	vld.idx.msk [tilespmem:v3+s22+$0x0], $0xffff  }
0x14d: {  	v0 =	vadd.f32 v1, v0  }
0x14e: {  	v1 =	vld.idx.msk [tilespmem:v56+s22+$0x0], $0xffff  }
0x14f: {  	v0 =	vadd.f32 v2, v0  }
0x150: {  	v57 =	vld.idx.msk [tilespmem:v5+s22+$0x0], $0xffff  }
0x151: {  	v0 =	vadd.f32 v3, v0  }
0x152: {  	v3 =	vld.idx.msk [tilespmem:v6+s22+$0x0], $0xffff  }
0x153: {  	v0 =	vadd.f32 v1, v0  }
0x154: {  	v58 =	vld.idx.msk [tilespmem:v7+s22+$0x0], $0xffff  }
0x155: {  	v0 =	vadd.f32 v57, v0  }
0x156: {  	v59 =	vld.idx.msk [tilespmem:v8+s22+$0x0], $0xffff  }
0x157: {  	v0 =	vadd.f32 v3, v0  }
0x158: {  	v3 =	vld.idx.msk [tilespmem:v9+s22+$0x0], $0xffff  }
0x159: {  	v0 =	vadd.f32 v58, v0  }
0x15a: {  	v60 =	vld.idx.msk [tilespmem:v10+s22+$0x0], $0xffff  }
0x15b: {  	v0 =	vadd.f32 v59, v0  }
0x15c: {  	v61 =	vld.idx.msk [tilespmem:v11+s22+$0x0], $0xffff  }
0x15d: {  	v0 =	vadd.f32 v3, v0  }
0x15e: {  	v3 =	vld.idx.msk [tilespmem:v12+s22+$0x0], $0xffff  }
0x15f: {  	v0 =	vadd.f32 v60, v0  }
0x160: {  	v62 =	vld.idx.msk [tilespmem:v13+s22+$0x0], $0xffff  }
0x161: {  	v0 =	vadd.f32 v61, v0  }
0x162: {  	v63 =	vld.idx.msk [tilespmem:v14+s22+$0x0], $0xffff  }
0x163: {  	v0 =	vadd.f32 v3, v0  }
0x164: {  	v3 =	vld.idx.msk [tilespmem:v15+s22+$0x0], $0xffff  }
0x165: {  	s31 =	sshll.u32 s28, $0x4;
	s28 =	sadd.s32 $0x1, s28;
	v0 =	vadd.f32 v62, v0  }
0x166: {  	p1 =	sne.s32 s28, $0x4  }
.Ltmp3:
0x167: {  	v0 =	vadd.f32 v63, v0;
	(pc) =	sbr.rel @p1 .LBB2_7-.Ltmp3, $4  }
0x168: {  	_ = 	snop  }
0x169: {  	v0 =	vadd.f32 v3, v0  }
0x16a: {  	s0 =	sand.u32 $0x3FFFFFF0, s31  }
0x16b: {  	s29 =	sadd.s32 $0x800, s29;
	s30 =	sadd.s32 $0x800, s30;
	[tilespmem:v16+s0+$0x0 ss:$0x1] =	vst.idx.msk $0xffff, v0  }
0x16c: {  	s26 =	sadd.s32 $0x1, s26  }
0x16d: {  	p1 =	sne.s32 s26, s8  }
.Ltmp4:
0x16e: {  	_ = 	snop;
	(pc) =	sbr.rel @p1 .LBB2_2-.Ltmp4, $1  }
0x16f: {  	_ =	sdelay $0x3  }
0x170: {  	_ =	swait.ge [sflag:s19], $0x2000  }
0x171: {  	[sflag:s19] =	ssyncset.done $0x0  }
0x172: {  	[sflag:s19] =	ssyncadd.s32 $0xFFFFE000  }
0x173: {  	_ =	swait.ge [sflag:s19], $0x2000  }
0x174: {  	[sflag:s19] =	ssyncset.done $0x0  }
0x175: {  	[sflag:s19] =	ssyncadd.s32 $0xFFFFE000  }
0x176: {  	[hbm4b:s10+s5] =	stream.linear.scatter [tilespmem:s24], [sflag:$0x3], $0x2F80, $0x38;
	[tilespmem:$0x16B00] =	vst v63  }
0x177: {  	_ =	swait.ge [sflag:s13], $0x2F80  }
0x178: {  	s0 =	simm.s32 @!p0 $0x0;
	s25 =	sadd.s32 $0x1, s25;
	[sflag:s13] =	ssyncset.done $0x0  }
0x179: {  	s3 =	simm.s32 @!p0 $0x14680;
	p1 =	sne.s32 s25, s12;
	[sflag:s13] =	ssyncadd.s32 $0xFFFFD080  }
0x17a: {  	[hbm4b:s11+s0] =	stream.linear.scatter @!p0 [tilespmem:s3], [sflag:$0x3], $0x1C00, $0x38;
	[tilespmem:$0x16B00] =	vst v63  }
.Ltmp5:
0x17b: {  	_ = 	snop;
	(pc) =	sbr.rel @p1 .LBB2_1-.Ltmp5, $4  }
0x17c: {  	s0 =	simm.s32 @!p0 $0x3  }
0x17d: {  	_ =	swait.ge @!p0 [sflag:s0], $0x1C00  }
0x17e: {  	[sflag:s0] =	ssyncset.done @!p0 $0x0  }
0x17f: {  	[sflag:s0] =	ssyncadd.s32 @!p0 $0xFFFFE400  }
0x180: {  	_ =	sfence.sel $0x180000  }
0x181: {  	[bflag:$0x0] =	sbarrier.arrive $0xFFFF  }
0x182: {  	_ =	strace $0x90000047  }
0x183: {  	s0 =	stileid.u32;
	[bflag:$0x2] =	sbarrier.arrive $0xFFFF  }
0x184: {  	p0 =	sne.s32 s0, $0x0;
	s0 =	rddreg [dreg:$0x4]  }
0x185: {  	s0 =	sadd.s32 @!p0 $0x100000, s0  }
0x186: {  	[sflag:s0] =	ssyncadd.tile.s32 @!p0 $0x1;
	_ =	shalt  }
.Lfunc_end2:
_tile_overlayer_lowered:
.L_overlay_start_2:
0x187: {  	(tag) =	ssettag $0x2  }
0x188: {  	s0 =	rddreg [dreg:$0x0];
	s2 =	stileid.u32  }
0x189: {  	s1 =	rddreg [dreg:$0x1];
	p0 =	sne.s32 s2, $0x0  }
0x18a: {  	s3 =	rddreg [dreg:$0x2];
	[bflag:$0x3] =	sbarrier.arrive $0xFFFF;
	s2 =	simm.s32 @!p0 $0x1C03  }
0x18b: {  	[timem:s3], [sflag:s2] =	dma.local @!p0 [hbm:s0], s1  }
0x18c: {  	s0 =	simm.s32 @!p0 $0x3  }
0x18d: {  	_ =	swait.ge @!p0 [sflag:s0], s1  }
0x18e: {  	s1 =	ssub.s32 @!p0 $0x0, s1;
	[sflag:s0] =	ssyncset.done @!p0 $0x0  }
0x18f: {  	[sflag:s0] =	ssyncadd.s32 @!p0 s1  }
0x190: {  	[bflag:$0x3] =	sbarrier.arrive $0xFFFF  }
0x191: {  	_ =	shalt  }

</sc_bundles>
